<compile_context>
chip_gen: v7x
topology: tpu7x:2x2x1
jax: 0.10.2.dev20260603
libtpu: 0.0.44.dev20260713+nightly
codegen_flags: <defaults>
</compile_context>

<pallas_src>
import jax
import jax.numpy as jnp
from jax import lax
from jax.experimental import pallas as pl
from jax.experimental.pallas import tpu as pltpu
from jax.experimental.pallas import tpu_sc as plsc

N_NODES = 50000
D_FEAT = 256
G_DIM = 256
NUM_GRAPHS = 256
UNITS = 256
GROUPS = 8
EPS = 1e-3

BLK = 5000
NBLK = N_NODES // BLK


def _pass1_body(x_ref, idx_ref, glob_ref, w0_ref, b0_ref, g0_ref, be0_ref,
                w1_ref, b1_ref, g1_ref, be1_ref, w2_ref, b2_ref,
                logits_ref,
                cg_sc, w0a_sc, w1_sc, p_sc, b0_sc, b1_sc):
    k = pl.program_id(0)

    @pl.when(k == 0)
    def _init():
        gs = UNITS // GROUPS
        ri = jax.lax.broadcasted_iota(jnp.int32, (UNITS, UNITS), 0) // gs
        ci = jax.lax.broadcasted_iota(jnp.int32, (UNITS, UNITS), 1) // gs
        p = (ri == ci).astype(jnp.float32) * (1.0 / gs)
        p_sc[...] = p
        cg = jnp.dot(glob_ref[...], w0_ref[D_FEAT:, :],
                     preferred_element_type=jnp.float32)
        cg_sc[...] = (cg - jnp.dot(cg, p, preferred_element_type=jnp.float32)
                      ).astype(jnp.bfloat16)
        w0a = w0_ref[:D_FEAT, :]
        w0a_sc[...] = w0a - jnp.dot(w0a, p, preferred_element_type=jnp.float32)
        w1 = w1_ref[...]
        w1_sc[...] = w1 - jnp.dot(w1, p, preferred_element_type=jnp.float32)
        b0_sc[...] = b0_ref[...] - jnp.dot(b0_ref[...], p,
                                           preferred_element_type=jnp.float32)
        b1_sc[...] = b1_ref[...] - jnp.dot(b1_ref[...], p,
                                           preferred_element_type=jnp.float32)

    x = x_ref[...]
    idx = idx_ref[0]
    oh_b = idx == jax.lax.broadcasted_iota(jnp.int32, (BLK, NUM_GRAPHS), 1)
    oh = oh_b.astype(jnp.bfloat16)

    hc = (jnp.dot(x, w0a_sc[...], preferred_element_type=jnp.float32)
          + jnp.dot(oh, cg_sc[...], preferred_element_type=jnp.float32)
          + b0_sc[...])
    var = jnp.dot(hc * hc, p_sc[...], preferred_element_type=jnp.float32)
    h = jnp.maximum(hc * jax.lax.rsqrt(var + EPS) * g0_ref[...] + be0_ref[...],
                    0.0)
    hc = jnp.dot(h, w1_sc[...], preferred_element_type=jnp.float32) + b1_sc[...]
    var = jnp.dot(hc * hc, p_sc[...], preferred_element_type=jnp.float32)
    h = jnp.maximum(hc * jax.lax.rsqrt(var + EPS) * g1_ref[...] + be1_ref[...],
                    0.0)
    l = jnp.dot(h, w2_ref[...], preferred_element_type=jnp.float32) + b2_ref[0, 0]
    logits_ref[...] = l


_SC_NW = 32
_SC_NS = 16
_SC_LANES = 16
_SC_PAD = 50176
_SC_CHUNK = _SC_PAD // _SC_NW
_SC_SCHUNK = _SC_PAD // _SC_NS
_SC_UNROLL = 7


def _sc_softmax_body(l_hbm, idx_hbm, att_hbm,
                     l_v, idx_v, att_v, s_v, l2_v, idx2_v, stab_v, red_v,
                     shared_v, sem_l, sem_i, sem_l2, sem_i2):
    cid = lax.axis_index("c")
    sid = lax.axis_index("s")
    wid = sid * 2 + cid
    base = wid * _SC_CHUNK
    sbase = sid * _SC_SCHUNK

    cp_l = pltpu.async_copy(l_hbm.at[pl.ds(base, _SC_CHUNK)], l_v, sem_l)
    cp_i = pltpu.async_copy(idx_hbm.at[pl.ds(base, _SC_CHUNK)], idx_v, sem_i)
    cp_l2 = pltpu.async_copy(l_hbm.at[pl.ds(sbase, _SC_SCHUNK)], l2_v, sem_l2)
    cp_i2 = pltpu.async_copy(idx_hbm.at[pl.ds(sbase, _SC_SCHUNK)], idx2_v,
                             sem_i2)

    for i in range(NUM_GRAPHS // _SC_LANES):
        stab_v[pl.ds(i * _SC_LANES, _SC_LANES)] = jnp.zeros((_SC_LANES,),
                                                            jnp.float32)
    cp_l2.wait()
    cp_i2.wait()

    def sum_step(j, _):
        for u in range(_SC_UNROLL):
            sl = pl.ds((j * _SC_UNROLL + u) * _SC_LANES, _SC_LANES)
            e = jnp.exp(l2_v[sl])
            plsc.addupdate_scatter(stab_v, [idx2_v[sl]], e)
        return 0

    lax.fori_loop(0, _SC_SCHUNK // _SC_LANES // _SC_UNROLL, sum_step, 0)

    pltpu.sync_copy(stab_v, shared_v.at[sid])
    plsc.subcore_barrier()
    pltpu.sync_copy(shared_v, red_v)
    for i in range(NUM_GRAPHS // _SC_LANES):
        sl = pl.ds(i * _SC_LANES, _SC_LANES)
        acc = red_v[0, sl]
        for r in range(1, _SC_NS):
            acc = acc + red_v[r, sl]
        s_v[sl] = acc

    cp_l.wait()
    cp_i.wait()

    def norm_step(j, _):
        for u in range(_SC_UNROLL):
            sl = pl.ds((j * _SC_UNROLL + u) * _SC_LANES, _SC_LANES)
            sg = plsc.load_gather(s_v, [idx_v[sl]])
            att_v[sl] = jnp.exp(l_v[sl]) / sg
        return 0

    lax.fori_loop(0, _SC_CHUNK // _SC_LANES // _SC_UNROLL, norm_step, 0)
    pltpu.sync_copy(att_v, att_hbm.at[pl.ds(base, _SC_CHUNK)])


_sc_softmax = pl.kernel(
    _sc_softmax_body,
    out_type=jax.ShapeDtypeStruct((_SC_PAD,), jnp.float32),
    mesh=plsc.VectorSubcoreMesh(core_axis_name="c", subcore_axis_name="s"),
    scratch_types=[
        pltpu.VMEM((_SC_CHUNK,), jnp.float32),
        pltpu.VMEM((_SC_CHUNK,), jnp.int32),
        pltpu.VMEM((_SC_CHUNK,), jnp.float32),
        pltpu.VMEM((NUM_GRAPHS,), jnp.float32),
        pltpu.VMEM((_SC_SCHUNK,), jnp.float32),
        pltpu.VMEM((_SC_SCHUNK,), jnp.int32),
        pltpu.VMEM((NUM_GRAPHS,), jnp.float32),
        pltpu.VMEM((_SC_NS, NUM_GRAPHS), jnp.float32),
        pltpu.VMEM_SHARED((_SC_NS, NUM_GRAPHS), jnp.float32),
        pltpu.SemaphoreType.DMA,
        pltpu.SemaphoreType.DMA,
        pltpu.SemaphoreType.DMA,
        pltpu.SemaphoreType.DMA,
    ],
    compiler_params=pltpu.CompilerParams(needs_layout_passes=False),
)


@jax.jit
def kernel(inputs, graph_indices, global_features, W0, b0, gamma0, beta0,
           W1, b1, gamma1, beta1, W2, b2):
    idx3 = graph_indices.astype(jnp.int32).reshape(NBLK, BLK, 1)
    row = lambda v: v.reshape(1, -1)

    logits = pl.pallas_call(
        _pass1_body,
        grid=(NBLK,),
        in_specs=[
            pl.BlockSpec((BLK, D_FEAT), lambda k: (k, 0)),
            pl.BlockSpec((1, BLK, 1), lambda k: (k, 0, 0)),
            pl.BlockSpec((NUM_GRAPHS, G_DIM), lambda k: (0, 0)),
            pl.BlockSpec((D_FEAT + G_DIM, UNITS), lambda k: (0, 0)),
            pl.BlockSpec((1, UNITS), lambda k: (0, 0)),
            pl.BlockSpec((1, UNITS), lambda k: (0, 0)),
            pl.BlockSpec((1, UNITS), lambda k: (0, 0)),
            pl.BlockSpec((UNITS, UNITS), lambda k: (0, 0)),
            pl.BlockSpec((1, UNITS), lambda k: (0, 0)),
            pl.BlockSpec((1, UNITS), lambda k: (0, 0)),
            pl.BlockSpec((1, UNITS), lambda k: (0, 0)),
            pl.BlockSpec((UNITS, 1), lambda k: (0, 0)),
            pl.BlockSpec((1, 1), lambda k: (0, 0)),
        ],
        out_specs=pl.BlockSpec((BLK, 1), lambda k: (k, 0)),
        out_shape=jax.ShapeDtypeStruct((N_NODES, 1), jnp.float32),
        scratch_shapes=[
            pltpu.VMEM((G_DIM, UNITS), jnp.bfloat16),
            pltpu.VMEM((D_FEAT, UNITS), jnp.float32),
            pltpu.VMEM((UNITS, UNITS), jnp.float32),
            pltpu.VMEM((UNITS, UNITS), jnp.float32),
            pltpu.VMEM((1, UNITS), jnp.float32),
            pltpu.VMEM((1, UNITS), jnp.float32),
        ],
        compiler_params=pltpu.CompilerParams(
            dimension_semantics=("arbitrary",)),
    )(inputs, idx3, global_features, W0, row(b0), row(gamma0), row(beta0),
      W1, row(b1), row(gamma1), row(beta1), W2, b2.reshape(1, 1))

    l_pad = jnp.pad(logits.reshape(N_NODES), (0, _SC_PAD - N_NODES),
                    constant_values=-1e4)
    i_pad = jnp.pad(graph_indices.astype(jnp.int32), (0, _SC_PAD - N_NODES))
    att = _sc_softmax(l_pad, i_pad)
    return att[:N_NODES, None]

# --- scband reference (transcript-rebuilt; emitter-appended) ---
"""Pipeline reference for scband-global-attention-module-47974784696413 (READ-ONLY COPY).

The authoritative reference and input builder live on the scoring server;
editing this copy changes nothing except your own understanding.
"""

import jax, jax.numpy as jnp
import numpy as np

N_NODES = 50000
D_FEAT = 256
G_DIM = 256
NUM_GRAPHS = 256
UNITS = 256
GROUPS = 8
EPS = 1e-3


def setup_inputs(seed: int = 0) -> dict:
    key = jax.random.key(seed)
    ks = jax.random.split(key, 8)
    inputs = jax.random.normal(ks[0], (N_NODES, D_FEAT), dtype=jnp.float32)
    graph_indices = jnp.sort(jax.random.randint(ks[1], (N_NODES,), 0, NUM_GRAPHS))
    global_features = jax.random.normal(ks[2], (NUM_GRAPHS, G_DIM), dtype=jnp.float32)
    d_in = D_FEAT + G_DIM
    W0 = jax.random.normal(ks[3], (d_in, UNITS), dtype=jnp.float32) * (1.0 / np.sqrt(d_in))
    b0 = jnp.zeros((UNITS,), jnp.float32)
    gamma0 = jnp.ones((UNITS,), jnp.float32)
    beta0 = jnp.zeros((UNITS,), jnp.float32)
    W1 = jax.random.normal(ks[4], (UNITS, UNITS), dtype=jnp.float32) * (1.0 / np.sqrt(UNITS))
    b1 = jnp.zeros((UNITS,), jnp.float32)
    gamma1 = jnp.ones((UNITS,), jnp.float32)
    beta1 = jnp.zeros((UNITS,), jnp.float32)
    W2 = jax.random.normal(ks[5], (UNITS, 1), dtype=jnp.float32) * (1.0 / np.sqrt(UNITS))
    b2 = jnp.zeros((1,), jnp.float32)
    return {
        "inputs": inputs,
        "graph_indices": graph_indices,
        "global_features": global_features,
        "W0": W0, "b0": b0, "gamma0": gamma0, "beta0": beta0,
        "W1": W1, "b1": b1, "gamma1": gamma1, "beta1": beta1,
        "W2": W2, "b2": b2,
    }


def _group_norm(x, gamma, beta):
    n, c = x.shape
    xg = x.reshape(n, GROUPS, c // GROUPS)
    mean = jnp.mean(xg, axis=-1, keepdims=True)
    var = jnp.var(xg, axis=-1, keepdims=True)
    xn = (xg - mean) / jnp.sqrt(var + EPS)
    return xn.reshape(n, c) * gamma + beta


def _segment_softmax(logits, seg_ids, num_segments):
    seg_max = jax.ops.segment_max(logits, seg_ids, num_segments=num_segments)
    shifted = logits - seg_max[seg_ids]
    e = jnp.exp(shifted)
    denom = jax.ops.segment_sum(e, seg_ids, num_segments=num_segments)
    return e / denom[seg_ids]


def reference(inputs, graph_indices, global_features, W0, b0, gamma0, beta0, W1, b1, gamma1, beta1, W2, b2):
    global_repeated = jnp.take(global_features, graph_indices, axis=0)
    x = jnp.concatenate([inputs, global_repeated], axis=-1)
    x = x @ W0 + b0
    x = _group_norm(x, gamma0, beta0)
    x = jax.nn.relu(x)
    x = x @ W1 + b1
    x = _group_norm(x, gamma1, beta1)
    x = jax.nn.relu(x)
    x = x @ W2 + b2
    logits = jnp.squeeze(x, -1)
    attention = _segment_softmax(logits, graph_indices, NUM_GRAPHS)
    return jnp.expand_dims(attention, -1)

if __name__ == "__main__":
    import jax
    _d = setup_inputs()
    print(jax.jit(kernel)(*tuple(_d.values())))

</pallas_src>

<mosaic_0001>
#map = affine_map<(d0, d1) -> (0)>
module attributes {stable_mosaic.version = 14 : i64} {
  func.func @_sc_softmax_body(%arg0: i32, %arg1: i32, %arg2: memref<50176xf32, #tpu.memory_space<hbm>>, %arg3: memref<50176xi32, #tpu.memory_space<hbm>>, %arg4: memref<50176xf32, #tpu.memory_space<hbm>>, %arg5: memref<1568xf32, #tpu.memory_space<vmem>>, %arg6: memref<1568xi32, #tpu.memory_space<vmem>>, %arg7: memref<1568xf32, #tpu.memory_space<vmem>>, %arg8: memref<256xf32, #tpu.memory_space<vmem>>, %arg9: memref<3136xf32, #tpu.memory_space<vmem>>, %arg10: memref<3136xi32, #tpu.memory_space<vmem>>, %arg11: memref<256xf32, #tpu.memory_space<vmem>>, %arg12: memref<16x256xf32, #tpu.memory_space<vmem>>, %arg13: memref<16x256xf32, #tpu.memory_space<vmem_shared>>, %arg14: memref<!tpu.dma_semaphore, #tpu.memory_space<semaphore_mem>>, %arg15: memref<!tpu.dma_semaphore, #tpu.memory_space<semaphore_mem>>, %arg16: memref<!tpu.dma_semaphore, #tpu.memory_space<semaphore_mem>>, %arg17: memref<!tpu.dma_semaphore, #tpu.memory_space<semaphore_mem>>) attributes {dimension_semantics = [#tpu.dimension_semantics<core_parallel>, #tpu.dimension_semantics<subcore_parallel>], iteration_bounds = array<i64: 2, 16>, scalar_prefetch = 0 : i64, scratch_operands = 13 : i64, tpu.core_type = #tpu.core_type<sc_vector_subcore>, window_params = [{transform_indices = #map}, {transform_indices = #map}, {transform_indices = #map}]} {
    %mul3A = arith.constant 2 : i32
    %mul3A_0 = arith.muli %arg1, %mul3A : i32
    %add3A = arith.addi %mul3A_0, %arg0 : i32
    %mul3A_1 = arith.constant 1568 : i32
    %mul3A_2 = arith.muli %add3A, %mul3A_1 : i32
    %mul3A_3 = arith.constant 3136 : i32
    %mul3A_4 = arith.muli %arg1, %mul3A_3 : i32
    %dma_start3A = tpu.memref_slice %arg2[%mul3A_2] : memref<50176xf32, #tpu.memory_space<hbm>> -> memref<1568xf32, #tpu.memory_space<hbm>>
    %dma_start3A_5 = tpu.memref_slice %arg2[%mul3A_2] : memref<50176xf32, #tpu.memory_space<hbm>> -> memref<1568xf32, #tpu.memory_space<hbm>>
    tpu.enqueue_dma source(%dma_start3A_5 : memref<1568xf32, #tpu.memory_space<hbm>>) target(%arg5 : memref<1568xf32, #tpu.memory_space<vmem>>) target_semaphore(%arg14 : memref<!tpu.dma_semaphore, #tpu.memory_space<semaphore_mem>>)
    %dma_start3A_6 = tpu.memref_slice %arg3[%mul3A_2] : memref<50176xi32, #tpu.memory_space<hbm>> -> memref<1568xi32, #tpu.memory_space<hbm>>
    %dma_start3A_7 = tpu.memref_slice %arg3[%mul3A_2] : memref<50176xi32, #tpu.memory_space<hbm>> -> memref<1568xi32, #tpu.memory_space<hbm>>
    tpu.enqueue_dma source(%dma_start3A_7 : memref<1568xi32, #tpu.memory_space<hbm>>) target(%arg6 : memref<1568xi32, #tpu.memory_space<vmem>>) target_semaphore(%arg15 : memref<!tpu.dma_semaphore, #tpu.memory_space<semaphore_mem>>)
    %dma_start3A_8 = tpu.memref_slice %arg2[%mul3A_4] : memref<50176xf32, #tpu.memory_space<hbm>> -> memref<3136xf32, #tpu.memory_space<hbm>>
    %dma_start3A_9 = tpu.memref_slice %arg2[%mul3A_4] : memref<50176xf32, #tpu.memory_space<hbm>> -> memref<3136xf32, #tpu.memory_space<hbm>>
    tpu.enqueue_dma source(%dma_start3A_9 : memref<3136xf32, #tpu.memory_space<hbm>>) target(%arg9 : memref<3136xf32, #tpu.memory_space<vmem>>) target_semaphore(%arg16 : memref<!tpu.dma_semaphore, #tpu.memory_space<semaphore_mem>>)
    %dma_start3A_10 = tpu.memref_slice %arg3[%mul3A_4] : memref<50176xi32, #tpu.memory_space<hbm>> -> memref<3136xi32, #tpu.memory_space<hbm>>
    %dma_start3A_11 = tpu.memref_slice %arg3[%mul3A_4] : memref<50176xi32, #tpu.memory_space<hbm>> -> memref<3136xi32, #tpu.memory_space<hbm>>
    tpu.enqueue_dma source(%dma_start3A_11 : memref<3136xi32, #tpu.memory_space<hbm>>) target(%arg10 : memref<3136xi32, #tpu.memory_space<vmem>>) target_semaphore(%arg17 : memref<!tpu.dma_semaphore, #tpu.memory_space<semaphore_mem>>)
    %broadcast_in_dim3A = arith.constant 0.000000e+00 : f32
    %broadcast_in_dim3A_12 = vector.broadcast %broadcast_in_dim3A : f32 to vector<16xf32>
    %swap3A = arith.constant 0 : index
    %swap3A_13 = tpu.vector_load %arg11[%swap3A] {strides = array<i32>} : memref<256xf32, #tpu.memory_space<vmem>>, vector<16xf32>,
    tpu.vector_store %arg11[%swap3A], %broadcast_in_dim3A_12 {strides = array<i32>} : memref<256xf32, #tpu.memory_space<vmem>>, vector<16xf32>,
    %broadcast_in_dim3A_14 = arith.constant 0.000000e+00 : f32
    %broadcast_in_dim3A_15 = vector.broadcast %broadcast_in_dim3A_14 : f32 to vector<16xf32>
    %swap3A_16 = arith.constant 16 : index
    %swap3A_17 = tpu.vector_load %arg11[%swap3A_16] {strides = array<i32>} : memref<256xf32, #tpu.memory_space<vmem>>, vector<16xf32>,
    tpu.vector_store %arg11[%swap3A_16], %broadcast_in_dim3A_15 {strides = array<i32>} : memref<256xf32, #tpu.memory_space<vmem>>, vector<16xf32>,
    %broadcast_in_dim3A_18 = arith.constant 0.000000e+00 : f32
    %broadcast_in_dim3A_19 = vector.broadcast %broadcast_in_dim3A_18 : f32 to vector<16xf32>
    %swap3A_20 = arith.constant 32 : index
    %swap3A_21 = tpu.vector_load %arg11[%swap3A_20] {strides = array<i32>} : memref<256xf32, #tpu.memory_space<vmem>>, vector<16xf32>,
    tpu.vector_store %arg11[%swap3A_20], %broadcast_in_dim3A_19 {strides = array<i32>} : memref<256xf32, #tpu.memory_space<vmem>>, vector<16xf32>,
    %broadcast_in_dim3A_22 = arith.constant 0.000000e+00 : f32
    %broadcast_in_dim3A_23 = vector.broadcast %broadcast_in_dim3A_22 : f32 to vector<16xf32>
    %swap3A_24 = arith.constant 48 : index
    %swap3A_25 = tpu.vector_load %arg11[%swap3A_24] {strides = array<i32>} : memref<256xf32, #tpu.memory_space<vmem>>, vector<16xf32>,
    tpu.vector_store %arg11[%swap3A_24], %broadcast_in_dim3A_23 {strides = array<i32>} : memref<256xf32, #tpu.memory_space<vmem>>, vector<16xf32>,
    %broadcast_in_dim3A_26 = arith.constant 0.000000e+00 : f32
    %broadcast_in_dim3A_27 = vector.broadcast %broadcast_in_dim3A_26 : f32 to vector<16xf32>
    %swap3A_28 = arith.constant 64 : index
    %swap3A_29 = tpu.vector_load %arg11[%swap3A_28] {strides = array<i32>} : memref<256xf32, #tpu.memory_space<vmem>>, vector<16xf32>,
    tpu.vector_store %arg11[%swap3A_28], %broadcast_in_dim3A_27 {strides = array<i32>} : memref<256xf32, #tpu.memory_space<vmem>>, vector<16xf32>,
    %broadcast_in_dim3A_30 = arith.constant 0.000000e+00 : f32
    %broadcast_in_dim3A_31 = vector.broadcast %broadcast_in_dim3A_30 : f32 to vector<16xf32>
    %swap3A_32 = arith.constant 80 : index
    %swap3A_33 = tpu.vector_load %arg11[%swap3A_32] {strides = array<i32>} : memref<256xf32, #tpu.memory_space<vmem>>, vector<16xf32>,
    tpu.vector_store %arg11[%swap3A_32], %broadcast_in_dim3A_31 {strides = array<i32>} : memref<256xf32, #tpu.memory_space<vmem>>, vector<16xf32>,
    %broadcast_in_dim3A_34 = arith.constant 0.000000e+00 : f32
    %broadcast_in_dim3A_35 = vector.broadcast %broadcast_in_dim3A_34 : f32 to vector<16xf32>
    %swap3A_36 = arith.constant 96 : index
    %swap3A_37 = tpu.vector_load %arg11[%swap3A_36] {strides = array<i32>} : memref<256xf32, #tpu.memory_space<vmem>>, vector<16xf32>,
    tpu.vector_store %arg11[%swap3A_36], %broadcast_in_dim3A_35 {strides = array<i32>} : memref<256xf32, #tpu.memory_space<vmem>>, vector<16xf32>,
    %broadcast_in_dim3A_38 = arith.constant 0.000000e+00 : f32
    %broadcast_in_dim3A_39 = vector.broadcast %broadcast_in_dim3A_38 : f32 to vector<16xf32>
    %swap3A_40 = arith.constant 112 : index
    %swap3A_41 = tpu.vector_load %arg11[%swap3A_40] {strides = array<i32>} : memref<256xf32, #tpu.memory_space<vmem>>, vector<16xf32>,
    tpu.vector_store %arg11[%swap3A_40], %broadcast_in_dim3A_39 {strides = array<i32>} : memref<256xf32, #tpu.memory_space<vmem>>, vector<16xf32>,
    %broadcast_in_dim3A_42 = arith.constant 0.000000e+00 : f32
    %broadcast_in_dim3A_43 = vector.broadcast %broadcast_in_dim3A_42 : f32 to vector<16xf32>
    %swap3A_44 = arith.constant 128 : index
    %swap3A_45 = tpu.vector_load %arg11[%swap3A_44] {strides = array<i32>} : memref<256xf32, #tpu.memory_space<vmem>>, vector<16xf32>,
    tpu.vector_store %arg11[%swap3A_44], %broadcast_in_dim3A_43 {strides = array<i32>} : memref<256xf32, #tpu.memory_space<vmem>>, vector<16xf32>,
    %broadcast_in_dim3A_46 = arith.constant 0.000000e+00 : f32
    %broadcast_in_dim3A_47 = vector.broadcast %broadcast_in_dim3A_46 : f32 to vector<16xf32>
    %swap3A_48 = arith.constant 144 : index
    %swap3A_49 = tpu.vector_load %arg11[%swap3A_48] {strides = array<i32>} : memref<256xf32, #tpu.memory_space<vmem>>, vector<16xf32>,
    tpu.vector_store %arg11[%swap3A_48], %broadcast_in_dim3A_47 {strides = array<i32>} : memref<256xf32, #tpu.memory_space<vmem>>, vector<16xf32>,
    %broadcast_in_dim3A_50 = arith.constant 0.000000e+00 : f32
    %broadcast_in_dim3A_51 = vector.broadcast %broadcast_in_dim3A_50 : f32 to vector<16xf32>
    %swap3A_52 = arith.constant 160 : index
    %swap3A_53 = tpu.vector_load %arg11[%swap3A_52] {strides = array<i32>} : memref<256xf32, #tpu.memory_space<vmem>>, vector<16xf32>,
    tpu.vector_store %arg11[%swap3A_52], %broadcast_in_dim3A_51 {strides = array<i32>} : memref<256xf32, #tpu.memory_space<vmem>>, vector<16xf32>,
    %broadcast_in_dim3A_54 = arith.constant 0.000000e+00 : f32
    %broadcast_in_dim3A_55 = vector.broadcast %broadcast_in_dim3A_54 : f32 to vector<16xf32>
    %swap3A_56 = arith.constant 176 : index
    %swap3A_57 = tpu.vector_load %arg11[%swap3A_56] {strides = array<i32>} : memref<256xf32, #tpu.memory_space<vmem>>, vector<16xf32>,
    tpu.vector_store %arg11[%swap3A_56], %broadcast_in_dim3A_55 {strides = array<i32>} : memref<256xf32, #tpu.memory_space<vmem>>, vector<16xf32>,
    %broadcast_in_dim3A_58 = arith.constant 0.000000e+00 : f32
    %broadcast_in_dim3A_59 = vector.broadcast %broadcast_in_dim3A_58 : f32 to vector<16xf32>
    %swap3A_60 = arith.constant 192 : index
    %swap3A_61 = tpu.vector_load %arg11[%swap3A_60] {strides = array<i32>} : memref<256xf32, #tpu.memory_space<vmem>>, vector<16xf32>,
    tpu.vector_store %arg11[%swap3A_60], %broadcast_in_dim3A_59 {strides = array<i32>} : memref<256xf32, #tpu.memory_space<vmem>>, vector<16xf32>,
    %broadcast_in_dim3A_62 = arith.constant 0.000000e+00 : f32
    %broadcast_in_dim3A_63 = vector.broadcast %broadcast_in_dim3A_62 : f32 to vector<16xf32>
    %swap3A_64 = arith.constant 208 : index
    %swap3A_65 = tpu.vector_load %arg11[%swap3A_64] {strides = array<i32>} : memref<256xf32, #tpu.memory_space<vmem>>, vector<16xf32>,
    tpu.vector_store %arg11[%swap3A_64], %broadcast_in_dim3A_63 {strides = array<i32>} : memref<256xf32, #tpu.memory_space<vmem>>, vector<16xf32>,
    %broadcast_in_dim3A_66 = arith.constant 0.000000e+00 : f32
    %broadcast_in_dim3A_67 = vector.broadcast %broadcast_in_dim3A_66 : f32 to vector<16xf32>
    %swap3A_68 = arith.constant 224 : index
    %swap3A_69 = tpu.vector_load %arg11[%swap3A_68] {strides = array<i32>} : memref<256xf32, #tpu.memory_space<vmem>>, vector<16xf32>,
    tpu.vector_store %arg11[%swap3A_68], %broadcast_in_dim3A_67 {strides = array<i32>} : memref<256xf32, #tpu.memory_space<vmem>>, vector<16xf32>,
    %broadcast_in_dim3A_70 = arith.constant 0.000000e+00 : f32
    %broadcast_in_dim3A_71 = vector.broadcast %broadcast_in_dim3A_70 : f32 to vector<16xf32>
    %swap3A_72 = arith.constant 240 : index
    %swap3A_73 = tpu.vector_load %arg11[%swap3A_72] {strides = array<i32>} : memref<256xf32, #tpu.memory_space<vmem>>, vector<16xf32>,
    tpu.vector_store %arg11[%swap3A_72], %broadcast_in_dim3A_71 {strides = array<i32>} : memref<256xf32, #tpu.memory_space<vmem>>, vector<16xf32>,
    %dma_wait3A = tpu.memref_slice %arg2[%mul3A_4] : memref<50176xf32, #tpu.memory_space<hbm>> -> memref<3136xf32, #tpu.memory_space<hbm>>
    %dma_wait3A_74 = tpu.memref_slice %arg2[%mul3A_4] : memref<50176xf32, #tpu.memory_space<hbm>> -> memref<3136xf32, #tpu.memory_space<hbm>>
    tpu.wait_dma2 semaphore(%arg16 : memref<!tpu.dma_semaphore, #tpu.memory_space<semaphore_mem>>) src(%dma_wait3A_74 : memref<3136xf32, #tpu.memory_space<hbm>>) dst(%arg9 : memref<3136xf32, #tpu.memory_space<vmem>>)
    %dma_wait3A_75 = tpu.memref_slice %arg3[%mul3A_4] : memref<50176xi32, #tpu.memory_space<hbm>> -> memref<3136xi32, #tpu.memory_space<hbm>>
    %dma_wait3A_76 = tpu.memref_slice %arg3[%mul3A_4] : memref<50176xi32, #tpu.memory_space<hbm>> -> memref<3136xi32, #tpu.memory_space<hbm>>
    tpu.wait_dma2 semaphore(%arg17 : memref<!tpu.dma_semaphore, #tpu.memory_space<semaphore_mem>>) src(%dma_wait3A_76 : memref<3136xi32, #tpu.memory_space<hbm>>) dst(%arg10 : memref<3136xi32, #tpu.memory_space<vmem>>)
    %scan3A = arith.constant 0 : i32
    %scan3A_77 = arith.constant 0 : i32
    %scan3A_78 = arith.constant 28 : i32
    %scan3A_79 = arith.addi %scan3A_77, %scan3A_78 : i32
    %scan3A_80 = arith.constant 1 : i32
    %scan3A_81 = scf.for %scan3A_1389 = %scan3A_77 to %scan3A_79 step %scan3A_80 iter_args(%scan3A_1390 = %scan3A) -> (i32)  : i32 {
      %mul3A_1391 = arith.constant 7 : i32
      %mul3A_1392 = arith.muli %scan3A_1389, %mul3A_1391 : i32
      %add3A_1393 = arith.constant 0 : i32
      %add3A_1394 = arith.addi %mul3A_1392, %add3A_1393 : i32
      %mul3A_1395 = arith.constant 16 : i32
      %mul3A_1396 = arith.muli %add3A_1394, %mul3A_1395 : i32
      %get3A_1397 = arith.index_cast %mul3A_1396 : i32 to index
      %get3A_1398 = tpu.vector_load %arg9[%get3A_1397] {strides = array<i32>} : memref<3136xf32, #tpu.memory_space<vmem>>, vector<16xf32>,
      %exp3A = math.exp %get3A_1398 : vector<16xf32>
      %get3A_1399 = arith.index_cast %mul3A_1396 : i32 to index
      %get3A_1400 = tpu.vector_load %arg10[%get3A_1399] {strides = array<i32>} : memref<3136xi32, #tpu.memory_space<vmem>>, vector<16xi32>,
      tpu.vector_store_idx %arg11[%get3A_1400], %exp3A {add = true} : memref<256xf32, #tpu.memory_space<vmem>>[vector<16xi32>], vector<16xf32>,
      %mul3A_1401 = arith.constant 7 : i32
      %mul3A_1402 = arith.muli %scan3A_1389, %mul3A_1401 : i32
      %add3A_1403 = arith.constant 1 : i32
      %add3A_1404 = arith.addi %mul3A_1402, %add3A_1403 : i32
      %mul3A_1405 = arith.constant 16 : i32
      %mul3A_1406 = arith.muli %add3A_1404, %mul3A_1405 : i32
      %get3A_1407 = arith.index_cast %mul3A_1406 : i32 to index
      %get3A_1408 = tpu.vector_load %arg9[%get3A_1407] {strides = array<i32>} : memref<3136xf32, #tpu.memory_space<vmem>>, vector<16xf32>,
      %exp3A_1409 = math.exp %get3A_1408 : vector<16xf32>
      %get3A_1410 = arith.index_cast %mul3A_1406 : i32 to index
      %get3A_1411 = tpu.vector_load %arg10[%get3A_1410] {strides = array<i32>} : memref<3136xi32, #tpu.memory_space<vmem>>, vector<16xi32>,
      tpu.vector_store_idx %arg11[%get3A_1411], %exp3A_1409 {add = true} : memref<256xf32, #tpu.memory_space<vmem>>[vector<16xi32>], vector<16xf32>,
      %mul3A_1412 = arith.constant 7 : i32
      %mul3A_1413 = arith.muli %scan3A_1389, %mul3A_1412 : i32
      %add3A_1414 = arith.constant 2 : i32
      %add3A_1415 = arith.addi %mul3A_1413, %add3A_1414 : i32
      %mul3A_1416 = arith.constant 16 : i32
      %mul3A_1417 = arith.muli %add3A_1415, %mul3A_1416 : i32
      %get3A_1418 = arith.index_cast %mul3A_1417 : i32 to index
      %get3A_1419 = tpu.vector_load %arg9[%get3A_1418] {strides = array<i32>} : memref<3136xf32, #tpu.memory_space<vmem>>, vector<16xf32>,
      %exp3A_1420 = math.exp %get3A_1419 : vector<16xf32>
      %get3A_1421 = arith.index_cast %mul3A_1417 : i32 to index
      %get3A_1422 = tpu.vector_load %arg10[%get3A_1421] {strides = array<i32>} : memref<3136xi32, #tpu.memory_space<vmem>>, vector<16xi32>,
      tpu.vector_store_idx %arg11[%get3A_1422], %exp3A_1420 {add = true} : memref<256xf32, #tpu.memory_space<vmem>>[vector<16xi32>], vector<16xf32>,
      %mul3A_1423 = arith.constant 7 : i32
      %mul3A_1424 = arith.muli %scan3A_1389, %mul3A_1423 : i32
      %add3A_1425 = arith.constant 3 : i32
      %add3A_1426 = arith.addi %mul3A_1424, %add3A_1425 : i32
      %mul3A_1427 = arith.constant 16 : i32
      %mul3A_1428 = arith.muli %add3A_1426, %mul3A_1427 : i32
      %get3A_1429 = arith.index_cast %mul3A_1428 : i32 to index
      %get3A_1430 = tpu.vector_load %arg9[%get3A_1429] {strides = array<i32>} : memref<3136xf32, #tpu.memory_space<vmem>>, vector<16xf32>,
      %exp3A_1431 = math.exp %get3A_1430 : vector<16xf32>
      %get3A_1432 = arith.index_cast %mul3A_1428 : i32 to index
      %get3A_1433 = tpu.vector_load %arg10[%get3A_1432] {strides = array<i32>} : memref<3136xi32, #tpu.memory_space<vmem>>, vector<16xi32>,
      tpu.vector_store_idx %arg11[%get3A_1433], %exp3A_1431 {add = true} : memref<256xf32, #tpu.memory_space<vmem>>[vector<16xi32>], vector<16xf32>,
      %mul3A_1434 = arith.constant 7 : i32
      %mul3A_1435 = arith.muli %scan3A_1389, %mul3A_1434 : i32
      %add3A_1436 = arith.constant 4 : i32
      %add3A_1437 = arith.addi %mul3A_1435, %add3A_1436 : i32
      %mul3A_1438 = arith.constant 16 : i32
      %mul3A_1439 = arith.muli %add3A_1437, %mul3A_1438 : i32
      %get3A_1440 = arith.index_cast %mul3A_1439 : i32 to index
      %get3A_1441 = tpu.vector_load %arg9[%get3A_1440] {strides = array<i32>} : memref<3136xf32, #tpu.memory_space<vmem>>, vector<16xf32>,
      %exp3A_1442 = math.exp %get3A_1441 : vector<16xf32>
      %get3A_1443 = arith.index_cast %mul3A_1439 : i32 to index
      %get3A_1444 = tpu.vector_load %arg10[%get3A_1443] {strides = array<i32>} : memref<3136xi32, #tpu.memory_space<vmem>>, vector<16xi32>,
      tpu.vector_store_idx %arg11[%get3A_1444], %exp3A_1442 {add = true} : memref<256xf32, #tpu.memory_space<vmem>>[vector<16xi32>], vector<16xf32>,
      %mul3A_1445 = arith.constant 7 : i32
      %mul3A_1446 = arith.muli %scan3A_1389, %mul3A_1445 : i32
      %add3A_1447 = arith.constant 5 : i32
      %add3A_1448 = arith.addi %mul3A_1446, %add3A_1447 : i32
      %mul3A_1449 = arith.constant 16 : i32
      %mul3A_1450 = arith.muli %add3A_1448, %mul3A_1449 : i32
      %get3A_1451 = arith.index_cast %mul3A_1450 : i32 to index
      %get3A_1452 = tpu.vector_load %arg9[%get3A_1451] {strides = array<i32>} : memref<3136xf32, #tpu.memory_space<vmem>>, vector<16xf32>,
      %exp3A_1453 = math.exp %get3A_1452 : vector<16xf32>
      %get3A_1454 = arith.index_cast %mul3A_1450 : i32 to index
      %get3A_1455 = tpu.vector_load %arg10[%get3A_1454] {strides = array<i32>} : memref<3136xi32, #tpu.memory_space<vmem>>, vector<16xi32>,
      tpu.vector_store_idx %arg11[%get3A_1455], %exp3A_1453 {add = true} : memref<256xf32, #tpu.memory_space<vmem>>[vector<16xi32>], vector<16xf32>,
      %mul3A_1456 = arith.constant 7 : i32
      %mul3A_1457 = arith.muli %scan3A_1389, %mul3A_1456 : i32
      %add3A_1458 = arith.constant 6 : i32
      %add3A_1459 = arith.addi %mul3A_1457, %add3A_1458 : i32
      %mul3A_1460 = arith.constant 16 : i32
      %mul3A_1461 = arith.muli %add3A_1459, %mul3A_1460 : i32
      %get3A_1462 = arith.index_cast %mul3A_1461 : i32 to index
      %get3A_1463 = tpu.vector_load %arg9[%get3A_1462] {strides = array<i32>} : memref<3136xf32, #tpu.memory_space<vmem>>, vector<16xf32>,
      %exp3A_1464 = math.exp %get3A_1463 : vector<16xf32>
      %get3A_1465 = arith.index_cast %mul3A_1461 : i32 to index
      %get3A_1466 = tpu.vector_load %arg10[%get3A_1465] {strides = array<i32>} : memref<3136xi32, #tpu.memory_space<vmem>>, vector<16xi32>,
      tpu.vector_store_idx %arg11[%get3A_1466], %exp3A_1464 {add = true} : memref<256xf32, #tpu.memory_space<vmem>>[vector<16xi32>], vector<16xf32>,
      %scan3A_1467 = arith.constant 0 : i32
      scf.yield %scan3A_1467 : i32
    }
    %scan3A_82 = arith.constant 28 : i32
    "tpu.region"() ({
      %run_scoped3A = tpu.sem_alloc : memref<!tpu.dma_semaphore, #tpu.memory_space<semaphore_mem>>
      %dma_start3A_1389 = arith.constant 0 : i32
      %dma_start3A_1390 = tpu.memref_slice %arg13[%arg1, %dma_start3A_1389] : memref<16x256xf32, #tpu.memory_space<vmem_shared>> -> memref<1x256xf32, #tpu.memory_space<vmem_shared>>
      %dma_start3A_1391 = tpu.memref_squeeze %dma_start3A_1390 : memref<1x256xf32, #tpu.memory_space<vmem_shared>> -> memref<256xf32, #tpu.memory_space<vmem_shared>>
      %dma_start3A_1392 = arith.constant 0 : i32
      %dma_start3A_1393 = tpu.memref_slice %arg13[%arg1, %dma_start3A_1392] : memref<16x256xf32, #tpu.memory_space<vmem_shared>> -> memref<1x256xf32, #tpu.memory_space<vmem_shared>>
      %dma_start3A_1394 = tpu.memref_squeeze %dma_start3A_1393 : memref<1x256xf32, #tpu.memory_space<vmem_shared>> -> memref<256xf32, #tpu.memory_space<vmem_shared>>
      tpu.enqueue_dma source(%arg11 : memref<256xf32, #tpu.memory_space<vmem>>) target(%dma_start3A_1394 : memref<256xf32, #tpu.memory_space<vmem_shared>>) target_semaphore(%run_scoped3A : memref<!tpu.dma_semaphore, #tpu.memory_space<semaphore_mem>>)
      %dma_wait3A_1395 = arith.constant 0 : i32
      %dma_wait3A_1396 = tpu.memref_slice %arg13[%arg1, %dma_wait3A_1395] : memref<16x256xf32, #tpu.memory_space<vmem_shared>> -> memref<1x256xf32, #tpu.memory_space<vmem_shared>>
      %dma_wait3A_1397 = tpu.memref_squeeze %dma_wait3A_1396 : memref<1x256xf32, #tpu.memory_space<vmem_shared>> -> memref<256xf32, #tpu.memory_space<vmem_shared>>
      %dma_wait3A_1398 = arith.constant 0 : i32
      %dma_wait3A_1399 = tpu.memref_slice %arg13[%arg1, %dma_wait3A_1398] : memref<16x256xf32, #tpu.memory_space<vmem_shared>> -> memref<1x256xf32, #tpu.memory_space<vmem_shared>>
      %dma_wait3A_1400 = tpu.memref_squeeze %dma_wait3A_1399 : memref<1x256xf32, #tpu.memory_space<vmem_shared>> -> memref<256xf32, #tpu.memory_space<vmem_shared>>
      tpu.wait_dma2 semaphore(%run_scoped3A : memref<!tpu.dma_semaphore, #tpu.memory_space<semaphore_mem>>) src(%arg11 : memref<256xf32, #tpu.memory_space<vmem>>) dst(%dma_wait3A_1400 : memref<256xf32, #tpu.memory_space<vmem_shared>>)
      tpu.yield
    }) : () -> ()
    %barrier3A = arith.constant 0 : index
    tpu.barrier barrier_id(%barrier3A)
    "tpu.region"() ({
      %run_scoped3A = tpu.sem_alloc : memref<!tpu.dma_semaphore, #tpu.memory_space<semaphore_mem>>
      tpu.enqueue_dma source(%arg13 : memref<16x256xf32, #tpu.memory_space<vmem_shared>>) target(%arg12 : memref<16x256xf32, #tpu.memory_space<vmem>>) target_semaphore(%run_scoped3A : memref<!tpu.dma_semaphore, #tpu.memory_space<semaphore_mem>>)
      tpu.wait_dma2 semaphore(%run_scoped3A : memref<!tpu.dma_semaphore, #tpu.memory_space<semaphore_mem>>) src(%arg13 : memref<16x256xf32, #tpu.memory_space<vmem_shared>>) dst(%arg12 : memref<16x256xf32, #tpu.memory_space<vmem>>)
      tpu.yield
    }) : () -> ()
    %get3A = arith.constant 0 : i32
    %get3A_83 = arith.index_cast %get3A : i32 to index
    %get3A_84 = arith.constant 0 : index
    %get3A_85 = tpu.vector_load %arg12[%get3A_83, %get3A_84] {strides = array<i32>} : memref<16x256xf32, #tpu.memory_space<vmem>>, vector<16xf32>,
    %get3A_86 = arith.constant 1 : i32
    %get3A_87 = arith.index_cast %get3A_86 : i32 to index
    %get3A_88 = arith.constant 0 : index
    %get3A_89 = tpu.vector_load %arg12[%get3A_87, %get3A_88] {strides = array<i32>} : memref<16x256xf32, #tpu.memory_space<vmem>>, vector<16xf32>,
    %add3A_90 = arith.addf %get3A_85, %get3A_89 : vector<16xf32>
    %get3A_91 = arith.constant 2 : i32
    %get3A_92 = arith.index_cast %get3A_91 : i32 to index
    %get3A_93 = arith.constant 0 : index
    %get3A_94 = tpu.vector_load %arg12[%get3A_92, %get3A_93] {strides = array<i32>} : memref<16x256xf32, #tpu.memory_space<vmem>>, vector<16xf32>,
    %add3A_95 = arith.addf %add3A_90, %get3A_94 : vector<16xf32>
    %get3A_96 = arith.constant 3 : i32
    %get3A_97 = arith.index_cast %get3A_96 : i32 to index
    %get3A_98 = arith.constant 0 : index
    %get3A_99 = tpu.vector_load %arg12[%get3A_97, %get3A_98] {strides = array<i32>} : memref<16x256xf32, #tpu.memory_space<vmem>>, vector<16xf32>,
    %add3A_100 = arith.addf %add3A_95, %get3A_99 : vector<16xf32>
    %get3A_101 = arith.constant 4 : i32
    %get3A_102 = arith.index_cast %get3A_101 : i32 to index
    %get3A_103 = arith.constant 0 : index
    %get3A_104 = tpu.vector_load %arg12[%get3A_102, %get3A_103] {strides = array<i32>} : memref<16x256xf32, #tpu.memory_space<vmem>>, vector<16xf32>,
    %add3A_105 = arith.addf %add3A_100, %get3A_104 : vector<16xf32>
    %get3A_106 = arith.constant 5 : i32
    %get3A_107 = arith.index_cast %get3A_106 : i32 to index
    %get3A_108 = arith.constant 0 : index
    %get3A_109 = tpu.vector_load %arg12[%get3A_107, %get3A_108] {strides = array<i32>} : memref<16x256xf32, #tpu.memory_space<vmem>>, vector<16xf32>,
    %add3A_110 = arith.addf %add3A_105, %get3A_109 : vector<16xf32>
    %get3A_111 = arith.constant 6 : i32
    %get3A_112 = arith.index_cast %get3A_111 : i32 to index
    %get3A_113 = arith.constant 0 : index
    %get3A_114 = tpu.vector_load %arg12[%get3A_112, %get3A_113] {strides = array<i32>} : memref<16x256xf32, #tpu.memory_space<vmem>>, vector<16xf32>,
    %add3A_115 = arith.addf %add3A_110, %get3A_114 : vector<16xf32>
    %get3A_116 = arith.constant 7 : i32
    %get3A_117 = arith.index_cast %get3A_116 : i32 to index
    %get3A_118 = arith.constant 0 : index
    %get3A_119 = tpu.vector_load %arg12[%get3A_117, %get3A_118] {strides = array<i32>} : memref<16x256xf32, #tpu.memory_space<vmem>>, vector<16xf32>,
    %add3A_120 = arith.addf %add3A_115, %get3A_119 : vector<16xf32>
    %get3A_121 = arith.constant 8 : i32
    %get3A_122 = arith.index_cast %get3A_121 : i32 to index
    %get3A_123 = arith.constant 0 : index
    %get3A_124 = tpu.vector_load %arg12[%get3A_122, %get3A_123] {strides = array<i32>} : memref<16x256xf32, #tpu.memory_space<vmem>>, vector<16xf32>,
    %add3A_125 = arith.addf %add3A_120, %get3A_124 : vector<16xf32>
    %get3A_126 = arith.constant 9 : i32
    %get3A_127 = arith.index_cast %get3A_126 : i32 to index
    %get3A_128 = arith.constant 0 : index
    %get3A_129 = tpu.vector_load %arg12[%get3A_127, %get3A_128] {strides = array<i32>} : memref<16x256xf32, #tpu.memory_space<vmem>>, vector<16xf32>,
    %add3A_130 = arith.addf %add3A_125, %get3A_129 : vector<16xf32>
    %get3A_131 = arith.constant 10 : i32
    %get3A_132 = arith.index_cast %get3A_131 : i32 to index
    %get3A_133 = arith.constant 0 : index
    %get3A_134 = tpu.vector_load %arg12[%get3A_132, %get3A_133] {strides = array<i32>} : memref<16x256xf32, #tpu.memory_space<vmem>>, vector<16xf32>,
    %add3A_135 = arith.addf %add3A_130, %get3A_134 : vector<16xf32>
    %get3A_136 = arith.constant 11 : i32
    %get3A_137 = arith.index_cast %get3A_136 : i32 to index
    %get3A_138 = arith.constant 0 : index
    %get3A_139 = tpu.vector_load %arg12[%get3A_137, %get3A_138] {strides = array<i32>} : memref<16x256xf32, #tpu.memory_space<vmem>>, vector<16xf32>,
    %add3A_140 = arith.addf %add3A_135, %get3A_139 : vector<16xf32>
    %get3A_141 = arith.constant 12 : i32
    %get3A_142 = arith.index_cast %get3A_141 : i32 to index
    %get3A_143 = arith.constant 0 : index
    %get3A_144 = tpu.vector_load %arg12[%get3A_142, %get3A_143] {strides = array<i32>} : memref<16x256xf32, #tpu.memory_space<vmem>>, vector<16xf32>,
    %add3A_145 = arith.addf %add3A_140, %get3A_144 : vector<16xf32>
    %get3A_146 = arith.constant 13 : i32
    %get3A_147 = arith.index_cast %get3A_146 : i32 to index
    %get3A_148 = arith.constant 0 : index
    %get3A_149 = tpu.vector_load %arg12[%get3A_147, %get3A_148] {strides = array<i32>} : memref<16x256xf32, #tpu.memory_space<vmem>>, vector<16xf32>,
    %add3A_150 = arith.addf %add3A_145, %get3A_149 : vector<16xf32>
    %get3A_151 = arith.constant 14 : i32
    %get3A_152 = arith.index_cast %get3A_151 : i32 to index
    %get3A_153 = arith.constant 0 : index
    %get3A_154 = tpu.vector_load %arg12[%get3A_152, %get3A_153] {strides = array<i32>} : memref<16x256xf32, #tpu.memory_space<vmem>>, vector<16xf32>,
    %add3A_155 = arith.addf %add3A_150, %get3A_154 : vector<16xf32>
    %get3A_156 = arith.constant 15 : i32
    %get3A_157 = arith.index_cast %get3A_156 : i32 to index
    %get3A_158 = arith.constant 0 : index
    %get3A_159 = tpu.vector_load %arg12[%get3A_157, %get3A_158] {strides = array<i32>} : memref<16x256xf32, #tpu.memory_space<vmem>>, vector<16xf32>,
    %add3A_160 = arith.addf %add3A_155, %get3A_159 : vector<16xf32>
    %swap3A_161 = arith.constant 0 : index
    %swap3A_162 = tpu.vector_load %arg8[%swap3A_161] {strides = array<i32>} : memref<256xf32, #tpu.memory_space<vmem>>, vector<16xf32>,
    tpu.vector_store %arg8[%swap3A_161], %add3A_160 {strides = array<i32>} : memref<256xf32, #tpu.memory_space<vmem>>, vector<16xf32>,
    %get3A_163 = arith.constant 0 : i32
    %get3A_164 = arith.index_cast %get3A_163 : i32 to index
    %get3A_165 = arith.constant 16 : index
    %get3A_166 = tpu.vector_load %arg12[%get3A_164, %get3A_165] {strides = array<i32>} : memref<16x256xf32, #tpu.memory_space<vmem>>, vector<16xf32>,
    %get3A_167 = arith.constant 1 : i32
    %get3A_168 = arith.index_cast %get3A_167 : i32 to index
    %get3A_169 = arith.constant 16 : index
    %get3A_170 = tpu.vector_load %arg12[%get3A_168, %get3A_169] {strides = array<i32>} : memref<16x256xf32, #tpu.memory_space<vmem>>, vector<16xf32>,
    %add3A_171 = arith.addf %get3A_166, %get3A_170 : vector<16xf32>
    %get3A_172 = arith.constant 2 : i32
    %get3A_173 = arith.index_cast %get3A_172 : i32 to index
    %get3A_174 = arith.constant 16 : index
    %get3A_175 = tpu.vector_load %arg12[%get3A_173, %get3A_174] {strides = array<i32>} : memref<16x256xf32, #tpu.memory_space<vmem>>, vector<16xf32>,
    %add3A_176 = arith.addf %add3A_171, %get3A_175 : vector<16xf32>
    %get3A_177 = arith.constant 3 : i32
    %get3A_178 = arith.index_cast %get3A_177 : i32 to index
    %get3A_179 = arith.constant 16 : index
    %get3A_180 = tpu.vector_load %arg12[%get3A_178, %get3A_179] {strides = array<i32>} : memref<16x256xf32, #tpu.memory_space<vmem>>, vector<16xf32>,
    %add3A_181 = arith.addf %add3A_176, %get3A_180 : vector<16xf32>
    %get3A_182 = arith.constant 4 : i32
    %get3A_183 = arith.index_cast %get3A_182 : i32 to index
    %get3A_184 = arith.constant 16 : index
    %get3A_185 = tpu.vector_load %arg12[%get3A_183, %get3A_184] {strides = array<i32>} : memref<16x256xf32, #tpu.memory_space<vmem>>, vector<16xf32>,
    %add3A_186 = arith.addf %add3A_181, %get3A_185 : vector<16xf32>
    %get3A_187 = arith.constant 5 : i32
    %get3A_188 = arith.index_cast %get3A_187 : i32 to index
    %get3A_189 = arith.constant 16 : index
    %get3A_190 = tpu.vector_load %arg12[%get3A_188, %get3A_189] {strides = array<i32>} : memref<16x256xf32, #tpu.memory_space<vmem>>, vector<16xf32>,
    %add3A_191 = arith.addf %add3A_186, %get3A_190 : vector<16xf32>
    %get3A_192 = arith.constant 6 : i32
    %get3A_193 = arith.index_cast %get3A_192 : i32 to index
    %get3A_194 = arith.constant 16 : index
    %get3A_195 = tpu.vector_load %arg12[%get3A_193, %get3A_194] {strides = array<i32>} : memref<16x256xf32, #tpu.memory_space<vmem>>, vector<16xf32>,
    %add3A_196 = arith.addf %add3A_191, %get3A_195 : vector<16xf32>
    %get3A_197 = arith.constant 7 : i32
    %get3A_198 = arith.index_cast %get3A_197 : i32 to index
    %get3A_199 = arith.constant 16 : index
    %get3A_200 = tpu.vector_load %arg12[%get3A_198, %get3A_199] {strides = array<i32>} : memref<16x256xf32, #tpu.memory_space<vmem>>, vector<16xf32>,
    %add3A_201 = arith.addf %add3A_196, %get3A_200 : vector<16xf32>
    %get3A_202 = arith.constant 8 : i32
    %get3A_203 = arith.index_cast %get3A_202 : i32 to index
    %get3A_204 = arith.constant 16 : index
    %get3A_205 = tpu.vector_load %arg12[%get3A_203, %get3A_204] {strides = array<i32>} : memref<16x256xf32, #tpu.memory_space<vmem>>, vector<16xf32>,
    %add3A_206 = arith.addf %add3A_201, %get3A_205 : vector<16xf32>
    %get3A_207 = arith.constant 9 : i32
    %get3A_208 = arith.index_cast %get3A_207 : i32 to index
    %get3A_209 = arith.constant 16 : index
    %get3A_210 = tpu.vector_load %arg12[%get3A_208, %get3A_209] {strides = array<i32>} : memref<16x256xf32, #tpu.memory_space<vmem>>, vector<16xf32>,
    %add3A_211 = arith.addf %add3A_206, %get3A_210 : vector<16xf32>
    %get3A_212 = arith.constant 10 : i32
    %get3A_213 = arith.index_cast %get3A_212 : i32 to index
    %get3A_214 = arith.constant 16 : index
    %get3A_215 = tpu.vector_load %arg12[%get3A_213, %get3A_214] {strides = array<i32>} : memref<16x256xf32, #tpu.memory_space<vmem>>, vector<16xf32>,
    %add3A_216 = arith.addf %add3A_211, %get3A_215 : vector<16xf32>
    %get3A_217 = arith.constant 11 : i32
    %get3A_218 = arith.index_cast %get3A_217 : i32 to index
    %get3A_219 = arith.constant 16 : index
    %get3A_220 = tpu.vector_load %arg12[%get3A_218, %get3A_219] {strides = array<i32>} : memref<16x256xf32, #tpu.memory_space<vmem>>, vector<16xf32>,
    %add3A_221 = arith.addf %add3A_216, %get3A_220 : vector<16xf32>
    %get3A_222 = arith.constant 12 : i32
    %get3A_223 = arith.index_cast %get3A_222 : i32 to index
    %get3A_224 = arith.constant 16 : index
    %get3A_225 = tpu.vector_load %arg12[%get3A_223, %get3A_224] {strides = array<i32>} : memref<16x256xf32, #tpu.memory_space<vmem>>, vector<16xf32>,
    %add3A_226 = arith.addf %add3A_221, %get3A_225 : vector<16xf32>
    %get3A_227 = arith.constant 13 : i32
    %get3A_228 = arith.index_cast %get3A_227 : i32 to index
    %get3A_229 = arith.constant 16 : index
    %get3A_230 = tpu.vector_load %arg12[%get3A_228, %get3A_229] {strides = array<i32>} : memref<16x256xf32, #tpu.memory_space<vmem>>, vector<16xf32>,
    %add3A_231 = arith.addf %add3A_226, %get3A_230 : vector<16xf32>
    %get3A_232 = arith.constant 14 : i32
    %get3A_233 = arith.index_cast %get3A_232 : i32 to index
    %get3A_234 = arith.constant 16 : index
    %get3A_235 = tpu.vector_load %arg12[%get3A_233, %get3A_234] {strides = array<i32>} : memref<16x256xf32, #tpu.memory_space<vmem>>, vector<16xf32>,
    %add3A_236 = arith.addf %add3A_231, %get3A_235 : vector<16xf32>
    %get3A_237 = arith.constant 15 : i32
    %get3A_238 = arith.index_cast %get3A_237 : i32 to index
    %get3A_239 = arith.constant 16 : index
    %get3A_240 = tpu.vector_load %arg12[%get3A_238, %get3A_239] {strides = array<i32>} : memref<16x256xf32, #tpu.memory_space<vmem>>, vector<16xf32>,
    %add3A_241 = arith.addf %add3A_236, %get3A_240 : vector<16xf32>
    %swap3A_242 = arith.constant 16 : index
    %swap3A_243 = tpu.vector_load %arg8[%swap3A_242] {strides = array<i32>} : memref<256xf32, #tpu.memory_space<vmem>>, vector<16xf32>,
    tpu.vector_store %arg8[%swap3A_242], %add3A_241 {strides = array<i32>} : memref<256xf32, #tpu.memory_space<vmem>>, vector<16xf32>,
    %get3A_244 = arith.constant 0 : i32
    %get3A_245 = arith.index_cast %get3A_244 : i32 to index
    %get3A_246 = arith.constant 32 : index
    %get3A_247 = tpu.vector_load %arg12[%get3A_245, %get3A_246] {strides = array<i32>} : memref<16x256xf32, #tpu.memory_space<vmem>>, vector<16xf32>,
    %get3A_248 = arith.constant 1 : i32
    %get3A_249 = arith.index_cast %get3A_248 : i32 to index
    %get3A_250 = arith.constant 32 : index
    %get3A_251 = tpu.vector_load %arg12[%get3A_249, %get3A_250] {strides = array<i32>} : memref<16x256xf32, #tpu.memory_space<vmem>>, vector<16xf32>,
    %add3A_252 = arith.addf %get3A_247, %get3A_251 : vector<16xf32>
    %get3A_253 = arith.constant 2 : i32
    %get3A_254 = arith.index_cast %get3A_253 : i32 to index
    %get3A_255 = arith.constant 32 : index
    %get3A_256 = tpu.vector_load %arg12[%get3A_254, %get3A_255] {strides = array<i32>} : memref<16x256xf32, #tpu.memory_space<vmem>>, vector<16xf32>,
    %add3A_257 = arith.addf %add3A_252, %get3A_256 : vector<16xf32>
    %get3A_258 = arith.constant 3 : i32
    %get3A_259 = arith.index_cast %get3A_258 : i32 to index
    %get3A_260 = arith.constant 32 : index
    %get3A_261 = tpu.vector_load %arg12[%get3A_259, %get3A_260] {strides = array<i32>} : memref<16x256xf32, #tpu.memory_space<vmem>>, vector<16xf32>,
    %add3A_262 = arith.addf %add3A_257, %get3A_261 : vector<16xf32>
    %get3A_263 = arith.constant 4 : i32
    %get3A_264 = arith.index_cast %get3A_263 : i32 to index
    %get3A_265 = arith.constant 32 : index
    %get3A_266 = tpu.vector_load %arg12[%get3A_264, %get3A_265] {strides = array<i32>} : memref<16x256xf32, #tpu.memory_space<vmem>>, vector<16xf32>,
    %add3A_267 = arith.addf %add3A_262, %get3A_266 : vector<16xf32>
    %get3A_268 = arith.constant 5 : i32
    %get3A_269 = arith.index_cast %get3A_268 : i32 to index
    %get3A_270 = arith.constant 32 : index
    %get3A_271 = tpu.vector_load %arg12[%get3A_269, %get3A_270] {strides = array<i32>} : memref<16x256xf32, #tpu.memory_space<vmem>>, vector<16xf32>,
    %add3A_272 = arith.addf %add3A_267, %get3A_271 : vector<16xf32>
    %get3A_273 = arith.constant 6 : i32
    %get3A_274 = arith.index_cast %get3A_273 : i32 to index
    %get3A_275 = arith.constant 32 : index
    %get3A_276 = tpu.vector_load %arg12[%get3A_274, %get3A_275] {strides = array<i32>} : memref<16x256xf32, #tpu.memory_space<vmem>>, vector<16xf32>,
    %add3A_277 = arith.addf %add3A_272, %get3A_276 : vector<16xf32>
    %get3A_278 = arith.constant 7 : i32
    %get3A_279 = arith.index_cast %get3A_278 : i32 to index
    %get3A_280 = arith.constant 32 : index
    %get3A_281 = tpu.vector_load %arg12[%get3A_279, %get3A_280] {strides = array<i32>} : memref<16x256xf32, #tpu.memory_space<vmem>>, vector<16xf32>,
    %add3A_282 = arith.addf %add3A_277, %get3A_281 : vector<16xf32>
    %get3A_283 = arith.constant 8 : i32
    %get3A_284 = arith.index_cast %get3A_283 : i32 to index
    %get3A_285 = arith.constant 32 : index
    %get3A_286 = tpu.vector_load %arg12[%get3A_284, %get3A_285] {strides = array<i32>} : memref<16x256xf32, #tpu.memory_space<vmem>>, vector<16xf32>,
    %add3A_287 = arith.addf %add3A_282, %get3A_286 : vector<16xf32>
    %get3A_288 = arith.constant 9 : i32
    %get3A_289 = arith.index_cast %get3A_288 : i32 to index
    %get3A_290 = arith.constant 32 : index
    %get3A_291 = tpu.vector_load %arg12[%get3A_289, %get3A_290] {strides = array<i32>} : memref<16x256xf32, #tpu.memory_space<vmem>>, vector<16xf32>,
    %add3A_292 = arith.addf %add3A_287, %get3A_291 : vector<16xf32>
    %get3A_293 = arith.constant 10 : i32
    %get3A_294 = arith.index_cast %get3A_293 : i32 to index
    %get3A_295 = arith.constant 32 : index
    %get3A_296 = tpu.vector_load %arg12[%get3A_294, %get3A_295] {strides = array<i32>} : memref<16x256xf32, #tpu.memory_space<vmem>>, vector<16xf32>,
    %add3A_297 = arith.addf %add3A_292, %get3A_296 : vector<16xf32>
    %get3A_298 = arith.constant 11 : i32
    %get3A_299 = arith.index_cast %get3A_298 : i32 to index
    %get3A_300 = arith.constant 32 : index
    %get3A_301 = tpu.vector_load %arg12[%get3A_299, %get3A_300] {strides = array<i32>} : memref<16x256xf32, #tpu.memory_space<vmem>>, vector<16xf32>,
    %add3A_302 = arith.addf %add3A_297, %get3A_301 : vector<16xf32>
    %get3A_303 = arith.constant 12 : i32
    %get3A_304 = arith.index_cast %get3A_303 : i32 to index
    %get3A_305 = arith.constant 32 : index
    %get3A_306 = tpu.vector_load %arg12[%get3A_304, %get3A_305] {strides = array<i32>} : memref<16x256xf32, #tpu.memory_space<vmem>>, vector<16xf32>,
    %add3A_307 = arith.addf %add3A_302, %get3A_306 : vector<16xf32>
    %get3A_308 = arith.constant 13 : i32
    %get3A_309 = arith.index_cast %get3A_308 : i32 to index
    %get3A_310 = arith.constant 32 : index
    %get3A_311 = tpu.vector_load %arg12[%get3A_309, %get3A_310] {strides = array<i32>} : memref<16x256xf32, #tpu.memory_space<vmem>>, vector<16xf32>,
    %add3A_312 = arith.addf %add3A_307, %get3A_311 : vector<16xf32>
    %get3A_313 = arith.constant 14 : i32
    %get3A_314 = arith.index_cast %get3A_313 : i32 to index
    %get3A_315 = arith.constant 32 : index
    %get3A_316 = tpu.vector_load %arg12[%get3A_314, %get3A_315] {strides = array<i32>} : memref<16x256xf32, #tpu.memory_space<vmem>>, vector<16xf32>,
    %add3A_317 = arith.addf %add3A_312, %get3A_316 : vector<16xf32>
    %get3A_318 = arith.constant 15 : i32
    %get3A_319 = arith.index_cast %get3A_318 : i32 to index
    %get3A_320 = arith.constant 32 : index
    %get3A_321 = tpu.vector_load %arg12[%get3A_319, %get3A_320] {strides = array<i32>} : memref<16x256xf32, #tpu.memory_space<vmem>>, vector<16xf32>,
    %add3A_322 = arith.addf %add3A_317, %get3A_321 : vector<16xf32>
    %swap3A_323 = arith.constant 32 : index
    %swap3A_324 = tpu.vector_load %arg8[%swap3A_323] {strides = array<i32>} : memref<256xf32, #tpu.memory_space<vmem>>, vector<16xf32>,
    tpu.vector_store %arg8[%swap3A_323], %add3A_322 {strides = array<i32>} : memref<256xf32, #tpu.memory_space<vmem>>, vector<16xf32>,
    %get3A_325 = arith.constant 0 : i32
    %get3A_326 = arith.index_cast %get3A_325 : i32 to index
    %get3A_327 = arith.constant 48 : index
    %get3A_328 = tpu.vector_load %arg12[%get3A_326, %get3A_327] {strides = array<i32>} : memref<16x256xf32, #tpu.memory_space<vmem>>, vector<16xf32>,
    %get3A_329 = arith.constant 1 : i32
    %get3A_330 = arith.index_cast %get3A_329 : i32 to index
    %get3A_331 = arith.constant 48 : index
    %get3A_332 = tpu.vector_load %arg12[%get3A_330, %get3A_331] {strides = array<i32>} : memref<16x256xf32, #tpu.memory_space<vmem>>, vector<16xf32>,
    %add3A_333 = arith.addf %get3A_328, %get3A_332 : vector<16xf32>
    %get3A_334 = arith.constant 2 : i32
    %get3A_335 = arith.index_cast %get3A_334 : i32 to index
    %get3A_336 = arith.constant 48 : index
    %get3A_337 = tpu.vector_load %arg12[%get3A_335, %get3A_336] {strides = array<i32>} : memref<16x256xf32, #tpu.memory_space<vmem>>, vector<16xf32>,
    %add3A_338 = arith.addf %add3A_333, %get3A_337 : vector<16xf32>
    %get3A_339 = arith.constant 3 : i32
    %get3A_340 = arith.index_cast %get3A_339 : i32 to index
    %get3A_341 = arith.constant 48 : index
    %get3A_342 = tpu.vector_load %arg12[%get3A_340, %get3A_341] {strides = array<i32>} : memref<16x256xf32, #tpu.memory_space<vmem>>, vector<16xf32>,
    %add3A_343 = arith.addf %add3A_338, %get3A_342 : vector<16xf32>
    %get3A_344 = arith.constant 4 : i32
    %get3A_345 = arith.index_cast %get3A_344 : i32 to index
    %get3A_346 = arith.constant 48 : index
    %get3A_347 = tpu.vector_load %arg12[%get3A_345, %get3A_346] {strides = array<i32>} : memref<16x256xf32, #tpu.memory_space<vmem>>, vector<16xf32>,
    %add3A_348 = arith.addf %add3A_343, %get3A_347 : vector<16xf32>
    %get3A_349 = arith.constant 5 : i32
    %get3A_350 = arith.index_cast %get3A_349 : i32 to index
    %get3A_351 = arith.constant 48 : index
    %get3A_352 = tpu.vector_load %arg12[%get3A_350, %get3A_351] {strides = array<i32>} : memref<16x256xf32, #tpu.memory_space<vmem>>, vector<16xf32>,
    %add3A_353 = arith.addf %add3A_348, %get3A_352 : vector<16xf32>
    %get3A_354 = arith.constant 6 : i32
    %get3A_355 = arith.index_cast %get3A_354 : i32 to index
    %get3A_356 = arith.constant 48 : index
    %get3A_357 = tpu.vector_load %arg12[%get3A_355, %get3A_356] {strides = array<i32>} : memref<16x256xf32, #tpu.memory_space<vmem>>, vector<16xf32>,
    %add3A_358 = arith.addf %add3A_353, %get3A_357 : vector<16xf32>
    %get3A_359 = arith.constant 7 : i32
    %get3A_360 = arith.index_cast %get3A_359 : i32 to index
    %get3A_361 = arith.constant 48 : index
    %get3A_362 = tpu.vector_load %arg12[%get3A_360, %get3A_361] {strides = array<i32>} : memref<16x256xf32, #tpu.memory_space<vmem>>, vector<16xf32>,
    %add3A_363 = arith.addf %add3A_358, %get3A_362 : vector<16xf32>
    %get3A_364 = arith.constant 8 : i32
    %get3A_365 = arith.index_cast %get3A_364 : i32 to index
    %get3A_366 = arith.constant 48 : index
    %get3A_367 = tpu.vector_load %arg12[%get3A_365, %get3A_366] {strides = array<i32>} : memref<16x256xf32, #tpu.memory_space<vmem>>, vector<16xf32>,
    %add3A_368 = arith.addf %add3A_363, %get3A_367 : vector<16xf32>
    %get3A_369 = arith.constant 9 : i32
    %get3A_370 = arith.index_cast %get3A_369 : i32 to index
    %get3A_371 = arith.constant 48 : index
    %get3A_372 = tpu.vector_load %arg12[%get3A_370, %get3A_371] {strides = array<i32>} : memref<16x256xf32, #tpu.memory_space<vmem>>, vector<16xf32>,
    %add3A_373 = arith.addf %add3A_368, %get3A_372 : vector<16xf32>
    %get3A_374 = arith.constant 10 : i32
    %get3A_375 = arith.index_cast %get3A_374 : i32 to index
    %get3A_376 = arith.constant 48 : index
    %get3A_377 = tpu.vector_load %arg12[%get3A_375, %get3A_376] {strides = array<i32>} : memref<16x256xf32, #tpu.memory_space<vmem>>, vector<16xf32>,
    %add3A_378 = arith.addf %add3A_373, %get3A_377 : vector<16xf32>
    %get3A_379 = arith.constant 11 : i32
    %get3A_380 = arith.index_cast %get3A_379 : i32 to index
    %get3A_381 = arith.constant 48 : index
    %get3A_382 = tpu.vector_load %arg12[%get3A_380, %get3A_381] {strides = array<i32>} : memref<16x256xf32, #tpu.memory_space<vmem>>, vector<16xf32>,
    %add3A_383 = arith.addf %add3A_378, %get3A_382 : vector<16xf32>
    %get3A_384 = arith.constant 12 : i32
    %get3A_385 = arith.index_cast %get3A_384 : i32 to index
    %get3A_386 = arith.constant 48 : index
    %get3A_387 = tpu.vector_load %arg12[%get3A_385, %get3A_386] {strides = array<i32>} : memref<16x256xf32, #tpu.memory_space<vmem>>, vector<16xf32>,
    %add3A_388 = arith.addf %add3A_383, %get3A_387 : vector<16xf32>
    %get3A_389 = arith.constant 13 : i32
    %get3A_390 = arith.index_cast %get3A_389 : i32 to index
    %get3A_391 = arith.constant 48 : index
    %get3A_392 = tpu.vector_load %arg12[%get3A_390, %get3A_391] {strides = array<i32>} : memref<16x256xf32, #tpu.memory_space<vmem>>, vector<16xf32>,
    %add3A_393 = arith.addf %add3A_388, %get3A_392 : vector<16xf32>
    %get3A_394 = arith.constant 14 : i32
    %get3A_395 = arith.index_cast %get3A_394 : i32 to index
    %get3A_396 = arith.constant 48 : index
    %get3A_397 = tpu.vector_load %arg12[%get3A_395, %get3A_396] {strides = array<i32>} : memref<16x256xf32, #tpu.memory_space<vmem>>, vector<16xf32>,
    %add3A_398 = arith.addf %add3A_393, %get3A_397 : vector<16xf32>
    %get3A_399 = arith.constant 15 : i32
    %get3A_400 = arith.index_cast %get3A_399 : i32 to index
    %get3A_401 = arith.constant 48 : index
    %get3A_402 = tpu.vector_load %arg12[%get3A_400, %get3A_401] {strides = array<i32>} : memref<16x256xf32, #tpu.memory_space<vmem>>, vector<16xf32>,
    %add3A_403 = arith.addf %add3A_398, %get3A_402 : vector<16xf32>
    %swap3A_404 = arith.constant 48 : index
    %swap3A_405 = tpu.vector_load %arg8[%swap3A_404] {strides = array<i32>} : memref<256xf32, #tpu.memory_space<vmem>>, vector<16xf32>,
    tpu.vector_store %arg8[%swap3A_404], %add3A_403 {strides = array<i32>} : memref<256xf32, #tpu.memory_space<vmem>>, vector<16xf32>,
    %get3A_406 = arith.constant 0 : i32
    %get3A_407 = arith.index_cast %get3A_406 : i32 to index
    %get3A_408 = arith.constant 64 : index
    %get3A_409 = tpu.vector_load %arg12[%get3A_407, %get3A_408] {strides = array<i32>} : memref<16x256xf32, #tpu.memory_space<vmem>>, vector<16xf32>,
    %get3A_410 = arith.constant 1 : i32
    %get3A_411 = arith.index_cast %get3A_410 : i32 to index
    %get3A_412 = arith.constant 64 : index
    %get3A_413 = tpu.vector_load %arg12[%get3A_411, %get3A_412] {strides = array<i32>} : memref<16x256xf32, #tpu.memory_space<vmem>>, vector<16xf32>,
    %add3A_414 = arith.addf %get3A_409, %get3A_413 : vector<16xf32>
    %get3A_415 = arith.constant 2 : i32
    %get3A_416 = arith.index_cast %get3A_415 : i32 to index
    %get3A_417 = arith.constant 64 : index
    %get3A_418 = tpu.vector_load %arg12[%get3A_416, %get3A_417] {strides = array<i32>} : memref<16x256xf32, #tpu.memory_space<vmem>>, vector<16xf32>,
    %add3A_419 = arith.addf %add3A_414, %get3A_418 : vector<16xf32>
    %get3A_420 = arith.constant 3 : i32
    %get3A_421 = arith.index_cast %get3A_420 : i32 to index
    %get3A_422 = arith.constant 64 : index
    %get3A_423 = tpu.vector_load %arg12[%get3A_421, %get3A_422] {strides = array<i32>} : memref<16x256xf32, #tpu.memory_space<vmem>>, vector<16xf32>,
    %add3A_424 = arith.addf %add3A_419, %get3A_423 : vector<16xf32>
    %get3A_425 = arith.constant 4 : i32
    %get3A_426 = arith.index_cast %get3A_425 : i32 to index
    %get3A_427 = arith.constant 64 : index
    %get3A_428 = tpu.vector_load %arg12[%get3A_426, %get3A_427] {strides = array<i32>} : memref<16x256xf32, #tpu.memory_space<vmem>>, vector<16xf32>,
    %add3A_429 = arith.addf %add3A_424, %get3A_428 : vector<16xf32>
    %get3A_430 = arith.constant 5 : i32
    %get3A_431 = arith.index_cast %get3A_430 : i32 to index
    %get3A_432 = arith.constant 64 : index
    %get3A_433 = tpu.vector_load %arg12[%get3A_431, %get3A_432] {strides = array<i32>} : memref<16x256xf32, #tpu.memory_space<vmem>>, vector<16xf32>,
    %add3A_434 = arith.addf %add3A_429, %get3A_433 : vector<16xf32>
    %get3A_435 = arith.constant 6 : i32
    %get3A_436 = arith.index_cast %get3A_435 : i32 to index
    %get3A_437 = arith.constant 64 : index
    %get3A_438 = tpu.vector_load %arg12[%get3A_436, %get3A_437] {strides = array<i32>} : memref<16x256xf32, #tpu.memory_space<vmem>>, vector<16xf32>,
    %add3A_439 = arith.addf %add3A_434, %get3A_438 : vector<16xf32>
    %get3A_440 = arith.constant 7 : i32
    %get3A_441 = arith.index_cast %get3A_440 : i32 to index
    %get3A_442 = arith.constant 64 : index
    %get3A_443 = tpu.vector_load %arg12[%get3A_441, %get3A_442] {strides = array<i32>} : memref<16x256xf32, #tpu.memory_space<vmem>>, vector<16xf32>,
    %add3A_444 = arith.addf %add3A_439, %get3A_443 : vector<16xf32>
    %get3A_445 = arith.constant 8 : i32
    %get3A_446 = arith.index_cast %get3A_445 : i32 to index
    %get3A_447 = arith.constant 64 : index
    %get3A_448 = tpu.vector_load %arg12[%get3A_446, %get3A_447] {strides = array<i32>} : memref<16x256xf32, #tpu.memory_space<vmem>>, vector<16xf32>,
    %add3A_449 = arith.addf %add3A_444, %get3A_448 : vector<16xf32>
    %get3A_450 = arith.constant 9 : i32
    %get3A_451 = arith.index_cast %get3A_450 : i32 to index
    %get3A_452 = arith.constant 64 : index
    %get3A_453 = tpu.vector_load %arg12[%get3A_451, %get3A_452] {strides = array<i32>} : memref<16x256xf32, #tpu.memory_space<vmem>>, vector<16xf32>,
    %add3A_454 = arith.addf %add3A_449, %get3A_453 : vector<16xf32>
    %get3A_455 = arith.constant 10 : i32
    %get3A_456 = arith.index_cast %get3A_455 : i32 to index
    %get3A_457 = arith.constant 64 : index
    %get3A_458 = tpu.vector_load %arg12[%get3A_456, %get3A_457] {strides = array<i32>} : memref<16x256xf32, #tpu.memory_space<vmem>>, vector<16xf32>,
    %add3A_459 = arith.addf %add3A_454, %get3A_458 : vector<16xf32>
    %get3A_460 = arith.constant 11 : i32
    %get3A_461 = arith.index_cast %get3A_460 : i32 to index
    %get3A_462 = arith.constant 64 : index
    %get3A_463 = tpu.vector_load %arg12[%get3A_461, %get3A_462] {strides = array<i32>} : memref<16x256xf32, #tpu.memory_space<vmem>>, vector<16xf32>,
    %add3A_464 = arith.addf %add3A_459, %get3A_463 : vector<16xf32>
    %get3A_465 = arith.constant 12 : i32
    %get3A_466 = arith.index_cast %get3A_465 : i32 to index
    %get3A_467 = arith.constant 64 : index
    %get3A_468 = tpu.vector_load %arg12[%get3A_466, %get3A_467] {strides = array<i32>} : memref<16x256xf32, #tpu.memory_space<vmem>>, vector<16xf32>,
    %add3A_469 = arith.addf %add3A_464, %get3A_468 : vector<16xf32>
    %get3A_470 = arith.constant 13 : i32
    %get3A_471 = arith.index_cast %get3A_470 : i32 to index
    %get3A_472 = arith.constant 64 : index
    %get3A_473 = tpu.vector_load %arg12[%get3A_471, %get3A_472] {strides = array<i32>} : memref<16x256xf32, #tpu.memory_space<vmem>>, vector<16xf32>,
    %add3A_474 = arith.addf %add3A_469, %get3A_473 : vector<16xf32>
    %get3A_475 = arith.constant 14 : i32
    %get3A_476 = arith.index_cast %get3A_475 : i32 to index
    %get3A_477 = arith.constant 64 : index
    %get3A_478 = tpu.vector_load %arg12[%get3A_476, %get3A_477] {strides = array<i32>} : memref<16x256xf32, #tpu.memory_space<vmem>>, vector<16xf32>,
    %add3A_479 = arith.addf %add3A_474, %get3A_478 : vector<16xf32>
    %get3A_480 = arith.constant 15 : i32
    %get3A_481 = arith.index_cast %get3A_480 : i32 to index
    %get3A_482 = arith.constant 64 : index
    %get3A_483 = tpu.vector_load %arg12[%get3A_481, %get3A_482] {strides = array<i32>} : memref<16x256xf32, #tpu.memory_space<vmem>>, vector<16xf32>,
    %add3A_484 = arith.addf %add3A_479, %get3A_483 : vector<16xf32>
    %swap3A_485 = arith.constant 64 : index
    %swap3A_486 = tpu.vector_load %arg8[%swap3A_485] {strides = array<i32>} : memref<256xf32, #tpu.memory_space<vmem>>, vector<16xf32>,
    tpu.vector_store %arg8[%swap3A_485], %add3A_484 {strides = array<i32>} : memref<256xf32, #tpu.memory_space<vmem>>, vector<16xf32>,
    %get3A_487 = arith.constant 0 : i32
    %get3A_488 = arith.index_cast %get3A_487 : i32 to index
    %get3A_489 = arith.constant 80 : index
    %get3A_490 = tpu.vector_load %arg12[%get3A_488, %get3A_489] {strides = array<i32>} : memref<16x256xf32, #tpu.memory_space<vmem>>, vector<16xf32>,
    %get3A_491 = arith.constant 1 : i32
    %get3A_492 = arith.index_cast %get3A_491 : i32 to index
    %get3A_493 = arith.constant 80 : index
    %get3A_494 = tpu.vector_load %arg12[%get3A_492, %get3A_493] {strides = array<i32>} : memref<16x256xf32, #tpu.memory_space<vmem>>, vector<16xf32>,
    %add3A_495 = arith.addf %get3A_490, %get3A_494 : vector<16xf32>
    %get3A_496 = arith.constant 2 : i32
    %get3A_497 = arith.index_cast %get3A_496 : i32 to index
    %get3A_498 = arith.constant 80 : index
    %get3A_499 = tpu.vector_load %arg12[%get3A_497, %get3A_498] {strides = array<i32>} : memref<16x256xf32, #tpu.memory_space<vmem>>, vector<16xf32>,
    %add3A_500 = arith.addf %add3A_495, %get3A_499 : vector<16xf32>
    %get3A_501 = arith.constant 3 : i32
    %get3A_502 = arith.index_cast %get3A_501 : i32 to index
    %get3A_503 = arith.constant 80 : index
    %get3A_504 = tpu.vector_load %arg12[%get3A_502, %get3A_503] {strides = array<i32>} : memref<16x256xf32, #tpu.memory_space<vmem>>, vector<16xf32>,
    %add3A_505 = arith.addf %add3A_500, %get3A_504 : vector<16xf32>
    %get3A_506 = arith.constant 4 : i32
    %get3A_507 = arith.index_cast %get3A_506 : i32 to index
    %get3A_508 = arith.constant 80 : index
    %get3A_509 = tpu.vector_load %arg12[%get3A_507, %get3A_508] {strides = array<i32>} : memref<16x256xf32, #tpu.memory_space<vmem>>, vector<16xf32>,
    %add3A_510 = arith.addf %add3A_505, %get3A_509 : vector<16xf32>
    %get3A_511 = arith.constant 5 : i32
    %get3A_512 = arith.index_cast %get3A_511 : i32 to index
    %get3A_513 = arith.constant 80 : index
    %get3A_514 = tpu.vector_load %arg12[%get3A_512, %get3A_513] {strides = array<i32>} : memref<16x256xf32, #tpu.memory_space<vmem>>, vector<16xf32>,
    %add3A_515 = arith.addf %add3A_510, %get3A_514 : vector<16xf32>
    %get3A_516 = arith.constant 6 : i32
    %get3A_517 = arith.index_cast %get3A_516 : i32 to index
    %get3A_518 = arith.constant 80 : index
    %get3A_519 = tpu.vector_load %arg12[%get3A_517, %get3A_518] {strides = array<i32>} : memref<16x256xf32, #tpu.memory_space<vmem>>, vector<16xf32>,
    %add3A_520 = arith.addf %add3A_515, %get3A_519 : vector<16xf32>
    %get3A_521 = arith.constant 7 : i32
    %get3A_522 = arith.index_cast %get3A_521 : i32 to index
    %get3A_523 = arith.constant 80 : index
    %get3A_524 = tpu.vector_load %arg12[%get3A_522, %get3A_523] {strides = array<i32>} : memref<16x256xf32, #tpu.memory_space<vmem>>, vector<16xf32>,
    %add3A_525 = arith.addf %add3A_520, %get3A_524 : vector<16xf32>
    %get3A_526 = arith.constant 8 : i32
    %get3A_527 = arith.index_cast %get3A_526 : i32 to index
    %get3A_528 = arith.constant 80 : index
    %get3A_529 = tpu.vector_load %arg12[%get3A_527, %get3A_528] {strides = array<i32>} : memref<16x256xf32, #tpu.memory_space<vmem>>, vector<16xf32>,
    %add3A_530 = arith.addf %add3A_525, %get3A_529 : vector<16xf32>
    %get3A_531 = arith.constant 9 : i32
    %get3A_532 = arith.index_cast %get3A_531 : i32 to index
    %get3A_533 = arith.constant 80 : index
    %get3A_534 = tpu.vector_load %arg12[%get3A_532, %get3A_533] {strides = array<i32>} : memref<16x256xf32, #tpu.memory_space<vmem>>, vector<16xf32>,
    %add3A_535 = arith.addf %add3A_530, %get3A_534 : vector<16xf32>
    %get3A_536 = arith.constant 10 : i32
    %get3A_537 = arith.index_cast %get3A_536 : i32 to index
    %get3A_538 = arith.constant 80 : index
    %get3A_539 = tpu.vector_load %arg12[%get3A_537, %get3A_538] {strides = array<i32>} : memref<16x256xf32, #tpu.memory_space<vmem>>, vector<16xf32>,
    %add3A_540 = arith.addf %add3A_535, %get3A_539 : vector<16xf32>
    %get3A_541 = arith.constant 11 : i32
    %get3A_542 = arith.index_cast %get3A_541 : i32 to index
    %get3A_543 = arith.constant 80 : index
    %get3A_544 = tpu.vector_load %arg12[%get3A_542, %get3A_543] {strides = array<i32>} : memref<16x256xf32, #tpu.memory_space<vmem>>, vector<16xf32>,
    %add3A_545 = arith.addf %add3A_540, %get3A_544 : vector<16xf32>
    %get3A_546 = arith.constant 12 : i32
    %get3A_547 = arith.index_cast %get3A_546 : i32 to index
    %get3A_548 = arith.constant 80 : index
    %get3A_549 = tpu.vector_load %arg12[%get3A_547, %get3A_548] {strides = array<i32>} : memref<16x256xf32, #tpu.memory_space<vmem>>, vector<16xf32>,
    %add3A_550 = arith.addf %add3A_545, %get3A_549 : vector<16xf32>
    %get3A_551 = arith.constant 13 : i32
    %get3A_552 = arith.index_cast %get3A_551 : i32 to index
    %get3A_553 = arith.constant 80 : index
    %get3A_554 = tpu.vector_load %arg12[%get3A_552, %get3A_553] {strides = array<i32>} : memref<16x256xf32, #tpu.memory_space<vmem>>, vector<16xf32>,
    %add3A_555 = arith.addf %add3A_550, %get3A_554 : vector<16xf32>
    %get3A_556 = arith.constant 14 : i32
    %get3A_557 = arith.index_cast %get3A_556 : i32 to index
    %get3A_558 = arith.constant 80 : index
    %get3A_559 = tpu.vector_load %arg12[%get3A_557, %get3A_558] {strides = array<i32>} : memref<16x256xf32, #tpu.memory_space<vmem>>, vector<16xf32>,
    %add3A_560 = arith.addf %add3A_555, %get3A_559 : vector<16xf32>
    %get3A_561 = arith.constant 15 : i32
    %get3A_562 = arith.index_cast %get3A_561 : i32 to index
    %get3A_563 = arith.constant 80 : index
    %get3A_564 = tpu.vector_load %arg12[%get3A_562, %get3A_563] {strides = array<i32>} : memref<16x256xf32, #tpu.memory_space<vmem>>, vector<16xf32>,
    %add3A_565 = arith.addf %add3A_560, %get3A_564 : vector<16xf32>
    %swap3A_566 = arith.constant 80 : index
    %swap3A_567 = tpu.vector_load %arg8[%swap3A_566] {strides = array<i32>} : memref<256xf32, #tpu.memory_space<vmem>>, vector<16xf32>,
    tpu.vector_store %arg8[%swap3A_566], %add3A_565 {strides = array<i32>} : memref<256xf32, #tpu.memory_space<vmem>>, vector<16xf32>,
    %get3A_568 = arith.constant 0 : i32
    %get3A_569 = arith.index_cast %get3A_568 : i32 to index
    %get3A_570 = arith.constant 96 : index
    %get3A_571 = tpu.vector_load %arg12[%get3A_569, %get3A_570] {strides = array<i32>} : memref<16x256xf32, #tpu.memory_space<vmem>>, vector<16xf32>,
    %get3A_572 = arith.constant 1 : i32
    %get3A_573 = arith.index_cast %get3A_572 : i32 to index
    %get3A_574 = arith.constant 96 : index
    %get3A_575 = tpu.vector_load %arg12[%get3A_573, %get3A_574] {strides = array<i32>} : memref<16x256xf32, #tpu.memory_space<vmem>>, vector<16xf32>,
    %add3A_576 = arith.addf %get3A_571, %get3A_575 : vector<16xf32>
    %get3A_577 = arith.constant 2 : i32
    %get3A_578 = arith.index_cast %get3A_577 : i32 to index
    %get3A_579 = arith.constant 96 : index
    %get3A_580 = tpu.vector_load %arg12[%get3A_578, %get3A_579] {strides = array<i32>} : memref<16x256xf32, #tpu.memory_space<vmem>>, vector<16xf32>,
    %add3A_581 = arith.addf %add3A_576, %get3A_580 : vector<16xf32>
    %get3A_582 = arith.constant 3 : i32
    %get3A_583 = arith.index_cast %get3A_582 : i32 to index
    %get3A_584 = arith.constant 96 : index
    %get3A_585 = tpu.vector_load %arg12[%get3A_583, %get3A_584] {strides = array<i32>} : memref<16x256xf32, #tpu.memory_space<vmem>>, vector<16xf32>,
    %add3A_586 = arith.addf %add3A_581, %get3A_585 : vector<16xf32>
    %get3A_587 = arith.constant 4 : i32
    %get3A_588 = arith.index_cast %get3A_587 : i32 to index
    %get3A_589 = arith.constant 96 : index
    %get3A_590 = tpu.vector_load %arg12[%get3A_588, %get3A_589] {strides = array<i32>} : memref<16x256xf32, #tpu.memory_space<vmem>>, vector<16xf32>,
    %add3A_591 = arith.addf %add3A_586, %get3A_590 : vector<16xf32>
    %get3A_592 = arith.constant 5 : i32
    %get3A_593 = arith.index_cast %get3A_592 : i32 to index
    %get3A_594 = arith.constant 96 : index
    %get3A_595 = tpu.vector_load %arg12[%get3A_593, %get3A_594] {strides = array<i32>} : memref<16x256xf32, #tpu.memory_space<vmem>>, vector<16xf32>,
    %add3A_596 = arith.addf %add3A_591, %get3A_595 : vector<16xf32>
    %get3A_597 = arith.constant 6 : i32
    %get3A_598 = arith.index_cast %get3A_597 : i32 to index
    %get3A_599 = arith.constant 96 : index
    %get3A_600 = tpu.vector_load %arg12[%get3A_598, %get3A_599] {strides = array<i32>} : memref<16x256xf32, #tpu.memory_space<vmem>>, vector<16xf32>,
    %add3A_601 = arith.addf %add3A_596, %get3A_600 : vector<16xf32>
    %get3A_602 = arith.constant 7 : i32
    %get3A_603 = arith.index_cast %get3A_602 : i32 to index
    %get3A_604 = arith.constant 96 : index
    %get3A_605 = tpu.vector_load %arg12[%get3A_603, %get3A_604] {strides = array<i32>} : memref<16x256xf32, #tpu.memory_space<vmem>>, vector<16xf32>,
    %add3A_606 = arith.addf %add3A_601, %get3A_605 : vector<16xf32>
    %get3A_607 = arith.constant 8 : i32
    %get3A_608 = arith.index_cast %get3A_607 : i32 to index
    %get3A_609 = arith.constant 96 : index
    %get3A_610 = tpu.vector_load %arg12[%get3A_608, %get3A_609] {strides = array<i32>} : memref<16x256xf32, #tpu.memory_space<vmem>>, vector<16xf32>,
    %add3A_611 = arith.addf %add3A_606, %get3A_610 : vector<16xf32>
    %get3A_612 = arith.constant 9 : i32
    %get3A_613 = arith.index_cast %get3A_612 : i32 to index
    %get3A_614 = arith.constant 96 : index
    %get3A_615 = tpu.vector_load %arg12[%get3A_613, %get3A_614] {strides = array<i32>} : memref<16x256xf32, #tpu.memory_space<vmem>>, vector<16xf32>,
    %add3A_616 = arith.addf %add3A_611, %get3A_615 : vector<16xf32>
    %get3A_617 = arith.constant 10 : i32
    %get3A_618 = arith.index_cast %get3A_617 : i32 to index
    %get3A_619 = arith.constant 96 : index
    %get3A_620 = tpu.vector_load %arg12[%get3A_618, %get3A_619] {strides = array<i32>} : memref<16x256xf32, #tpu.memory_space<vmem>>, vector<16xf32>,
    %add3A_621 = arith.addf %add3A_616, %get3A_620 : vector<16xf32>
    %get3A_622 = arith.constant 11 : i32
    %get3A_623 = arith.index_cast %get3A_622 : i32 to index
    %get3A_624 = arith.constant 96 : index
    %get3A_625 = tpu.vector_load %arg12[%get3A_623, %get3A_624] {strides = array<i32>} : memref<16x256xf32, #tpu.memory_space<vmem>>, vector<16xf32>,
    %add3A_626 = arith.addf %add3A_621, %get3A_625 : vector<16xf32>
    %get3A_627 = arith.constant 12 : i32
    %get3A_628 = arith.index_cast %get3A_627 : i32 to index
    %get3A_629 = arith.constant 96 : index
    %get3A_630 = tpu.vector_load %arg12[%get3A_628, %get3A_629] {strides = array<i32>} : memref<16x256xf32, #tpu.memory_space<vmem>>, vector<16xf32>,
    %add3A_631 = arith.addf %add3A_626, %get3A_630 : vector<16xf32>
    %get3A_632 = arith.constant 13 : i32
    %get3A_633 = arith.index_cast %get3A_632 : i32 to index
    %get3A_634 = arith.constant 96 : index
    %get3A_635 = tpu.vector_load %arg12[%get3A_633, %get3A_634] {strides = array<i32>} : memref<16x256xf32, #tpu.memory_space<vmem>>, vector<16xf32>,
    %add3A_636 = arith.addf %add3A_631, %get3A_635 : vector<16xf32>
    %get3A_637 = arith.constant 14 : i32
    %get3A_638 = arith.index_cast %get3A_637 : i32 to index
    %get3A_639 = arith.constant 96 : index
    %get3A_640 = tpu.vector_load %arg12[%get3A_638, %get3A_639] {strides = array<i32>} : memref<16x256xf32, #tpu.memory_space<vmem>>, vector<16xf32>,
    %add3A_641 = arith.addf %add3A_636, %get3A_640 : vector<16xf32>
    %get3A_642 = arith.constant 15 : i32
    %get3A_643 = arith.index_cast %get3A_642 : i32 to index
    %get3A_644 = arith.constant 96 : index
    %get3A_645 = tpu.vector_load %arg12[%get3A_643, %get3A_644] {strides = array<i32>} : memref<16x256xf32, #tpu.memory_space<vmem>>, vector<16xf32>,
    %add3A_646 = arith.addf %add3A_641, %get3A_645 : vector<16xf32>
    %swap3A_647 = arith.constant 96 : index
    %swap3A_648 = tpu.vector_load %arg8[%swap3A_647] {strides = array<i32>} : memref<256xf32, #tpu.memory_space<vmem>>, vector<16xf32>,
    tpu.vector_store %arg8[%swap3A_647], %add3A_646 {strides = array<i32>} : memref<256xf32, #tpu.memory_space<vmem>>, vector<16xf32>,
    %get3A_649 = arith.constant 0 : i32
    %get3A_650 = arith.index_cast %get3A_649 : i32 to index
    %get3A_651 = arith.constant 112 : index
    %get3A_652 = tpu.vector_load %arg12[%get3A_650, %get3A_651] {strides = array<i32>} : memref<16x256xf32, #tpu.memory_space<vmem>>, vector<16xf32>,
    %get3A_653 = arith.constant 1 : i32
    %get3A_654 = arith.index_cast %get3A_653 : i32 to index
    %get3A_655 = arith.constant 112 : index
    %get3A_656 = tpu.vector_load %arg12[%get3A_654, %get3A_655] {strides = array<i32>} : memref<16x256xf32, #tpu.memory_space<vmem>>, vector<16xf32>,
    %add3A_657 = arith.addf %get3A_652, %get3A_656 : vector<16xf32>
    %get3A_658 = arith.constant 2 : i32
    %get3A_659 = arith.index_cast %get3A_658 : i32 to index
    %get3A_660 = arith.constant 112 : index
    %get3A_661 = tpu.vector_load %arg12[%get3A_659, %get3A_660] {strides = array<i32>} : memref<16x256xf32, #tpu.memory_space<vmem>>, vector<16xf32>,
    %add3A_662 = arith.addf %add3A_657, %get3A_661 : vector<16xf32>
    %get3A_663 = arith.constant 3 : i32
    %get3A_664 = arith.index_cast %get3A_663 : i32 to index
    %get3A_665 = arith.constant 112 : index
    %get3A_666 = tpu.vector_load %arg12[%get3A_664, %get3A_665] {strides = array<i32>} : memref<16x256xf32, #tpu.memory_space<vmem>>, vector<16xf32>,
    %add3A_667 = arith.addf %add3A_662, %get3A_666 : vector<16xf32>
    %get3A_668 = arith.constant 4 : i32
    %get3A_669 = arith.index_cast %get3A_668 : i32 to index
    %get3A_670 = arith.constant 112 : index
    %get3A_671 = tpu.vector_load %arg12[%get3A_669, %get3A_670] {strides = array<i32>} : memref<16x256xf32, #tpu.memory_space<vmem>>, vector<16xf32>,
    %add3A_672 = arith.addf %add3A_667, %get3A_671 : vector<16xf32>
    %get3A_673 = arith.constant 5 : i32
    %get3A_674 = arith.index_cast %get3A_673 : i32 to index
    %get3A_675 = arith.constant 112 : index
    %get3A_676 = tpu.vector_load %arg12[%get3A_674, %get3A_675] {strides = array<i32>} : memref<16x256xf32, #tpu.memory_space<vmem>>, vector<16xf32>,
    %add3A_677 = arith.addf %add3A_672, %get3A_676 : vector<16xf32>
    %get3A_678 = arith.constant 6 : i32
    %get3A_679 = arith.index_cast %get3A_678 : i32 to index
    %get3A_680 = arith.constant 112 : index
    %get3A_681 = tpu.vector_load %arg12[%get3A_679, %get3A_680] {strides = array<i32>} : memref<16x256xf32, #tpu.memory_space<vmem>>, vector<16xf32>,
    %add3A_682 = arith.addf %add3A_677, %get3A_681 : vector<16xf32>
    %get3A_683 = arith.constant 7 : i32
    %get3A_684 = arith.index_cast %get3A_683 : i32 to index
    %get3A_685 = arith.constant 112 : index
    %get3A_686 = tpu.vector_load %arg12[%get3A_684, %get3A_685] {strides = array<i32>} : memref<16x256xf32, #tpu.memory_space<vmem>>, vector<16xf32>,
    %add3A_687 = arith.addf %add3A_682, %get3A_686 : vector<16xf32>
    %get3A_688 = arith.constant 8 : i32
    %get3A_689 = arith.index_cast %get3A_688 : i32 to index
    %get3A_690 = arith.constant 112 : index
    %get3A_691 = tpu.vector_load %arg12[%get3A_689, %get3A_690] {strides = array<i32>} : memref<16x256xf32, #tpu.memory_space<vmem>>, vector<16xf32>,
    %add3A_692 = arith.addf %add3A_687, %get3A_691 : vector<16xf32>
    %get3A_693 = arith.constant 9 : i32
    %get3A_694 = arith.index_cast %get3A_693 : i32 to index
    %get3A_695 = arith.constant 112 : index
    %get3A_696 = tpu.vector_load %arg12[%get3A_694, %get3A_695] {strides = array<i32>} : memref<16x256xf32, #tpu.memory_space<vmem>>, vector<16xf32>,
    %add3A_697 = arith.addf %add3A_692, %get3A_696 : vector<16xf32>
    %get3A_698 = arith.constant 10 : i32
    %get3A_699 = arith.index_cast %get3A_698 : i32 to index
    %get3A_700 = arith.constant 112 : index
    %get3A_701 = tpu.vector_load %arg12[%get3A_699, %get3A_700] {strides = array<i32>} : memref<16x256xf32, #tpu.memory_space<vmem>>, vector<16xf32>,
    %add3A_702 = arith.addf %add3A_697, %get3A_701 : vector<16xf32>
    %get3A_703 = arith.constant 11 : i32
    %get3A_704 = arith.index_cast %get3A_703 : i32 to index
    %get3A_705 = arith.constant 112 : index
    %get3A_706 = tpu.vector_load %arg12[%get3A_704, %get3A_705] {strides = array<i32>} : memref<16x256xf32, #tpu.memory_space<vmem>>, vector<16xf32>,
    %add3A_707 = arith.addf %add3A_702, %get3A_706 : vector<16xf32>
    %get3A_708 = arith.constant 12 : i32
    %get3A_709 = arith.index_cast %get3A_708 : i32 to index
    %get3A_710 = arith.constant 112 : index
    %get3A_711 = tpu.vector_load %arg12[%get3A_709, %get3A_710] {strides = array<i32>} : memref<16x256xf32, #tpu.memory_space<vmem>>, vector<16xf32>,
    %add3A_712 = arith.addf %add3A_707, %get3A_711 : vector<16xf32>
    %get3A_713 = arith.constant 13 : i32
    %get3A_714 = arith.index_cast %get3A_713 : i32 to index
    %get3A_715 = arith.constant 112 : index
    %get3A_716 = tpu.vector_load %arg12[%get3A_714, %get3A_715] {strides = array<i32>} : memref<16x256xf32, #tpu.memory_space<vmem>>, vector<16xf32>,
    %add3A_717 = arith.addf %add3A_712, %get3A_716 : vector<16xf32>
    %get3A_718 = arith.constant 14 : i32
    %get3A_719 = arith.index_cast %get3A_718 : i32 to index
    %get3A_720 = arith.constant 112 : index
    %get3A_721 = tpu.vector_load %arg12[%get3A_719, %get3A_720] {strides = array<i32>} : memref<16x256xf32, #tpu.memory_space<vmem>>, vector<16xf32>,
    %add3A_722 = arith.addf %add3A_717, %get3A_721 : vector<16xf32>
    %get3A_723 = arith.constant 15 : i32
    %get3A_724 = arith.index_cast %get3A_723 : i32 to index
    %get3A_725 = arith.constant 112 : index
    %get3A_726 = tpu.vector_load %arg12[%get3A_724, %get3A_725] {strides = array<i32>} : memref<16x256xf32, #tpu.memory_space<vmem>>, vector<16xf32>,
    %add3A_727 = arith.addf %add3A_722, %get3A_726 : vector<16xf32>
    %swap3A_728 = arith.constant 112 : index
    %swap3A_729 = tpu.vector_load %arg8[%swap3A_728] {strides = array<i32>} : memref<256xf32, #tpu.memory_space<vmem>>, vector<16xf32>,
    tpu.vector_store %arg8[%swap3A_728], %add3A_727 {strides = array<i32>} : memref<256xf32, #tpu.memory_space<vmem>>, vector<16xf32>,
    %get3A_730 = arith.constant 0 : i32
    %get3A_731 = arith.index_cast %get3A_730 : i32 to index
    %get3A_732 = arith.constant 128 : index
    %get3A_733 = tpu.vector_load %arg12[%get3A_731, %get3A_732] {strides = array<i32>} : memref<16x256xf32, #tpu.memory_space<vmem>>, vector<16xf32>,
    %get3A_734 = arith.constant 1 : i32
    %get3A_735 = arith.index_cast %get3A_734 : i32 to index
    %get3A_736 = arith.constant 128 : index
    %get3A_737 = tpu.vector_load %arg12[%get3A_735, %get3A_736] {strides = array<i32>} : memref<16x256xf32, #tpu.memory_space<vmem>>, vector<16xf32>,
    %add3A_738 = arith.addf %get3A_733, %get3A_737 : vector<16xf32>
    %get3A_739 = arith.constant 2 : i32
    %get3A_740 = arith.index_cast %get3A_739 : i32 to index
    %get3A_741 = arith.constant 128 : index
    %get3A_742 = tpu.vector_load %arg12[%get3A_740, %get3A_741] {strides = array<i32>} : memref<16x256xf32, #tpu.memory_space<vmem>>, vector<16xf32>,
    %add3A_743 = arith.addf %add3A_738, %get3A_742 : vector<16xf32>
    %get3A_744 = arith.constant 3 : i32
    %get3A_745 = arith.index_cast %get3A_744 : i32 to index
    %get3A_746 = arith.constant 128 : index
    %get3A_747 = tpu.vector_load %arg12[%get3A_745, %get3A_746] {strides = array<i32>} : memref<16x256xf32, #tpu.memory_space<vmem>>, vector<16xf32>,
    %add3A_748 = arith.addf %add3A_743, %get3A_747 : vector<16xf32>
    %get3A_749 = arith.constant 4 : i32
    %get3A_750 = arith.index_cast %get3A_749 : i32 to index
    %get3A_751 = arith.constant 128 : index
    %get3A_752 = tpu.vector_load %arg12[%get3A_750, %get3A_751] {strides = array<i32>} : memref<16x256xf32, #tpu.memory_space<vmem>>, vector<16xf32>,
    %add3A_753 = arith.addf %add3A_748, %get3A_752 : vector<16xf32>
    %get3A_754 = arith.constant 5 : i32
    %get3A_755 = arith.index_cast %get3A_754 : i32 to index
    %get3A_756 = arith.constant 128 : index
    %get3A_757 = tpu.vector_load %arg12[%get3A_755, %get3A_756] {strides = array<i32>} : memref<16x256xf32, #tpu.memory_space<vmem>>, vector<16xf32>,
    %add3A_758 = arith.addf %add3A_753, %get3A_757 : vector<16xf32>
    %get3A_759 = arith.constant 6 : i32
    %get3A_760 = arith.index_cast %get3A_759 : i32 to index
    %get3A_761 = arith.constant 128 : index
    %get3A_762 = tpu.vector_load %arg12[%get3A_760, %get3A_761] {strides = array<i32>} : memref<16x256xf32, #tpu.memory_space<vmem>>, vector<16xf32>,
    %add3A_763 = arith.addf %add3A_758, %get3A_762 : vector<16xf32>
    %get3A_764 = arith.constant 7 : i32
    %get3A_765 = arith.index_cast %get3A_764 : i32 to index
    %get3A_766 = arith.constant 128 : index
    %get3A_767 = tpu.vector_load %arg12[%get3A_765, %get3A_766] {strides = array<i32>} : memref<16x256xf32, #tpu.memory_space<vmem>>, vector<16xf32>,
    %add3A_768 = arith.addf %add3A_763, %get3A_767 : vector<16xf32>
    %get3A_769 = arith.constant 8 : i32
    %get3A_770 = arith.index_cast %get3A_769 : i32 to index
    %get3A_771 = arith.constant 128 : index
    %get3A_772 = tpu.vector_load %arg12[%get3A_770, %get3A_771] {strides = array<i32>} : memref<16x256xf32, #tpu.memory_space<vmem>>, vector<16xf32>,
    %add3A_773 = arith.addf %add3A_768, %get3A_772 : vector<16xf32>
    %get3A_774 = arith.constant 9 : i32
    %get3A_775 = arith.index_cast %get3A_774 : i32 to index
    %get3A_776 = arith.constant 128 : index
    %get3A_777 = tpu.vector_load %arg12[%get3A_775, %get3A_776] {strides = array<i32>} : memref<16x256xf32, #tpu.memory_space<vmem>>, vector<16xf32>,
    %add3A_778 = arith.addf %add3A_773, %get3A_777 : vector<16xf32>
    %get3A_779 = arith.constant 10 : i32
    %get3A_780 = arith.index_cast %get3A_779 : i32 to index
    %get3A_781 = arith.constant 128 : index
    %get3A_782 = tpu.vector_load %arg12[%get3A_780, %get3A_781] {strides = array<i32>} : memref<16x256xf32, #tpu.memory_space<vmem>>, vector<16xf32>,
    %add3A_783 = arith.addf %add3A_778, %get3A_782 : vector<16xf32>
    %get3A_784 = arith.constant 11 : i32
    %get3A_785 = arith.index_cast %get3A_784 : i32 to index
    %get3A_786 = arith.constant 128 : index
    %get3A_787 = tpu.vector_load %arg12[%get3A_785, %get3A_786] {strides = array<i32>} : memref<16x256xf32, #tpu.memory_space<vmem>>, vector<16xf32>,
    %add3A_788 = arith.addf %add3A_783, %get3A_787 : vector<16xf32>
    %get3A_789 = arith.constant 12 : i32
    %get3A_790 = arith.index_cast %get3A_789 : i32 to index
    %get3A_791 = arith.constant 128 : index
    %get3A_792 = tpu.vector_load %arg12[%get3A_790, %get3A_791] {strides = array<i32>} : memref<16x256xf32, #tpu.memory_space<vmem>>, vector<16xf32>,
    %add3A_793 = arith.addf %add3A_788, %get3A_792 : vector<16xf32>
    %get3A_794 = arith.constant 13 : i32
    %get3A_795 = arith.index_cast %get3A_794 : i32 to index
    %get3A_796 = arith.constant 128 : index
    %get3A_797 = tpu.vector_load %arg12[%get3A_795, %get3A_796] {strides = array<i32>} : memref<16x256xf32, #tpu.memory_space<vmem>>, vector<16xf32>,
    %add3A_798 = arith.addf %add3A_793, %get3A_797 : vector<16xf32>
    %get3A_799 = arith.constant 14 : i32
    %get3A_800 = arith.index_cast %get3A_799 : i32 to index
    %get3A_801 = arith.constant 128 : index
    %get3A_802 = tpu.vector_load %arg12[%get3A_800, %get3A_801] {strides = array<i32>} : memref<16x256xf32, #tpu.memory_space<vmem>>, vector<16xf32>,
    %add3A_803 = arith.addf %add3A_798, %get3A_802 : vector<16xf32>
    %get3A_804 = arith.constant 15 : i32
    %get3A_805 = arith.index_cast %get3A_804 : i32 to index
    %get3A_806 = arith.constant 128 : index
    %get3A_807 = tpu.vector_load %arg12[%get3A_805, %get3A_806] {strides = array<i32>} : memref<16x256xf32, #tpu.memory_space<vmem>>, vector<16xf32>,
    %add3A_808 = arith.addf %add3A_803, %get3A_807 : vector<16xf32>
    %swap3A_809 = arith.constant 128 : index
    %swap3A_810 = tpu.vector_load %arg8[%swap3A_809] {strides = array<i32>} : memref<256xf32, #tpu.memory_space<vmem>>, vector<16xf32>,
    tpu.vector_store %arg8[%swap3A_809], %add3A_808 {strides = array<i32>} : memref<256xf32, #tpu.memory_space<vmem>>, vector<16xf32>,
    %get3A_811 = arith.constant 0 : i32
    %get3A_812 = arith.index_cast %get3A_811 : i32 to index
    %get3A_813 = arith.constant 144 : index
    %get3A_814 = tpu.vector_load %arg12[%get3A_812, %get3A_813] {strides = array<i32>} : memref<16x256xf32, #tpu.memory_space<vmem>>, vector<16xf32>,
    %get3A_815 = arith.constant 1 : i32
    %get3A_816 = arith.index_cast %get3A_815 : i32 to index
    %get3A_817 = arith.constant 144 : index
    %get3A_818 = tpu.vector_load %arg12[%get3A_816, %get3A_817] {strides = array<i32>} : memref<16x256xf32, #tpu.memory_space<vmem>>, vector<16xf32>,
    %add3A_819 = arith.addf %get3A_814, %get3A_818 : vector<16xf32>
    %get3A_820 = arith.constant 2 : i32
    %get3A_821 = arith.index_cast %get3A_820 : i32 to index
    %get3A_822 = arith.constant 144 : index
    %get3A_823 = tpu.vector_load %arg12[%get3A_821, %get3A_822] {strides = array<i32>} : memref<16x256xf32, #tpu.memory_space<vmem>>, vector<16xf32>,
    %add3A_824 = arith.addf %add3A_819, %get3A_823 : vector<16xf32>
    %get3A_825 = arith.constant 3 : i32
    %get3A_826 = arith.index_cast %get3A_825 : i32 to index
    %get3A_827 = arith.constant 144 : index
    %get3A_828 = tpu.vector_load %arg12[%get3A_826, %get3A_827] {strides = array<i32>} : memref<16x256xf32, #tpu.memory_space<vmem>>, vector<16xf32>,
    %add3A_829 = arith.addf %add3A_824, %get3A_828 : vector<16xf32>
    %get3A_830 = arith.constant 4 : i32
    %get3A_831 = arith.index_cast %get3A_830 : i32 to index
    %get3A_832 = arith.constant 144 : index
    %get3A_833 = tpu.vector_load %arg12[%get3A_831, %get3A_832] {strides = array<i32>} : memref<16x256xf32, #tpu.memory_space<vmem>>, vector<16xf32>,
    %add3A_834 = arith.addf %add3A_829, %get3A_833 : vector<16xf32>
    %get3A_835 = arith.constant 5 : i32
    %get3A_836 = arith.index_cast %get3A_835 : i32 to index
    %get3A_837 = arith.constant 144 : index
    %get3A_838 = tpu.vector_load %arg12[%get3A_836, %get3A_837] {strides = array<i32>} : memref<16x256xf32, #tpu.memory_space<vmem>>, vector<16xf32>,
    %add3A_839 = arith.addf %add3A_834, %get3A_838 : vector<16xf32>
    %get3A_840 = arith.constant 6 : i32
    %get3A_841 = arith.index_cast %get3A_840 : i32 to index
    %get3A_842 = arith.constant 144 : index
    %get3A_843 = tpu.vector_load %arg12[%get3A_841, %get3A_842] {strides = array<i32>} : memref<16x256xf32, #tpu.memory_space<vmem>>, vector<16xf32>,
    %add3A_844 = arith.addf %add3A_839, %get3A_843 : vector<16xf32>
    %get3A_845 = arith.constant 7 : i32
    %get3A_846 = arith.index_cast %get3A_845 : i32 to index
    %get3A_847 = arith.constant 144 : index
    %get3A_848 = tpu.vector_load %arg12[%get3A_846, %get3A_847] {strides = array<i32>} : memref<16x256xf32, #tpu.memory_space<vmem>>, vector<16xf32>,
    %add3A_849 = arith.addf %add3A_844, %get3A_848 : vector<16xf32>
    %get3A_850 = arith.constant 8 : i32
    %get3A_851 = arith.index_cast %get3A_850 : i32 to index
    %get3A_852 = arith.constant 144 : index
    %get3A_853 = tpu.vector_load %arg12[%get3A_851, %get3A_852] {strides = array<i32>} : memref<16x256xf32, #tpu.memory_space<vmem>>, vector<16xf32>,
    %add3A_854 = arith.addf %add3A_849, %get3A_853 : vector<16xf32>
    %get3A_855 = arith.constant 9 : i32
    %get3A_856 = arith.index_cast %get3A_855 : i32 to index
    %get3A_857 = arith.constant 144 : index
    %get3A_858 = tpu.vector_load %arg12[%get3A_856, %get3A_857] {strides = array<i32>} : memref<16x256xf32, #tpu.memory_space<vmem>>, vector<16xf32>,
    %add3A_859 = arith.addf %add3A_854, %get3A_858 : vector<16xf32>
    %get3A_860 = arith.constant 10 : i32
    %get3A_861 = arith.index_cast %get3A_860 : i32 to index
    %get3A_862 = arith.constant 144 : index
    %get3A_863 = tpu.vector_load %arg12[%get3A_861, %get3A_862] {strides = array<i32>} : memref<16x256xf32, #tpu.memory_space<vmem>>, vector<16xf32>,
    %add3A_864 = arith.addf %add3A_859, %get3A_863 : vector<16xf32>
    %get3A_865 = arith.constant 11 : i32
    %get3A_866 = arith.index_cast %get3A_865 : i32 to index
    %get3A_867 = arith.constant 144 : index
    %get3A_868 = tpu.vector_load %arg12[%get3A_866, %get3A_867] {strides = array<i32>} : memref<16x256xf32, #tpu.memory_space<vmem>>, vector<16xf32>,
    %add3A_869 = arith.addf %add3A_864, %get3A_868 : vector<16xf32>
    %get3A_870 = arith.constant 12 : i32
    %get3A_871 = arith.index_cast %get3A_870 : i32 to index
    %get3A_872 = arith.constant 144 : index
    %get3A_873 = tpu.vector_load %arg12[%get3A_871, %get3A_872] {strides = array<i32>} : memref<16x256xf32, #tpu.memory_space<vmem>>, vector<16xf32>,
    %add3A_874 = arith.addf %add3A_869, %get3A_873 : vector<16xf32>
    %get3A_875 = arith.constant 13 : i32
    %get3A_876 = arith.index_cast %get3A_875 : i32 to index
    %get3A_877 = arith.constant 144 : index
    %get3A_878 = tpu.vector_load %arg12[%get3A_876, %get3A_877] {strides = array<i32>} : memref<16x256xf32, #tpu.memory_space<vmem>>, vector<16xf32>,
    %add3A_879 = arith.addf %add3A_874, %get3A_878 : vector<16xf32>
    %get3A_880 = arith.constant 14 : i32
    %get3A_881 = arith.index_cast %get3A_880 : i32 to index
    %get3A_882 = arith.constant 144 : index
    %get3A_883 = tpu.vector_load %arg12[%get3A_881, %get3A_882] {strides = array<i32>} : memref<16x256xf32, #tpu.memory_space<vmem>>, vector<16xf32>,
    %add3A_884 = arith.addf %add3A_879, %get3A_883 : vector<16xf32>
    %get3A_885 = arith.constant 15 : i32
    %get3A_886 = arith.index_cast %get3A_885 : i32 to index
    %get3A_887 = arith.constant 144 : index
    %get3A_888 = tpu.vector_load %arg12[%get3A_886, %get3A_887] {strides = array<i32>} : memref<16x256xf32, #tpu.memory_space<vmem>>, vector<16xf32>,
    %add3A_889 = arith.addf %add3A_884, %get3A_888 : vector<16xf32>
    %swap3A_890 = arith.constant 144 : index
    %swap3A_891 = tpu.vector_load %arg8[%swap3A_890] {strides = array<i32>} : memref<256xf32, #tpu.memory_space<vmem>>, vector<16xf32>,
    tpu.vector_store %arg8[%swap3A_890], %add3A_889 {strides = array<i32>} : memref<256xf32, #tpu.memory_space<vmem>>, vector<16xf32>,
    %get3A_892 = arith.constant 0 : i32
    %get3A_893 = arith.index_cast %get3A_892 : i32 to index
    %get3A_894 = arith.constant 160 : index
    %get3A_895 = tpu.vector_load %arg12[%get3A_893, %get3A_894] {strides = array<i32>} : memref<16x256xf32, #tpu.memory_space<vmem>>, vector<16xf32>,
    %get3A_896 = arith.constant 1 : i32
    %get3A_897 = arith.index_cast %get3A_896 : i32 to index
    %get3A_898 = arith.constant 160 : index
    %get3A_899 = tpu.vector_load %arg12[%get3A_897, %get3A_898] {strides = array<i32>} : memref<16x256xf32, #tpu.memory_space<vmem>>, vector<16xf32>,
    %add3A_900 = arith.addf %get3A_895, %get3A_899 : vector<16xf32>
    %get3A_901 = arith.constant 2 : i32
    %get3A_902 = arith.index_cast %get3A_901 : i32 to index
    %get3A_903 = arith.constant 160 : index
    %get3A_904 = tpu.vector_load %arg12[%get3A_902, %get3A_903] {strides = array<i32>} : memref<16x256xf32, #tpu.memory_space<vmem>>, vector<16xf32>,
    %add3A_905 = arith.addf %add3A_900, %get3A_904 : vector<16xf32>
    %get3A_906 = arith.constant 3 : i32
    %get3A_907 = arith.index_cast %get3A_906 : i32 to index
    %get3A_908 = arith.constant 160 : index
    %get3A_909 = tpu.vector_load %arg12[%get3A_907, %get3A_908] {strides = array<i32>} : memref<16x256xf32, #tpu.memory_space<vmem>>, vector<16xf32>,
    %add3A_910 = arith.addf %add3A_905, %get3A_909 : vector<16xf32>
    %get3A_911 = arith.constant 4 : i32
    %get3A_912 = arith.index_cast %get3A_911 : i32 to index
    %get3A_913 = arith.constant 160 : index
    %get3A_914 = tpu.vector_load %arg12[%get3A_912, %get3A_913] {strides = array<i32>} : memref<16x256xf32, #tpu.memory_space<vmem>>, vector<16xf32>,
    %add3A_915 = arith.addf %add3A_910, %get3A_914 : vector<16xf32>
    %get3A_916 = arith.constant 5 : i32
    %get3A_917 = arith.index_cast %get3A_916 : i32 to index
    %get3A_918 = arith.constant 160 : index
    %get3A_919 = tpu.vector_load %arg12[%get3A_917, %get3A_918] {strides = array<i32>} : memref<16x256xf32, #tpu.memory_space<vmem>>, vector<16xf32>,
    %add3A_920 = arith.addf %add3A_915, %get3A_919 : vector<16xf32>
    %get3A_921 = arith.constant 6 : i32
    %get3A_922 = arith.index_cast %get3A_921 : i32 to index
    %get3A_923 = arith.constant 160 : index
    %get3A_924 = tpu.vector_load %arg12[%get3A_922, %get3A_923] {strides = array<i32>} : memref<16x256xf32, #tpu.memory_space<vmem>>, vector<16xf32>,
    %add3A_925 = arith.addf %add3A_920, %get3A_924 : vector<16xf32>
    %get3A_926 = arith.constant 7 : i32
    %get3A_927 = arith.index_cast %get3A_926 : i32 to index
    %get3A_928 = arith.constant 160 : index
    %get3A_929 = tpu.vector_load %arg12[%get3A_927, %get3A_928] {strides = array<i32>} : memref<16x256xf32, #tpu.memory_space<vmem>>, vector<16xf32>,
    %add3A_930 = arith.addf %add3A_925, %get3A_929 : vector<16xf32>
    %get3A_931 = arith.constant 8 : i32
    %get3A_932 = arith.index_cast %get3A_931 : i32 to index
    %get3A_933 = arith.constant 160 : index
    %get3A_934 = tpu.vector_load %arg12[%get3A_932, %get3A_933] {strides = array<i32>} : memref<16x256xf32, #tpu.memory_space<vmem>>, vector<16xf32>,
    %add3A_935 = arith.addf %add3A_930, %get3A_934 : vector<16xf32>
    %get3A_936 = arith.constant 9 : i32
    %get3A_937 = arith.index_cast %get3A_936 : i32 to index
    %get3A_938 = arith.constant 160 : index
    %get3A_939 = tpu.vector_load %arg12[%get3A_937, %get3A_938] {strides = array<i32>} : memref<16x256xf32, #tpu.memory_space<vmem>>, vector<16xf32>,
    %add3A_940 = arith.addf %add3A_935, %get3A_939 : vector<16xf32>
    %get3A_941 = arith.constant 10 : i32
    %get3A_942 = arith.index_cast %get3A_941 : i32 to index
    %get3A_943 = arith.constant 160 : index
    %get3A_944 = tpu.vector_load %arg12[%get3A_942, %get3A_943] {strides = array<i32>} : memref<16x256xf32, #tpu.memory_space<vmem>>, vector<16xf32>,
    %add3A_945 = arith.addf %add3A_940, %get3A_944 : vector<16xf32>
    %get3A_946 = arith.constant 11 : i32
    %get3A_947 = arith.index_cast %get3A_946 : i32 to index
    %get3A_948 = arith.constant 160 : index
    %get3A_949 = tpu.vector_load %arg12[%get3A_947, %get3A_948] {strides = array<i32>} : memref<16x256xf32, #tpu.memory_space<vmem>>, vector<16xf32>,
    %add3A_950 = arith.addf %add3A_945, %get3A_949 : vector<16xf32>
    %get3A_951 = arith.constant 12 : i32
    %get3A_952 = arith.index_cast %get3A_951 : i32 to index
    %get3A_953 = arith.constant 160 : index
    %get3A_954 = tpu.vector_load %arg12[%get3A_952, %get3A_953] {strides = array<i32>} : memref<16x256xf32, #tpu.memory_space<vmem>>, vector<16xf32>,
    %add3A_955 = arith.addf %add3A_950, %get3A_954 : vector<16xf32>
    %get3A_956 = arith.constant 13 : i32
    %get3A_957 = arith.index_cast %get3A_956 : i32 to index
    %get3A_958 = arith.constant 160 : index
    %get3A_959 = tpu.vector_load %arg12[%get3A_957, %get3A_958] {strides = array<i32>} : memref<16x256xf32, #tpu.memory_space<vmem>>, vector<16xf32>,
    %add3A_960 = arith.addf %add3A_955, %get3A_959 : vector<16xf32>
    %get3A_961 = arith.constant 14 : i32
    %get3A_962 = arith.index_cast %get3A_961 : i32 to index
    %get3A_963 = arith.constant 160 : index
    %get3A_964 = tpu.vector_load %arg12[%get3A_962, %get3A_963] {strides = array<i32>} : memref<16x256xf32, #tpu.memory_space<vmem>>, vector<16xf32>,
    %add3A_965 = arith.addf %add3A_960, %get3A_964 : vector<16xf32>
    %get3A_966 = arith.constant 15 : i32
    %get3A_967 = arith.index_cast %get3A_966 : i32 to index
    %get3A_968 = arith.constant 160 : index
    %get3A_969 = tpu.vector_load %arg12[%get3A_967, %get3A_968] {strides = array<i32>} : memref<16x256xf32, #tpu.memory_space<vmem>>, vector<16xf32>,
    %add3A_970 = arith.addf %add3A_965, %get3A_969 : vector<16xf32>
    %swap3A_971 = arith.constant 160 : index
    %swap3A_972 = tpu.vector_load %arg8[%swap3A_971] {strides = array<i32>} : memref<256xf32, #tpu.memory_space<vmem>>, vector<16xf32>,
    tpu.vector_store %arg8[%swap3A_971], %add3A_970 {strides = array<i32>} : memref<256xf32, #tpu.memory_space<vmem>>, vector<16xf32>,
    %get3A_973 = arith.constant 0 : i32
    %get3A_974 = arith.index_cast %get3A_973 : i32 to index
    %get3A_975 = arith.constant 176 : index
    %get3A_976 = tpu.vector_load %arg12[%get3A_974, %get3A_975] {strides = array<i32>} : memref<16x256xf32, #tpu.memory_space<vmem>>, vector<16xf32>,
    %get3A_977 = arith.constant 1 : i32
    %get3A_978 = arith.index_cast %get3A_977 : i32 to index
    %get3A_979 = arith.constant 176 : index
    %get3A_980 = tpu.vector_load %arg12[%get3A_978, %get3A_979] {strides = array<i32>} : memref<16x256xf32, #tpu.memory_space<vmem>>, vector<16xf32>,
    %add3A_981 = arith.addf %get3A_976, %get3A_980 : vector<16xf32>
    %get3A_982 = arith.constant 2 : i32
    %get3A_983 = arith.index_cast %get3A_982 : i32 to index
    %get3A_984 = arith.constant 176 : index
    %get3A_985 = tpu.vector_load %arg12[%get3A_983, %get3A_984] {strides = array<i32>} : memref<16x256xf32, #tpu.memory_space<vmem>>, vector<16xf32>,
    %add3A_986 = arith.addf %add3A_981, %get3A_985 : vector<16xf32>
    %get3A_987 = arith.constant 3 : i32
    %get3A_988 = arith.index_cast %get3A_987 : i32 to index
    %get3A_989 = arith.constant 176 : index
    %get3A_990 = tpu.vector_load %arg12[%get3A_988, %get3A_989] {strides = array<i32>} : memref<16x256xf32, #tpu.memory_space<vmem>>, vector<16xf32>,
    %add3A_991 = arith.addf %add3A_986, %get3A_990 : vector<16xf32>
    %get3A_992 = arith.constant 4 : i32
    %get3A_993 = arith.index_cast %get3A_992 : i32 to index
    %get3A_994 = arith.constant 176 : index
    %get3A_995 = tpu.vector_load %arg12[%get3A_993, %get3A_994] {strides = array<i32>} : memref<16x256xf32, #tpu.memory_space<vmem>>, vector<16xf32>,
    %add3A_996 = arith.addf %add3A_991, %get3A_995 : vector<16xf32>
    %get3A_997 = arith.constant 5 : i32
    %get3A_998 = arith.index_cast %get3A_997 : i32 to index
    %get3A_999 = arith.constant 176 : index
    %get3A_1000 = tpu.vector_load %arg12[%get3A_998, %get3A_999] {strides = array<i32>} : memref<16x256xf32, #tpu.memory_space<vmem>>, vector<16xf32>,
    %add3A_1001 = arith.addf %add3A_996, %get3A_1000 : vector<16xf32>
    %get3A_1002 = arith.constant 6 : i32
    %get3A_1003 = arith.index_cast %get3A_1002 : i32 to index
    %get3A_1004 = arith.constant 176 : index
    %get3A_1005 = tpu.vector_load %arg12[%get3A_1003, %get3A_1004] {strides = array<i32>} : memref<16x256xf32, #tpu.memory_space<vmem>>, vector<16xf32>,
    %add3A_1006 = arith.addf %add3A_1001, %get3A_1005 : vector<16xf32>
    %get3A_1007 = arith.constant 7 : i32
    %get3A_1008 = arith.index_cast %get3A_1007 : i32 to index
    %get3A_1009 = arith.constant 176 : index
    %get3A_1010 = tpu.vector_load %arg12[%get3A_1008, %get3A_1009] {strides = array<i32>} : memref<16x256xf32, #tpu.memory_space<vmem>>, vector<16xf32>,
    %add3A_1011 = arith.addf %add3A_1006, %get3A_1010 : vector<16xf32>
    %get3A_1012 = arith.constant 8 : i32
    %get3A_1013 = arith.index_cast %get3A_1012 : i32 to index
    %get3A_1014 = arith.constant 176 : index
    %get3A_1015 = tpu.vector_load %arg12[%get3A_1013, %get3A_1014] {strides = array<i32>} : memref<16x256xf32, #tpu.memory_space<vmem>>, vector<16xf32>,
    %add3A_1016 = arith.addf %add3A_1011, %get3A_1015 : vector<16xf32>
    %get3A_1017 = arith.constant 9 : i32
    %get3A_1018 = arith.index_cast %get3A_1017 : i32 to index
    %get3A_1019 = arith.constant 176 : index
    %get3A_1020 = tpu.vector_load %arg12[%get3A_1018, %get3A_1019] {strides = array<i32>} : memref<16x256xf32, #tpu.memory_space<vmem>>, vector<16xf32>,
    %add3A_1021 = arith.addf %add3A_1016, %get3A_1020 : vector<16xf32>
    %get3A_1022 = arith.constant 10 : i32
    %get3A_1023 = arith.index_cast %get3A_1022 : i32 to index
    %get3A_1024 = arith.constant 176 : index
    %get3A_1025 = tpu.vector_load %arg12[%get3A_1023, %get3A_1024] {strides = array<i32>} : memref<16x256xf32, #tpu.memory_space<vmem>>, vector<16xf32>,
    %add3A_1026 = arith.addf %add3A_1021, %get3A_1025 : vector<16xf32>
    %get3A_1027 = arith.constant 11 : i32
    %get3A_1028 = arith.index_cast %get3A_1027 : i32 to index
    %get3A_1029 = arith.constant 176 : index
    %get3A_1030 = tpu.vector_load %arg12[%get3A_1028, %get3A_1029] {strides = array<i32>} : memref<16x256xf32, #tpu.memory_space<vmem>>, vector<16xf32>,
    %add3A_1031 = arith.addf %add3A_1026, %get3A_1030 : vector<16xf32>
    %get3A_1032 = arith.constant 12 : i32
    %get3A_1033 = arith.index_cast %get3A_1032 : i32 to index
    %get3A_1034 = arith.constant 176 : index
    %get3A_1035 = tpu.vector_load %arg12[%get3A_1033, %get3A_1034] {strides = array<i32>} : memref<16x256xf32, #tpu.memory_space<vmem>>, vector<16xf32>,
    %add3A_1036 = arith.addf %add3A_1031, %get3A_1035 : vector<16xf32>
    %get3A_1037 = arith.constant 13 : i32
    %get3A_1038 = arith.index_cast %get3A_1037 : i32 to index
    %get3A_1039 = arith.constant 176 : index
    %get3A_1040 = tpu.vector_load %arg12[%get3A_1038, %get3A_1039] {strides = array<i32>} : memref<16x256xf32, #tpu.memory_space<vmem>>, vector<16xf32>,
    %add3A_1041 = arith.addf %add3A_1036, %get3A_1040 : vector<16xf32>
    %get3A_1042 = arith.constant 14 : i32
    %get3A_1043 = arith.index_cast %get3A_1042 : i32 to index
    %get3A_1044 = arith.constant 176 : index
    %get3A_1045 = tpu.vector_load %arg12[%get3A_1043, %get3A_1044] {strides = array<i32>} : memref<16x256xf32, #tpu.memory_space<vmem>>, vector<16xf32>,
    %add3A_1046 = arith.addf %add3A_1041, %get3A_1045 : vector<16xf32>
    %get3A_1047 = arith.constant 15 : i32
    %get3A_1048 = arith.index_cast %get3A_1047 : i32 to index
    %get3A_1049 = arith.constant 176 : index
    %get3A_1050 = tpu.vector_load %arg12[%get3A_1048, %get3A_1049] {strides = array<i32>} : memref<16x256xf32, #tpu.memory_space<vmem>>, vector<16xf32>,
    %add3A_1051 = arith.addf %add3A_1046, %get3A_1050 : vector<16xf32>
    %swap3A_1052 = arith.constant 176 : index
    %swap3A_1053 = tpu.vector_load %arg8[%swap3A_1052] {strides = array<i32>} : memref<256xf32, #tpu.memory_space<vmem>>, vector<16xf32>,
    tpu.vector_store %arg8[%swap3A_1052], %add3A_1051 {strides = array<i32>} : memref<256xf32, #tpu.memory_space<vmem>>, vector<16xf32>,
    %get3A_1054 = arith.constant 0 : i32
    %get3A_1055 = arith.index_cast %get3A_1054 : i32 to index
    %get3A_1056 = arith.constant 192 : index
    %get3A_1057 = tpu.vector_load %arg12[%get3A_1055, %get3A_1056] {strides = array<i32>} : memref<16x256xf32, #tpu.memory_space<vmem>>, vector<16xf32>,
    %get3A_1058 = arith.constant 1 : i32
    %get3A_1059 = arith.index_cast %get3A_1058 : i32 to index
    %get3A_1060 = arith.constant 192 : index
    %get3A_1061 = tpu.vector_load %arg12[%get3A_1059, %get3A_1060] {strides = array<i32>} : memref<16x256xf32, #tpu.memory_space<vmem>>, vector<16xf32>,
    %add3A_1062 = arith.addf %get3A_1057, %get3A_1061 : vector<16xf32>
    %get3A_1063 = arith.constant 2 : i32
    %get3A_1064 = arith.index_cast %get3A_1063 : i32 to index
    %get3A_1065 = arith.constant 192 : index
    %get3A_1066 = tpu.vector_load %arg12[%get3A_1064, %get3A_1065] {strides = array<i32>} : memref<16x256xf32, #tpu.memory_space<vmem>>, vector<16xf32>,
    %add3A_1067 = arith.addf %add3A_1062, %get3A_1066 : vector<16xf32>
    %get3A_1068 = arith.constant 3 : i32
    %get3A_1069 = arith.index_cast %get3A_1068 : i32 to index
    %get3A_1070 = arith.constant 192 : index
    %get3A_1071 = tpu.vector_load %arg12[%get3A_1069, %get3A_1070] {strides = array<i32>} : memref<16x256xf32, #tpu.memory_space<vmem>>, vector<16xf32>,
    %add3A_1072 = arith.addf %add3A_1067, %get3A_1071 : vector<16xf32>
    %get3A_1073 = arith.constant 4 : i32
    %get3A_1074 = arith.index_cast %get3A_1073 : i32 to index
    %get3A_1075 = arith.constant 192 : index
    %get3A_1076 = tpu.vector_load %arg12[%get3A_1074, %get3A_1075] {strides = array<i32>} : memref<16x256xf32, #tpu.memory_space<vmem>>, vector<16xf32>,
    %add3A_1077 = arith.addf %add3A_1072, %get3A_1076 : vector<16xf32>
    %get3A_1078 = arith.constant 5 : i32
    %get3A_1079 = arith.index_cast %get3A_1078 : i32 to index
    %get3A_1080 = arith.constant 192 : index
    %get3A_1081 = tpu.vector_load %arg12[%get3A_1079, %get3A_1080] {strides = array<i32>} : memref<16x256xf32, #tpu.memory_space<vmem>>, vector<16xf32>,
    %add3A_1082 = arith.addf %add3A_1077, %get3A_1081 : vector<16xf32>
    %get3A_1083 = arith.constant 6 : i32
    %get3A_1084 = arith.index_cast %get3A_1083 : i32 to index
    %get3A_1085 = arith.constant 192 : index
    %get3A_1086 = tpu.vector_load %arg12[%get3A_1084, %get3A_1085] {strides = array<i32>} : memref<16x256xf32, #tpu.memory_space<vmem>>, vector<16xf32>,
    %add3A_1087 = arith.addf %add3A_1082, %get3A_1086 : vector<16xf32>
    %get3A_1088 = arith.constant 7 : i32
    %get3A_1089 = arith.index_cast %get3A_1088 : i32 to index
    %get3A_1090 = arith.constant 192 : index
    %get3A_1091 = tpu.vector_load %arg12[%get3A_1089, %get3A_1090] {strides = array<i32>} : memref<16x256xf32, #tpu.memory_space<vmem>>, vector<16xf32>,
    %add3A_1092 = arith.addf %add3A_1087, %get3A_1091 : vector<16xf32>
    %get3A_1093 = arith.constant 8 : i32
    %get3A_1094 = arith.index_cast %get3A_1093 : i32 to index
    %get3A_1095 = arith.constant 192 : index
    %get3A_1096 = tpu.vector_load %arg12[%get3A_1094, %get3A_1095] {strides = array<i32>} : memref<16x256xf32, #tpu.memory_space<vmem>>, vector<16xf32>,
    %add3A_1097 = arith.addf %add3A_1092, %get3A_1096 : vector<16xf32>
    %get3A_1098 = arith.constant 9 : i32
    %get3A_1099 = arith.index_cast %get3A_1098 : i32 to index
    %get3A_1100 = arith.constant 192 : index
    %get3A_1101 = tpu.vector_load %arg12[%get3A_1099, %get3A_1100] {strides = array<i32>} : memref<16x256xf32, #tpu.memory_space<vmem>>, vector<16xf32>,
    %add3A_1102 = arith.addf %add3A_1097, %get3A_1101 : vector<16xf32>
    %get3A_1103 = arith.constant 10 : i32
    %get3A_1104 = arith.index_cast %get3A_1103 : i32 to index
    %get3A_1105 = arith.constant 192 : index
    %get3A_1106 = tpu.vector_load %arg12[%get3A_1104, %get3A_1105] {strides = array<i32>} : memref<16x256xf32, #tpu.memory_space<vmem>>, vector<16xf32>,
    %add3A_1107 = arith.addf %add3A_1102, %get3A_1106 : vector<16xf32>
    %get3A_1108 = arith.constant 11 : i32
    %get3A_1109 = arith.index_cast %get3A_1108 : i32 to index
    %get3A_1110 = arith.constant 192 : index
    %get3A_1111 = tpu.vector_load %arg12[%get3A_1109, %get3A_1110] {strides = array<i32>} : memref<16x256xf32, #tpu.memory_space<vmem>>, vector<16xf32>,
    %add3A_1112 = arith.addf %add3A_1107, %get3A_1111 : vector<16xf32>
    %get3A_1113 = arith.constant 12 : i32
    %get3A_1114 = arith.index_cast %get3A_1113 : i32 to index
    %get3A_1115 = arith.constant 192 : index
    %get3A_1116 = tpu.vector_load %arg12[%get3A_1114, %get3A_1115] {strides = array<i32>} : memref<16x256xf32, #tpu.memory_space<vmem>>, vector<16xf32>,
    %add3A_1117 = arith.addf %add3A_1112, %get3A_1116 : vector<16xf32>
    %get3A_1118 = arith.constant 13 : i32
    %get3A_1119 = arith.index_cast %get3A_1118 : i32 to index
    %get3A_1120 = arith.constant 192 : index
    %get3A_1121 = tpu.vector_load %arg12[%get3A_1119, %get3A_1120] {strides = array<i32>} : memref<16x256xf32, #tpu.memory_space<vmem>>, vector<16xf32>,
    %add3A_1122 = arith.addf %add3A_1117, %get3A_1121 : vector<16xf32>
    %get3A_1123 = arith.constant 14 : i32
    %get3A_1124 = arith.index_cast %get3A_1123 : i32 to index
    %get3A_1125 = arith.constant 192 : index
    %get3A_1126 = tpu.vector_load %arg12[%get3A_1124, %get3A_1125] {strides = array<i32>} : memref<16x256xf32, #tpu.memory_space<vmem>>, vector<16xf32>,
    %add3A_1127 = arith.addf %add3A_1122, %get3A_1126 : vector<16xf32>
    %get3A_1128 = arith.constant 15 : i32
    %get3A_1129 = arith.index_cast %get3A_1128 : i32 to index
    %get3A_1130 = arith.constant 192 : index
    %get3A_1131 = tpu.vector_load %arg12[%get3A_1129, %get3A_1130] {strides = array<i32>} : memref<16x256xf32, #tpu.memory_space<vmem>>, vector<16xf32>,
    %add3A_1132 = arith.addf %add3A_1127, %get3A_1131 : vector<16xf32>
    %swap3A_1133 = arith.constant 192 : index
    %swap3A_1134 = tpu.vector_load %arg8[%swap3A_1133] {strides = array<i32>} : memref<256xf32, #tpu.memory_space<vmem>>, vector<16xf32>,
    tpu.vector_store %arg8[%swap3A_1133], %add3A_1132 {strides = array<i32>} : memref<256xf32, #tpu.memory_space<vmem>>, vector<16xf32>,
    %get3A_1135 = arith.constant 0 : i32
    %get3A_1136 = arith.index_cast %get3A_1135 : i32 to index
    %get3A_1137 = arith.constant 208 : index
    %get3A_1138 = tpu.vector_load %arg12[%get3A_1136, %get3A_1137] {strides = array<i32>} : memref<16x256xf32, #tpu.memory_space<vmem>>, vector<16xf32>,
    %get3A_1139 = arith.constant 1 : i32
    %get3A_1140 = arith.index_cast %get3A_1139 : i32 to index
    %get3A_1141 = arith.constant 208 : index
    %get3A_1142 = tpu.vector_load %arg12[%get3A_1140, %get3A_1141] {strides = array<i32>} : memref<16x256xf32, #tpu.memory_space<vmem>>, vector<16xf32>,
    %add3A_1143 = arith.addf %get3A_1138, %get3A_1142 : vector<16xf32>
    %get3A_1144 = arith.constant 2 : i32
    %get3A_1145 = arith.index_cast %get3A_1144 : i32 to index
    %get3A_1146 = arith.constant 208 : index
    %get3A_1147 = tpu.vector_load %arg12[%get3A_1145, %get3A_1146] {strides = array<i32>} : memref<16x256xf32, #tpu.memory_space<vmem>>, vector<16xf32>,
    %add3A_1148 = arith.addf %add3A_1143, %get3A_1147 : vector<16xf32>
    %get3A_1149 = arith.constant 3 : i32
    %get3A_1150 = arith.index_cast %get3A_1149 : i32 to index
    %get3A_1151 = arith.constant 208 : index
    %get3A_1152 = tpu.vector_load %arg12[%get3A_1150, %get3A_1151] {strides = array<i32>} : memref<16x256xf32, #tpu.memory_space<vmem>>, vector<16xf32>,
    %add3A_1153 = arith.addf %add3A_1148, %get3A_1152 : vector<16xf32>
    %get3A_1154 = arith.constant 4 : i32
    %get3A_1155 = arith.index_cast %get3A_1154 : i32 to index
    %get3A_1156 = arith.constant 208 : index
    %get3A_1157 = tpu.vector_load %arg12[%get3A_1155, %get3A_1156] {strides = array<i32>} : memref<16x256xf32, #tpu.memory_space<vmem>>, vector<16xf32>,
    %add3A_1158 = arith.addf %add3A_1153, %get3A_1157 : vector<16xf32>
    %get3A_1159 = arith.constant 5 : i32
    %get3A_1160 = arith.index_cast %get3A_1159 : i32 to index
    %get3A_1161 = arith.constant 208 : index
    %get3A_1162 = tpu.vector_load %arg12[%get3A_1160, %get3A_1161] {strides = array<i32>} : memref<16x256xf32, #tpu.memory_space<vmem>>, vector<16xf32>,
    %add3A_1163 = arith.addf %add3A_1158, %get3A_1162 : vector<16xf32>
    %get3A_1164 = arith.constant 6 : i32
    %get3A_1165 = arith.index_cast %get3A_1164 : i32 to index
    %get3A_1166 = arith.constant 208 : index
    %get3A_1167 = tpu.vector_load %arg12[%get3A_1165, %get3A_1166] {strides = array<i32>} : memref<16x256xf32, #tpu.memory_space<vmem>>, vector<16xf32>,
    %add3A_1168 = arith.addf %add3A_1163, %get3A_1167 : vector<16xf32>
    %get3A_1169 = arith.constant 7 : i32
    %get3A_1170 = arith.index_cast %get3A_1169 : i32 to index
    %get3A_1171 = arith.constant 208 : index
    %get3A_1172 = tpu.vector_load %arg12[%get3A_1170, %get3A_1171] {strides = array<i32>} : memref<16x256xf32, #tpu.memory_space<vmem>>, vector<16xf32>,
    %add3A_1173 = arith.addf %add3A_1168, %get3A_1172 : vector<16xf32>
    %get3A_1174 = arith.constant 8 : i32
    %get3A_1175 = arith.index_cast %get3A_1174 : i32 to index
    %get3A_1176 = arith.constant 208 : index
    %get3A_1177 = tpu.vector_load %arg12[%get3A_1175, %get3A_1176] {strides = array<i32>} : memref<16x256xf32, #tpu.memory_space<vmem>>, vector<16xf32>,
    %add3A_1178 = arith.addf %add3A_1173, %get3A_1177 : vector<16xf32>
    %get3A_1179 = arith.constant 9 : i32
    %get3A_1180 = arith.index_cast %get3A_1179 : i32 to index
    %get3A_1181 = arith.constant 208 : index
    %get3A_1182 = tpu.vector_load %arg12[%get3A_1180, %get3A_1181] {strides = array<i32>} : memref<16x256xf32, #tpu.memory_space<vmem>>, vector<16xf32>,
    %add3A_1183 = arith.addf %add3A_1178, %get3A_1182 : vector<16xf32>
    %get3A_1184 = arith.constant 10 : i32
    %get3A_1185 = arith.index_cast %get3A_1184 : i32 to index
    %get3A_1186 = arith.constant 208 : index
    %get3A_1187 = tpu.vector_load %arg12[%get3A_1185, %get3A_1186] {strides = array<i32>} : memref<16x256xf32, #tpu.memory_space<vmem>>, vector<16xf32>,
    %add3A_1188 = arith.addf %add3A_1183, %get3A_1187 : vector<16xf32>
    %get3A_1189 = arith.constant 11 : i32
    %get3A_1190 = arith.index_cast %get3A_1189 : i32 to index
    %get3A_1191 = arith.constant 208 : index
    %get3A_1192 = tpu.vector_load %arg12[%get3A_1190, %get3A_1191] {strides = array<i32>} : memref<16x256xf32, #tpu.memory_space<vmem>>, vector<16xf32>,
    %add3A_1193 = arith.addf %add3A_1188, %get3A_1192 : vector<16xf32>
    %get3A_1194 = arith.constant 12 : i32
    %get3A_1195 = arith.index_cast %get3A_1194 : i32 to index
    %get3A_1196 = arith.constant 208 : index
    %get3A_1197 = tpu.vector_load %arg12[%get3A_1195, %get3A_1196] {strides = array<i32>} : memref<16x256xf32, #tpu.memory_space<vmem>>, vector<16xf32>,
    %add3A_1198 = arith.addf %add3A_1193, %get3A_1197 : vector<16xf32>
    %get3A_1199 = arith.constant 13 : i32
    %get3A_1200 = arith.index_cast %get3A_1199 : i32 to index
    %get3A_1201 = arith.constant 208 : index
    %get3A_1202 = tpu.vector_load %arg12[%get3A_1200, %get3A_1201] {strides = array<i32>} : memref<16x256xf32, #tpu.memory_space<vmem>>, vector<16xf32>,
    %add3A_1203 = arith.addf %add3A_1198, %get3A_1202 : vector<16xf32>
    %get3A_1204 = arith.constant 14 : i32
    %get3A_1205 = arith.index_cast %get3A_1204 : i32 to index
    %get3A_1206 = arith.constant 208 : index
    %get3A_1207 = tpu.vector_load %arg12[%get3A_1205, %get3A_1206] {strides = array<i32>} : memref<16x256xf32, #tpu.memory_space<vmem>>, vector<16xf32>,
    %add3A_1208 = arith.addf %add3A_1203, %get3A_1207 : vector<16xf32>
    %get3A_1209 = arith.constant 15 : i32
    %get3A_1210 = arith.index_cast %get3A_1209 : i32 to index
    %get3A_1211 = arith.constant 208 : index
    %get3A_1212 = tpu.vector_load %arg12[%get3A_1210, %get3A_1211] {strides = array<i32>} : memref<16x256xf32, #tpu.memory_space<vmem>>, vector<16xf32>,
    %add3A_1213 = arith.addf %add3A_1208, %get3A_1212 : vector<16xf32>
    %swap3A_1214 = arith.constant 208 : index
    %swap3A_1215 = tpu.vector_load %arg8[%swap3A_1214] {strides = array<i32>} : memref<256xf32, #tpu.memory_space<vmem>>, vector<16xf32>,
    tpu.vector_store %arg8[%swap3A_1214], %add3A_1213 {strides = array<i32>} : memref<256xf32, #tpu.memory_space<vmem>>, vector<16xf32>,
    %get3A_1216 = arith.constant 0 : i32
    %get3A_1217 = arith.index_cast %get3A_1216 : i32 to index
    %get3A_1218 = arith.constant 224 : index
    %get3A_1219 = tpu.vector_load %arg12[%get3A_1217, %get3A_1218] {strides = array<i32>} : memref<16x256xf32, #tpu.memory_space<vmem>>, vector<16xf32>,
    %get3A_1220 = arith.constant 1 : i32
    %get3A_1221 = arith.index_cast %get3A_1220 : i32 to index
    %get3A_1222 = arith.constant 224 : index
    %get3A_1223 = tpu.vector_load %arg12[%get3A_1221, %get3A_1222] {strides = array<i32>} : memref<16x256xf32, #tpu.memory_space<vmem>>, vector<16xf32>,
    %add3A_1224 = arith.addf %get3A_1219, %get3A_1223 : vector<16xf32>
    %get3A_1225 = arith.constant 2 : i32
    %get3A_1226 = arith.index_cast %get3A_1225 : i32 to index
    %get3A_1227 = arith.constant 224 : index
    %get3A_1228 = tpu.vector_load %arg12[%get3A_1226, %get3A_1227] {strides = array<i32>} : memref<16x256xf32, #tpu.memory_space<vmem>>, vector<16xf32>,
    %add3A_1229 = arith.addf %add3A_1224, %get3A_1228 : vector<16xf32>
    %get3A_1230 = arith.constant 3 : i32
    %get3A_1231 = arith.index_cast %get3A_1230 : i32 to index
    %get3A_1232 = arith.constant 224 : index
    %get3A_1233 = tpu.vector_load %arg12[%get3A_1231, %get3A_1232] {strides = array<i32>} : memref<16x256xf32, #tpu.memory_space<vmem>>, vector<16xf32>,
    %add3A_1234 = arith.addf %add3A_1229, %get3A_1233 : vector<16xf32>
    %get3A_1235 = arith.constant 4 : i32
    %get3A_1236 = arith.index_cast %get3A_1235 : i32 to index
    %get3A_1237 = arith.constant 224 : index
    %get3A_1238 = tpu.vector_load %arg12[%get3A_1236, %get3A_1237] {strides = array<i32>} : memref<16x256xf32, #tpu.memory_space<vmem>>, vector<16xf32>,
    %add3A_1239 = arith.addf %add3A_1234, %get3A_1238 : vector<16xf32>
    %get3A_1240 = arith.constant 5 : i32
    %get3A_1241 = arith.index_cast %get3A_1240 : i32 to index
    %get3A_1242 = arith.constant 224 : index
    %get3A_1243 = tpu.vector_load %arg12[%get3A_1241, %get3A_1242] {strides = array<i32>} : memref<16x256xf32, #tpu.memory_space<vmem>>, vector<16xf32>,
    %add3A_1244 = arith.addf %add3A_1239, %get3A_1243 : vector<16xf32>
    %get3A_1245 = arith.constant 6 : i32
    %get3A_1246 = arith.index_cast %get3A_1245 : i32 to index
    %get3A_1247 = arith.constant 224 : index
    %get3A_1248 = tpu.vector_load %arg12[%get3A_1246, %get3A_1247] {strides = array<i32>} : memref<16x256xf32, #tpu.memory_space<vmem>>, vector<16xf32>,
    %add3A_1249 = arith.addf %add3A_1244, %get3A_1248 : vector<16xf32>
    %get3A_1250 = arith.constant 7 : i32
    %get3A_1251 = arith.index_cast %get3A_1250 : i32 to index
    %get3A_1252 = arith.constant 224 : index
    %get3A_1253 = tpu.vector_load %arg12[%get3A_1251, %get3A_1252] {strides = array<i32>} : memref<16x256xf32, #tpu.memory_space<vmem>>, vector<16xf32>,
    %add3A_1254 = arith.addf %add3A_1249, %get3A_1253 : vector<16xf32>
    %get3A_1255 = arith.constant 8 : i32
    %get3A_1256 = arith.index_cast %get3A_1255 : i32 to index
    %get3A_1257 = arith.constant 224 : index
    %get3A_1258 = tpu.vector_load %arg12[%get3A_1256, %get3A_1257] {strides = array<i32>} : memref<16x256xf32, #tpu.memory_space<vmem>>, vector<16xf32>,
    %add3A_1259 = arith.addf %add3A_1254, %get3A_1258 : vector<16xf32>
    %get3A_1260 = arith.constant 9 : i32
    %get3A_1261 = arith.index_cast %get3A_1260 : i32 to index
    %get3A_1262 = arith.constant 224 : index
    %get3A_1263 = tpu.vector_load %arg12[%get3A_1261, %get3A_1262] {strides = array<i32>} : memref<16x256xf32, #tpu.memory_space<vmem>>, vector<16xf32>,
    %add3A_1264 = arith.addf %add3A_1259, %get3A_1263 : vector<16xf32>
    %get3A_1265 = arith.constant 10 : i32
    %get3A_1266 = arith.index_cast %get3A_1265 : i32 to index
    %get3A_1267 = arith.constant 224 : index
    %get3A_1268 = tpu.vector_load %arg12[%get3A_1266, %get3A_1267] {strides = array<i32>} : memref<16x256xf32, #tpu.memory_space<vmem>>, vector<16xf32>,
    %add3A_1269 = arith.addf %add3A_1264, %get3A_1268 : vector<16xf32>
    %get3A_1270 = arith.constant 11 : i32
    %get3A_1271 = arith.index_cast %get3A_1270 : i32 to index
    %get3A_1272 = arith.constant 224 : index
    %get3A_1273 = tpu.vector_load %arg12[%get3A_1271, %get3A_1272] {strides = array<i32>} : memref<16x256xf32, #tpu.memory_space<vmem>>, vector<16xf32>,
    %add3A_1274 = arith.addf %add3A_1269, %get3A_1273 : vector<16xf32>
    %get3A_1275 = arith.constant 12 : i32
    %get3A_1276 = arith.index_cast %get3A_1275 : i32 to index
    %get3A_1277 = arith.constant 224 : index
    %get3A_1278 = tpu.vector_load %arg12[%get3A_1276, %get3A_1277] {strides = array<i32>} : memref<16x256xf32, #tpu.memory_space<vmem>>, vector<16xf32>,
    %add3A_1279 = arith.addf %add3A_1274, %get3A_1278 : vector<16xf32>
    %get3A_1280 = arith.constant 13 : i32
    %get3A_1281 = arith.index_cast %get3A_1280 : i32 to index
    %get3A_1282 = arith.constant 224 : index
    %get3A_1283 = tpu.vector_load %arg12[%get3A_1281, %get3A_1282] {strides = array<i32>} : memref<16x256xf32, #tpu.memory_space<vmem>>, vector<16xf32>,
    %add3A_1284 = arith.addf %add3A_1279, %get3A_1283 : vector<16xf32>
    %get3A_1285 = arith.constant 14 : i32
    %get3A_1286 = arith.index_cast %get3A_1285 : i32 to index
    %get3A_1287 = arith.constant 224 : index
    %get3A_1288 = tpu.vector_load %arg12[%get3A_1286, %get3A_1287] {strides = array<i32>} : memref<16x256xf32, #tpu.memory_space<vmem>>, vector<16xf32>,
    %add3A_1289 = arith.addf %add3A_1284, %get3A_1288 : vector<16xf32>
    %get3A_1290 = arith.constant 15 : i32
    %get3A_1291 = arith.index_cast %get3A_1290 : i32 to index
    %get3A_1292 = arith.constant 224 : index
    %get3A_1293 = tpu.vector_load %arg12[%get3A_1291, %get3A_1292] {strides = array<i32>} : memref<16x256xf32, #tpu.memory_space<vmem>>, vector<16xf32>,
    %add3A_1294 = arith.addf %add3A_1289, %get3A_1293 : vector<16xf32>
    %swap3A_1295 = arith.constant 224 : index
    %swap3A_1296 = tpu.vector_load %arg8[%swap3A_1295] {strides = array<i32>} : memref<256xf32, #tpu.memory_space<vmem>>, vector<16xf32>,
    tpu.vector_store %arg8[%swap3A_1295], %add3A_1294 {strides = array<i32>} : memref<256xf32, #tpu.memory_space<vmem>>, vector<16xf32>,
    %get3A_1297 = arith.constant 0 : i32
    %get3A_1298 = arith.index_cast %get3A_1297 : i32 to index
    %get3A_1299 = arith.constant 240 : index
    %get3A_1300 = tpu.vector_load %arg12[%get3A_1298, %get3A_1299] {strides = array<i32>} : memref<16x256xf32, #tpu.memory_space<vmem>>, vector<16xf32>,
    %get3A_1301 = arith.constant 1 : i32
    %get3A_1302 = arith.index_cast %get3A_1301 : i32 to index
    %get3A_1303 = arith.constant 240 : index
    %get3A_1304 = tpu.vector_load %arg12[%get3A_1302, %get3A_1303] {strides = array<i32>} : memref<16x256xf32, #tpu.memory_space<vmem>>, vector<16xf32>,
    %add3A_1305 = arith.addf %get3A_1300, %get3A_1304 : vector<16xf32>
    %get3A_1306 = arith.constant 2 : i32
    %get3A_1307 = arith.index_cast %get3A_1306 : i32 to index
    %get3A_1308 = arith.constant 240 : index
    %get3A_1309 = tpu.vector_load %arg12[%get3A_1307, %get3A_1308] {strides = array<i32>} : memref<16x256xf32, #tpu.memory_space<vmem>>, vector<16xf32>,
    %add3A_1310 = arith.addf %add3A_1305, %get3A_1309 : vector<16xf32>
    %get3A_1311 = arith.constant 3 : i32
    %get3A_1312 = arith.index_cast %get3A_1311 : i32 to index
    %get3A_1313 = arith.constant 240 : index
    %get3A_1314 = tpu.vector_load %arg12[%get3A_1312, %get3A_1313] {strides = array<i32>} : memref<16x256xf32, #tpu.memory_space<vmem>>, vector<16xf32>,
    %add3A_1315 = arith.addf %add3A_1310, %get3A_1314 : vector<16xf32>
    %get3A_1316 = arith.constant 4 : i32
    %get3A_1317 = arith.index_cast %get3A_1316 : i32 to index
    %get3A_1318 = arith.constant 240 : index
    %get3A_1319 = tpu.vector_load %arg12[%get3A_1317, %get3A_1318] {strides = array<i32>} : memref<16x256xf32, #tpu.memory_space<vmem>>, vector<16xf32>,
    %add3A_1320 = arith.addf %add3A_1315, %get3A_1319 : vector<16xf32>
    %get3A_1321 = arith.constant 5 : i32
    %get3A_1322 = arith.index_cast %get3A_1321 : i32 to index
    %get3A_1323 = arith.constant 240 : index
    %get3A_1324 = tpu.vector_load %arg12[%get3A_1322, %get3A_1323] {strides = array<i32>} : memref<16x256xf32, #tpu.memory_space<vmem>>, vector<16xf32>,
    %add3A_1325 = arith.addf %add3A_1320, %get3A_1324 : vector<16xf32>
    %get3A_1326 = arith.constant 6 : i32
    %get3A_1327 = arith.index_cast %get3A_1326 : i32 to index
    %get3A_1328 = arith.constant 240 : index
    %get3A_1329 = tpu.vector_load %arg12[%get3A_1327, %get3A_1328] {strides = array<i32>} : memref<16x256xf32, #tpu.memory_space<vmem>>, vector<16xf32>,
    %add3A_1330 = arith.addf %add3A_1325, %get3A_1329 : vector<16xf32>
    %get3A_1331 = arith.constant 7 : i32
    %get3A_1332 = arith.index_cast %get3A_1331 : i32 to index
    %get3A_1333 = arith.constant 240 : index
    %get3A_1334 = tpu.vector_load %arg12[%get3A_1332, %get3A_1333] {strides = array<i32>} : memref<16x256xf32, #tpu.memory_space<vmem>>, vector<16xf32>,
    %add3A_1335 = arith.addf %add3A_1330, %get3A_1334 : vector<16xf32>
    %get3A_1336 = arith.constant 8 : i32
    %get3A_1337 = arith.index_cast %get3A_1336 : i32 to index
    %get3A_1338 = arith.constant 240 : index
    %get3A_1339 = tpu.vector_load %arg12[%get3A_1337, %get3A_1338] {strides = array<i32>} : memref<16x256xf32, #tpu.memory_space<vmem>>, vector<16xf32>,
    %add3A_1340 = arith.addf %add3A_1335, %get3A_1339 : vector<16xf32>
    %get3A_1341 = arith.constant 9 : i32
    %get3A_1342 = arith.index_cast %get3A_1341 : i32 to index
    %get3A_1343 = arith.constant 240 : index
    %get3A_1344 = tpu.vector_load %arg12[%get3A_1342, %get3A_1343] {strides = array<i32>} : memref<16x256xf32, #tpu.memory_space<vmem>>, vector<16xf32>,
    %add3A_1345 = arith.addf %add3A_1340, %get3A_1344 : vector<16xf32>
    %get3A_1346 = arith.constant 10 : i32
    %get3A_1347 = arith.index_cast %get3A_1346 : i32 to index
    %get3A_1348 = arith.constant 240 : index
    %get3A_1349 = tpu.vector_load %arg12[%get3A_1347, %get3A_1348] {strides = array<i32>} : memref<16x256xf32, #tpu.memory_space<vmem>>, vector<16xf32>,
    %add3A_1350 = arith.addf %add3A_1345, %get3A_1349 : vector<16xf32>
    %get3A_1351 = arith.constant 11 : i32
    %get3A_1352 = arith.index_cast %get3A_1351 : i32 to index
    %get3A_1353 = arith.constant 240 : index
    %get3A_1354 = tpu.vector_load %arg12[%get3A_1352, %get3A_1353] {strides = array<i32>} : memref<16x256xf32, #tpu.memory_space<vmem>>, vector<16xf32>,
    %add3A_1355 = arith.addf %add3A_1350, %get3A_1354 : vector<16xf32>
    %get3A_1356 = arith.constant 12 : i32
    %get3A_1357 = arith.index_cast %get3A_1356 : i32 to index
    %get3A_1358 = arith.constant 240 : index
    %get3A_1359 = tpu.vector_load %arg12[%get3A_1357, %get3A_1358] {strides = array<i32>} : memref<16x256xf32, #tpu.memory_space<vmem>>, vector<16xf32>,
    %add3A_1360 = arith.addf %add3A_1355, %get3A_1359 : vector<16xf32>
    %get3A_1361 = arith.constant 13 : i32
    %get3A_1362 = arith.index_cast %get3A_1361 : i32 to index
    %get3A_1363 = arith.constant 240 : index
    %get3A_1364 = tpu.vector_load %arg12[%get3A_1362, %get3A_1363] {strides = array<i32>} : memref<16x256xf32, #tpu.memory_space<vmem>>, vector<16xf32>,
    %add3A_1365 = arith.addf %add3A_1360, %get3A_1364 : vector<16xf32>
    %get3A_1366 = arith.constant 14 : i32
    %get3A_1367 = arith.index_cast %get3A_1366 : i32 to index
    %get3A_1368 = arith.constant 240 : index
    %get3A_1369 = tpu.vector_load %arg12[%get3A_1367, %get3A_1368] {strides = array<i32>} : memref<16x256xf32, #tpu.memory_space<vmem>>, vector<16xf32>,
    %add3A_1370 = arith.addf %add3A_1365, %get3A_1369 : vector<16xf32>
    %get3A_1371 = arith.constant 15 : i32
    %get3A_1372 = arith.index_cast %get3A_1371 : i32 to index
    %get3A_1373 = arith.constant 240 : index
    %get3A_1374 = tpu.vector_load %arg12[%get3A_1372, %get3A_1373] {strides = array<i32>} : memref<16x256xf32, #tpu.memory_space<vmem>>, vector<16xf32>,
    %add3A_1375 = arith.addf %add3A_1370, %get3A_1374 : vector<16xf32>
    %swap3A_1376 = arith.constant 240 : index
    %swap3A_1377 = tpu.vector_load %arg8[%swap3A_1376] {strides = array<i32>} : memref<256xf32, #tpu.memory_space<vmem>>, vector<16xf32>,
    tpu.vector_store %arg8[%swap3A_1376], %add3A_1375 {strides = array<i32>} : memref<256xf32, #tpu.memory_space<vmem>>, vector<16xf32>,
    %dma_wait3A_1378 = tpu.memref_slice %arg2[%mul3A_2] : memref<50176xf32, #tpu.memory_space<hbm>> -> memref<1568xf32, #tpu.memory_space<hbm>>
    %dma_wait3A_1379 = tpu.memref_slice %arg2[%mul3A_2] : memref<50176xf32, #tpu.memory_space<hbm>> -> memref<1568xf32, #tpu.memory_space<hbm>>
    tpu.wait_dma2 semaphore(%arg14 : memref<!tpu.dma_semaphore, #tpu.memory_space<semaphore_mem>>) src(%dma_wait3A_1379 : memref<1568xf32, #tpu.memory_space<hbm>>) dst(%arg5 : memref<1568xf32, #tpu.memory_space<vmem>>)
    %dma_wait3A_1380 = tpu.memref_slice %arg3[%mul3A_2] : memref<50176xi32, #tpu.memory_space<hbm>> -> memref<1568xi32, #tpu.memory_space<hbm>>
    %dma_wait3A_1381 = tpu.memref_slice %arg3[%mul3A_2] : memref<50176xi32, #tpu.memory_space<hbm>> -> memref<1568xi32, #tpu.memory_space<hbm>>
    tpu.wait_dma2 semaphore(%arg15 : memref<!tpu.dma_semaphore, #tpu.memory_space<semaphore_mem>>) src(%dma_wait3A_1381 : memref<1568xi32, #tpu.memory_space<hbm>>) dst(%arg6 : memref<1568xi32, #tpu.memory_space<vmem>>)
    %scan3A_1382 = arith.constant 0 : i32
    %scan3A_1383 = arith.constant 0 : i32
    %scan3A_1384 = arith.constant 14 : i32
    %scan3A_1385 = arith.addi %scan3A_1383, %scan3A_1384 : i32
    %scan3A_1386 = arith.constant 1 : i32
    %scan3A_1387 = scf.for %scan3A_1389 = %scan3A_1383 to %scan3A_1385 step %scan3A_1386 iter_args(%scan3A_1390 = %scan3A_1382) -> (i32)  : i32 {
      %mul3A_1391 = arith.constant 7 : i32
      %mul3A_1392 = arith.muli %scan3A_1389, %mul3A_1391 : i32
      %add3A_1393 = arith.constant 0 : i32
      %add3A_1394 = arith.addi %mul3A_1392, %add3A_1393 : i32
      %mul3A_1395 = arith.constant 16 : i32
      %mul3A_1396 = arith.muli %add3A_1394, %mul3A_1395 : i32
      %get3A_1397 = arith.index_cast %mul3A_1396 : i32 to index
      %get3A_1398 = tpu.vector_load %arg6[%get3A_1397] {strides = array<i32>} : memref<1568xi32, #tpu.memory_space<vmem>>, vector<16xi32>,
      %gather3A = tpu.vector_load_idx %arg8[%get3A_1398] : memref<256xf32, #tpu.memory_space<vmem>>[vector<16xi32>], vector<16xf32>,
      %get3A_1399 = arith.index_cast %mul3A_1396 : i32 to index
      %get3A_1400 = tpu.vector_load %arg5[%get3A_1399] {strides = array<i32>} : memref<1568xf32, #tpu.memory_space<vmem>>, vector<16xf32>,
      %exp3A = math.exp %get3A_1400 : vector<16xf32>
      %div3A = arith.divf %exp3A, %gather3A : vector<16xf32>
      %swap3A_1401 = arith.index_cast %mul3A_1396 : i32 to index
      %swap3A_1402 = tpu.vector_load %arg7[%swap3A_1401] {strides = array<i32>} : memref<1568xf32, #tpu.memory_space<vmem>>, vector<16xf32>,
      tpu.vector_store %arg7[%swap3A_1401], %div3A {strides = array<i32>} : memref<1568xf32, #tpu.memory_space<vmem>>, vector<16xf32>,
      %mul3A_1403 = arith.constant 7 : i32
      %mul3A_1404 = arith.muli %scan3A_1389, %mul3A_1403 : i32
      %add3A_1405 = arith.constant 1 : i32
      %add3A_1406 = arith.addi %mul3A_1404, %add3A_1405 : i32
      %mul3A_1407 = arith.constant 16 : i32
      %mul3A_1408 = arith.muli %add3A_1406, %mul3A_1407 : i32
      %get3A_1409 = arith.index_cast %mul3A_1408 : i32 to index
      %get3A_1410 = tpu.vector_load %arg6[%get3A_1409] {strides = array<i32>} : memref<1568xi32, #tpu.memory_space<vmem>>, vector<16xi32>,
      %gather3A_1411 = tpu.vector_load_idx %arg8[%get3A_1410] : memref<256xf32, #tpu.memory_space<vmem>>[vector<16xi32>], vector<16xf32>,
      %get3A_1412 = arith.index_cast %mul3A_1408 : i32 to index
      %get3A_1413 = tpu.vector_load %arg5[%get3A_1412] {strides = array<i32>} : memref<1568xf32, #tpu.memory_space<vmem>>, vector<16xf32>,
      %exp3A_1414 = math.exp %get3A_1413 : vector<16xf32>
      %div3A_1415 = arith.divf %exp3A_1414, %gather3A_1411 : vector<16xf32>
      %swap3A_1416 = arith.index_cast %mul3A_1408 : i32 to index
      %swap3A_1417 = tpu.vector_load %arg7[%swap3A_1416] {strides = array<i32>} : memref<1568xf32, #tpu.memory_space<vmem>>, vector<16xf32>,
      tpu.vector_store %arg7[%swap3A_1416], %div3A_1415 {strides = array<i32>} : memref<1568xf32, #tpu.memory_space<vmem>>, vector<16xf32>,
      %mul3A_1418 = arith.constant 7 : i32
      %mul3A_1419 = arith.muli %scan3A_1389, %mul3A_1418 : i32
      %add3A_1420 = arith.constant 2 : i32
      %add3A_1421 = arith.addi %mul3A_1419, %add3A_1420 : i32
      %mul3A_1422 = arith.constant 16 : i32
      %mul3A_1423 = arith.muli %add3A_1421, %mul3A_1422 : i32
      %get3A_1424 = arith.index_cast %mul3A_1423 : i32 to index
      %get3A_1425 = tpu.vector_load %arg6[%get3A_1424] {strides = array<i32>} : memref<1568xi32, #tpu.memory_space<vmem>>, vector<16xi32>,
      %gather3A_1426 = tpu.vector_load_idx %arg8[%get3A_1425] : memref<256xf32, #tpu.memory_space<vmem>>[vector<16xi32>], vector<16xf32>,
      %get3A_1427 = arith.index_cast %mul3A_1423 : i32 to index
      %get3A_1428 = tpu.vector_load %arg5[%get3A_1427] {strides = array<i32>} : memref<1568xf32, #tpu.memory_space<vmem>>, vector<16xf32>,
      %exp3A_1429 = math.exp %get3A_1428 : vector<16xf32>
      %div3A_1430 = arith.divf %exp3A_1429, %gather3A_1426 : vector<16xf32>
      %swap3A_1431 = arith.index_cast %mul3A_1423 : i32 to index
      %swap3A_1432 = tpu.vector_load %arg7[%swap3A_1431] {strides = array<i32>} : memref<1568xf32, #tpu.memory_space<vmem>>, vector<16xf32>,
      tpu.vector_store %arg7[%swap3A_1431], %div3A_1430 {strides = array<i32>} : memref<1568xf32, #tpu.memory_space<vmem>>, vector<16xf32>,
      %mul3A_1433 = arith.constant 7 : i32
      %mul3A_1434 = arith.muli %scan3A_1389, %mul3A_1433 : i32
      %add3A_1435 = arith.constant 3 : i32
      %add3A_1436 = arith.addi %mul3A_1434, %add3A_1435 : i32
      %mul3A_1437 = arith.constant 16 : i32
      %mul3A_1438 = arith.muli %add3A_1436, %mul3A_1437 : i32
      %get3A_1439 = arith.index_cast %mul3A_1438 : i32 to index
      %get3A_1440 = tpu.vector_load %arg6[%get3A_1439] {strides = array<i32>} : memref<1568xi32, #tpu.memory_space<vmem>>, vector<16xi32>,
      %gather3A_1441 = tpu.vector_load_idx %arg8[%get3A_1440] : memref<256xf32, #tpu.memory_space<vmem>>[vector<16xi32>], vector<16xf32>,
      %get3A_1442 = arith.index_cast %mul3A_1438 : i32 to index
      %get3A_1443 = tpu.vector_load %arg5[%get3A_1442] {strides = array<i32>} : memref<1568xf32, #tpu.memory_space<vmem>>, vector<16xf32>,
      %exp3A_1444 = math.exp %get3A_1443 : vector<16xf32>
      %div3A_1445 = arith.divf %exp3A_1444, %gather3A_1441 : vector<16xf32>
      %swap3A_1446 = arith.index_cast %mul3A_1438 : i32 to index
      %swap3A_1447 = tpu.vector_load %arg7[%swap3A_1446] {strides = array<i32>} : memref<1568xf32, #tpu.memory_space<vmem>>, vector<16xf32>,
      tpu.vector_store %arg7[%swap3A_1446], %div3A_1445 {strides = array<i32>} : memref<1568xf32, #tpu.memory_space<vmem>>, vector<16xf32>,
      %mul3A_1448 = arith.constant 7 : i32
      %mul3A_1449 = arith.muli %scan3A_1389, %mul3A_1448 : i32
      %add3A_1450 = arith.constant 4 : i32
      %add3A_1451 = arith.addi %mul3A_1449, %add3A_1450 : i32
      %mul3A_1452 = arith.constant 16 : i32
      %mul3A_1453 = arith.muli %add3A_1451, %mul3A_1452 : i32
      %get3A_1454 = arith.index_cast %mul3A_1453 : i32 to index
      %get3A_1455 = tpu.vector_load %arg6[%get3A_1454] {strides = array<i32>} : memref<1568xi32, #tpu.memory_space<vmem>>, vector<16xi32>,
      %gather3A_1456 = tpu.vector_load_idx %arg8[%get3A_1455] : memref<256xf32, #tpu.memory_space<vmem>>[vector<16xi32>], vector<16xf32>,
      %get3A_1457 = arith.index_cast %mul3A_1453 : i32 to index
      %get3A_1458 = tpu.vector_load %arg5[%get3A_1457] {strides = array<i32>} : memref<1568xf32, #tpu.memory_space<vmem>>, vector<16xf32>,
      %exp3A_1459 = math.exp %get3A_1458 : vector<16xf32>
      %div3A_1460 = arith.divf %exp3A_1459, %gather3A_1456 : vector<16xf32>
      %swap3A_1461 = arith.index_cast %mul3A_1453 : i32 to index
      %swap3A_1462 = tpu.vector_load %arg7[%swap3A_1461] {strides = array<i32>} : memref<1568xf32, #tpu.memory_space<vmem>>, vector<16xf32>,
      tpu.vector_store %arg7[%swap3A_1461], %div3A_1460 {strides = array<i32>} : memref<1568xf32, #tpu.memory_space<vmem>>, vector<16xf32>,
      %mul3A_1463 = arith.constant 7 : i32
      %mul3A_1464 = arith.muli %scan3A_1389, %mul3A_1463 : i32
      %add3A_1465 = arith.constant 5 : i32
      %add3A_1466 = arith.addi %mul3A_1464, %add3A_1465 : i32
      %mul3A_1467 = arith.constant 16 : i32
      %mul3A_1468 = arith.muli %add3A_1466, %mul3A_1467 : i32
      %get3A_1469 = arith.index_cast %mul3A_1468 : i32 to index
      %get3A_1470 = tpu.vector_load %arg6[%get3A_1469] {strides = array<i32>} : memref<1568xi32, #tpu.memory_space<vmem>>, vector<16xi32>,
      %gather3A_1471 = tpu.vector_load_idx %arg8[%get3A_1470] : memref<256xf32, #tpu.memory_space<vmem>>[vector<16xi32>], vector<16xf32>,
      %get3A_1472 = arith.index_cast %mul3A_1468 : i32 to index
      %get3A_1473 = tpu.vector_load %arg5[%get3A_1472] {strides = array<i32>} : memref<1568xf32, #tpu.memory_space<vmem>>, vector<16xf32>,
      %exp3A_1474 = math.exp %get3A_1473 : vector<16xf32>
      %div3A_1475 = arith.divf %exp3A_1474, %gather3A_1471 : vector<16xf32>
      %swap3A_1476 = arith.index_cast %mul3A_1468 : i32 to index
      %swap3A_1477 = tpu.vector_load %arg7[%swap3A_1476] {strides = array<i32>} : memref<1568xf32, #tpu.memory_space<vmem>>, vector<16xf32>,
      tpu.vector_store %arg7[%swap3A_1476], %div3A_1475 {strides = array<i32>} : memref<1568xf32, #tpu.memory_space<vmem>>, vector<16xf32>,
      %mul3A_1478 = arith.constant 7 : i32
      %mul3A_1479 = arith.muli %scan3A_1389, %mul3A_1478 : i32
      %add3A_1480 = arith.constant 6 : i32
      %add3A_1481 = arith.addi %mul3A_1479, %add3A_1480 : i32
      %mul3A_1482 = arith.constant 16 : i32
      %mul3A_1483 = arith.muli %add3A_1481, %mul3A_1482 : i32
      %get3A_1484 = arith.index_cast %mul3A_1483 : i32 to index
      %get3A_1485 = tpu.vector_load %arg6[%get3A_1484] {strides = array<i32>} : memref<1568xi32, #tpu.memory_space<vmem>>, vector<16xi32>,
      %gather3A_1486 = tpu.vector_load_idx %arg8[%get3A_1485] : memref<256xf32, #tpu.memory_space<vmem>>[vector<16xi32>], vector<16xf32>,
      %get3A_1487 = arith.index_cast %mul3A_1483 : i32 to index
      %get3A_1488 = tpu.vector_load %arg5[%get3A_1487] {strides = array<i32>} : memref<1568xf32, #tpu.memory_space<vmem>>, vector<16xf32>,
      %exp3A_1489 = math.exp %get3A_1488 : vector<16xf32>
      %div3A_1490 = arith.divf %exp3A_1489, %gather3A_1486 : vector<16xf32>
      %swap3A_1491 = arith.index_cast %mul3A_1483 : i32 to index
      %swap3A_1492 = tpu.vector_load %arg7[%swap3A_1491] {strides = array<i32>} : memref<1568xf32, #tpu.memory_space<vmem>>, vector<16xf32>,
      tpu.vector_store %arg7[%swap3A_1491], %div3A_1490 {strides = array<i32>} : memref<1568xf32, #tpu.memory_space<vmem>>, vector<16xf32>,
      %scan3A_1493 = arith.constant 0 : i32
      scf.yield %scan3A_1493 : i32
    }
    %scan3A_1388 = arith.constant 14 : i32
    "tpu.region"() ({
      %run_scoped3A = tpu.sem_alloc : memref<!tpu.dma_semaphore, #tpu.memory_space<semaphore_mem>>
      %dma_start3A_1389 = tpu.memref_slice %arg4[%mul3A_2] : memref<50176xf32, #tpu.memory_space<hbm>> -> memref<1568xf32, #tpu.memory_space<hbm>>
      %dma_start3A_1390 = tpu.memref_slice %arg4[%mul3A_2] : memref<50176xf32, #tpu.memory_space<hbm>> -> memref<1568xf32, #tpu.memory_space<hbm>>
      tpu.enqueue_dma source(%arg7 : memref<1568xf32, #tpu.memory_space<vmem>>) target(%dma_start3A_1390 : memref<1568xf32, #tpu.memory_space<hbm>>) target_semaphore(%run_scoped3A : memref<!tpu.dma_semaphore, #tpu.memory_space<semaphore_mem>>)
      %dma_wait3A_1391 = tpu.memref_slice %arg4[%mul3A_2] : memref<50176xf32, #tpu.memory_space<hbm>> -> memref<1568xf32, #tpu.memory_space<hbm>>
      %dma_wait3A_1392 = tpu.memref_slice %arg4[%mul3A_2] : memref<50176xf32, #tpu.memory_space<hbm>> -> memref<1568xf32, #tpu.memory_space<hbm>>
      tpu.wait_dma2 semaphore(%run_scoped3A : memref<!tpu.dma_semaphore, #tpu.memory_space<semaphore_mem>>) src(%arg7 : memref<1568xf32, #tpu.memory_space<vmem>>) dst(%dma_wait3A_1392 : memref<1568xf32, #tpu.memory_space<hbm>>)
      tpu.yield
    }) : () -> ()
    return
  }
}

module attributes {stable_mosaic.version = 14 : i64} {
  func.func @_pass1_body(%arg0: i32, %arg1: memref<5000x256xf32, #tpu.memory_space<vmem>>, %arg2: memref<1x5000x1xi32, #tpu.memory_space<vmem>>, %arg3: memref<256x256xf32, #tpu.memory_space<vmem>>, %arg4: memref<512x256xf32, #tpu.memory_space<vmem>>, %arg5: memref<1x256xf32, #tpu.memory_space<vmem>>, %arg6: memref<1x256xf32, #tpu.memory_space<vmem>>, %arg7: memref<1x256xf32, #tpu.memory_space<vmem>>, %arg8: memref<256x256xf32, #tpu.memory_space<vmem>>, %arg9: memref<1x256xf32, #tpu.memory_space<vmem>>, %arg10: memref<1x256xf32, #tpu.memory_space<vmem>>, %arg11: memref<1x256xf32, #tpu.memory_space<vmem>>, %arg12: memref<256x1xf32, #tpu.memory_space<vmem>>, %arg13: memref<1x1xf32, #tpu.memory_space<vmem>>, %arg14: memref<5000x1xf32, #tpu.memory_space<vmem>>, %arg15: memref<256x256xbf16, #tpu.memory_space<vmem>>, %arg16: memref<256x256xf32, #tpu.memory_space<vmem>>, %arg17: memref<256x256xf32, #tpu.memory_space<vmem>>, %arg18: memref<256x256xf32, #tpu.memory_space<vmem>>, %arg19: memref<1x256xf32, #tpu.memory_space<vmem>>, %arg20: memref<1x256xf32, #tpu.memory_space<vmem>>) attributes {dimension_semantics = [#tpu.dimension_semantics<arbitrary>], iteration_bounds = array<i64: 10>, scalar_prefetch = 0 : i64, scratch_operands = 6 : i64, tpu.core_type = #tpu.core_type<tc>, window_params = [{transform_indices = @transform_0, window_bounds = array<i64: 5000, 256>}, {transform_indices = @transform_1, window_bounds = array<i64: 1, 5000, 1>}, {pipeline_mode = #tpu.pipeline_mode<synchronous>, transform_indices = @transform_2, window_bounds = array<i64: 256, 256>}, {pipeline_mode = #tpu.pipeline_mode<synchronous>, transform_indices = @transform_3, window_bounds = array<i64: 512, 256>}, {pipeline_mode = #tpu.pipeline_mode<synchronous>, transform_indices = @transform_4, window_bounds = array<i64: 1, 256>}, {pipeline_mode = #tpu.pipeline_mode<synchronous>, transform_indices = @transform_5, window_bounds = array<i64: 1, 256>}, {pipeline_mode = #tpu.pipeline_mode<synchronous>, transform_indices = @transform_6, window_bounds = array<i64: 1, 256>}, {pipeline_mode = #tpu.pipeline_mode<synchronous>, transform_indices = @transform_7, window_bounds = array<i64: 256, 256>}, {pipeline_mode = #tpu.pipeline_mode<synchronous>, transform_indices = @transform_8, window_bounds = array<i64: 1, 256>}, {pipeline_mode = #tpu.pipeline_mode<synchronous>, transform_indices = @transform_9, window_bounds = array<i64: 1, 256>}, {pipeline_mode = #tpu.pipeline_mode<synchronous>, transform_indices = @transform_10, window_bounds = array<i64: 1, 256>}, {pipeline_mode = #tpu.pipeline_mode<synchronous>, transform_indices = @transform_11, window_bounds = array<i64: 256, 1>}, {pipeline_mode = #tpu.pipeline_mode<synchronous>, transform_indices = @transform_12, window_bounds = array<i64: 1, 1>}, {transform_indices = @transform_13, window_bounds = array<i64: 5000, 1>}]} {
    %eq3A = arith.constant 0 : i32
    %eq3A_0 = arith.cmpi eq, %arg0, %eq3A : i32
    %convert_element_type3A = arith.extui %eq3A_0 : i1 to i32
    %cond3A = arith.constant 0 : i32
    %cond3A_1 = arith.cmpi ne, %convert_element_type3A, %cond3A : i32
    scf.if %cond3A_1 {
      %iota3A_96 = tpu.iota {dimensions = array<i32: 0>} : vector<256x256xi32>
      %jit3A = arith.constant 32 : i32
      %div3A = vector.broadcast %jit3A : i32 to vector<256x256xi32>
      %div3A_97 = arith.divsi %iota3A_96, %div3A : vector<256x256xi32>
      %sign3A = arith.constant 0 : i32
      %sign3A_98 = vector.broadcast %sign3A : i32 to vector<256x256xi32>
      %sign3A_99 = arith.cmpi sgt, %iota3A_96, %sign3A_98 : vector<256x256xi32>
      %sign3A_100 = arith.extui %sign3A_99 : vector<256x256xi1> to vector<256x256xi32>
      %sign3A_101 = arith.constant 0 : i32
      %sign3A_102 = vector.broadcast %sign3A_101 : i32 to vector<256x256xi32>
      %sign3A_103 = arith.cmpi slt, %iota3A_96, %sign3A_102 : vector<256x256xi32>
      %sign3A_104 = arith.extui %sign3A_103 : vector<256x256xi1> to vector<256x256xi32>
      %sign3A_105 = arith.subi %sign3A_100, %sign3A_104 : vector<256x256xi32>
      %sign3A_106 = arith.constant 0 : i32
      %sign3A_107 = arith.cmpi sgt, %jit3A, %sign3A_106 : i32
      %sign3A_108 = arith.extui %sign3A_107 : i1 to i32
      %sign3A_109 = arith.constant 0 : i32
      %sign3A_110 = arith.cmpi slt, %jit3A, %sign3A_109 : i32
      %sign3A_111 = arith.extui %sign3A_110 : i1 to i32
      %sign3A_112 = arith.subi %sign3A_108, %sign3A_111 : i32
      %ne3A = vector.broadcast %sign3A_112 : i32 to vector<256x256xi32>
      %ne3A_113 = arith.cmpi ne, %sign3A_105, %ne3A : vector<256x256xi32>
      %rem3A = vector.broadcast %jit3A : i32 to vector<256x256xi32>
      %rem3A_114 = arith.remsi %iota3A_96, %rem3A : vector<256x256xi32>
      %ne3A_115 = arith.constant 0 : i32
      %ne3A_116 = vector.broadcast %ne3A_115 : i32 to vector<256x256xi32>
      %ne3A_117 = arith.cmpi ne, %rem3A_114, %ne3A_116 : vector<256x256xi32>
      %and3A = arith.andi %ne3A_113, %ne3A_117 : vector<256x256xi1>
      %sub3A = arith.constant 1 : i32
      %sub3A_118 = vector.broadcast %sub3A : i32 to vector<256x256xi32>
      %sub3A_119 = arith.subi %div3A_97, %sub3A_118 : vector<256x256xi32>
      %select_n3A = arith.select %and3A, %sub3A_119, %div3A_97 : vector<256x256xi1>, vector<256x256xi32>
      %iota3A_120 = tpu.iota {dimensions = array<i32: 1>} : vector<256x256xi32>
      %jit3A_121 = arith.constant 32 : i32
      %div3A_122 = vector.broadcast %jit3A_121 : i32 to vector<256x256xi32>
      %div3A_123 = arith.divsi %iota3A_120, %div3A_122 : vector<256x256xi32>
      %sign3A_124 = arith.constant 0 : i32
      %sign3A_125 = vector.broadcast %sign3A_124 : i32 to vector<256x256xi32>
      %sign3A_126 = arith.cmpi sgt, %iota3A_120, %sign3A_125 : vector<256x256xi32>
      %sign3A_127 = arith.extui %sign3A_126 : vector<256x256xi1> to vector<256x256xi32>
      %sign3A_128 = arith.constant 0 : i32
      %sign3A_129 = vector.broadcast %sign3A_128 : i32 to vector<256x256xi32>
      %sign3A_130 = arith.cmpi slt, %iota3A_120, %sign3A_129 : vector<256x256xi32>
      %sign3A_131 = arith.extui %sign3A_130 : vector<256x256xi1> to vector<256x256xi32>
      %sign3A_132 = arith.subi %sign3A_127, %sign3A_131 : vector<256x256xi32>
      %sign3A_133 = arith.constant 0 : i32
      %sign3A_134 = arith.cmpi sgt, %jit3A_121, %sign3A_133 : i32
      %sign3A_135 = arith.extui %sign3A_134 : i1 to i32
      %sign3A_136 = arith.constant 0 : i32
      %sign3A_137 = arith.cmpi slt, %jit3A_121, %sign3A_136 : i32
      %sign3A_138 = arith.extui %sign3A_137 : i1 to i32
      %sign3A_139 = arith.subi %sign3A_135, %sign3A_138 : i32
      %ne3A_140 = vector.broadcast %sign3A_139 : i32 to vector<256x256xi32>
      %ne3A_141 = arith.cmpi ne, %sign3A_132, %ne3A_140 : vector<256x256xi32>
      %rem3A_142 = vector.broadcast %jit3A_121 : i32 to vector<256x256xi32>
      %rem3A_143 = arith.remsi %iota3A_120, %rem3A_142 : vector<256x256xi32>
      %ne3A_144 = arith.constant 0 : i32
      %ne3A_145 = vector.broadcast %ne3A_144 : i32 to vector<256x256xi32>
      %ne3A_146 = arith.cmpi ne, %rem3A_143, %ne3A_145 : vector<256x256xi32>
      %and3A_147 = arith.andi %ne3A_141, %ne3A_146 : vector<256x256xi1>
      %sub3A_148 = arith.constant 1 : i32
      %sub3A_149 = vector.broadcast %sub3A_148 : i32 to vector<256x256xi32>
      %sub3A_150 = arith.subi %div3A_123, %sub3A_149 : vector<256x256xi32>
      %select_n3A_151 = arith.select %and3A_147, %sub3A_150, %div3A_123 : vector<256x256xi1>, vector<256x256xi32>
      %eq3A_152 = arith.cmpi eq, %select_n3A, %select_n3A_151 : vector<256x256xi32>
      %convert_element_type3A_153 = arith.extui %eq3A_152 : vector<256x256xi1> to vector<256x256xi32>
      %convert_element_type3A_154 = arith.sitofp %convert_element_type3A_153 : vector<256x256xi32> to vector<256x256xf32>
      %mul3A_155 = arith.constant 3.125000e-02 : f32
      %mul3A_156 = vector.broadcast %mul3A_155 : f32 to vector<256x256xf32>
      %mul3A_157 = arith.mulf %convert_element_type3A_154, %mul3A_156 : vector<256x256xf32>
      %swap3A_158 = arith.constant 0 : index
      %swap3A_159 = arith.constant 0 : index
      %swap3A_160 = vector.load %arg18[%swap3A_158, %swap3A_159] : memref<256x256xf32, #tpu.memory_space<vmem>>, vector<256x256xf32>
      tpu.vector_store %arg18[%swap3A_158, %swap3A_159], %mul3A_157 {strides = array<i32>} : memref<256x256xf32, #tpu.memory_space<vmem>>, vector<256x256xf32>,
      %get3A_161 = arith.constant 0 : index
      %get3A_162 = arith.constant 0 : index
      %get3A_163 = vector.load %arg3[%get3A_161, %get3A_162] : memref<256x256xf32, #tpu.memory_space<vmem>>, vector<256x256xf32>
      %get3A_164 = arith.constant 256 : index
      %get3A_165 = arith.constant 0 : index
      %get3A_166 = vector.load %arg4[%get3A_164, %get3A_165] : memref<512x256xf32, #tpu.memory_space<vmem>>, vector<256x256xf32>
      %dot_general3A_167 = arith.constant dense<0.000000e+00> : vector<256x256xf32>
      %dot_general3A_168 = tpu.matmul %get3A_163, %get3A_166, %dot_general3A_167 {dimension_numbers = #tpu.dot_dimension_numbers<[1], [0], [0], [1], [0, 0, 1, 1], [], []>, transpose_lhs_hint = false} : vector<256x256xf32>, vector<256x256xf32>, vector<256x256xf32> -> vector<256x256xf32>
      %dot_general3A_169 = arith.constant dense<0.000000e+00> : vector<256x256xf32>
      %dot_general3A_170 = tpu.matmul %dot_general3A_168, %mul3A_157, %dot_general3A_169 {dimension_numbers = #tpu.dot_dimension_numbers<[1], [0], [0], [1], [0, 0, 1, 1], [], []>, transpose_lhs_hint = false} : vector<256x256xf32>, vector<256x256xf32>, vector<256x256xf32> -> vector<256x256xf32>
      %sub3A_171 = arith.subf %dot_general3A_168, %dot_general3A_170 : vector<256x256xf32>
      %convert_element_type3A_172 = arith.truncf %sub3A_171 : vector<256x256xf32> to vector<256x256xbf16>
      %swap3A_173 = arith.constant 0 : index
      %swap3A_174 = arith.constant 0 : index
      %swap3A_175 = vector.load %arg15[%swap3A_173, %swap3A_174] : memref<256x256xbf16, #tpu.memory_space<vmem>>, vector<256x256xbf16>
      tpu.vector_store %arg15[%swap3A_173, %swap3A_174], %convert_element_type3A_172 {strides = array<i32>} : memref<256x256xbf16, #tpu.memory_space<vmem>>, vector<256x256xbf16>,
      %get3A_176 = arith.constant 0 : index
      %get3A_177 = arith.constant 0 : index
      %get3A_178 = vector.load %arg4[%get3A_176, %get3A_177] : memref<512x256xf32, #tpu.memory_space<vmem>>, vector<256x256xf32>
      %dot_general3A_179 = arith.constant dense<0.000000e+00> : vector<256x256xf32>
      %dot_general3A_180 = tpu.matmul %get3A_178, %mul3A_157, %dot_general3A_179 {dimension_numbers = #tpu.dot_dimension_numbers<[1], [0], [0], [1], [0, 0, 1, 1], [], []>, transpose_lhs_hint = false} : vector<256x256xf32>, vector<256x256xf32>, vector<256x256xf32> -> vector<256x256xf32>
      %sub3A_181 = arith.subf %get3A_178, %dot_general3A_180 : vector<256x256xf32>
      %swap3A_182 = arith.constant 0 : index
      %swap3A_183 = arith.constant 0 : index
      %swap3A_184 = vector.load %arg16[%swap3A_182, %swap3A_183] : memref<256x256xf32, #tpu.memory_space<vmem>>, vector<256x256xf32>
      tpu.vector_store %arg16[%swap3A_182, %swap3A_183], %sub3A_181 {strides = array<i32>} : memref<256x256xf32, #tpu.memory_space<vmem>>, vector<256x256xf32>,
      %get3A_185 = arith.constant 0 : index
      %get3A_186 = arith.constant 0 : index
      %get3A_187 = vector.load %arg8[%get3A_185, %get3A_186] : memref<256x256xf32, #tpu.memory_space<vmem>>, vector<256x256xf32>
      %dot_general3A_188 = arith.constant dense<0.000000e+00> : vector<256x256xf32>
      %dot_general3A_189 = tpu.matmul %get3A_187, %mul3A_157, %dot_general3A_188 {dimension_numbers = #tpu.dot_dimension_numbers<[1], [0], [0], [1], [0, 0, 1, 1], [], []>, transpose_lhs_hint = false} : vector<256x256xf32>, vector<256x256xf32>, vector<256x256xf32> -> vector<256x256xf32>
      %sub3A_190 = arith.subf %get3A_187, %dot_general3A_189 : vector<256x256xf32>
      %swap3A_191 = arith.constant 0 : index
      %swap3A_192 = arith.constant 0 : index
      %swap3A_193 = vector.load %arg17[%swap3A_191, %swap3A_192] : memref<256x256xf32, #tpu.memory_space<vmem>>, vector<256x256xf32>
      tpu.vector_store %arg17[%swap3A_191, %swap3A_192], %sub3A_190 {strides = array<i32>} : memref<256x256xf32, #tpu.memory_space<vmem>>, vector<256x256xf32>,
      %get3A_194 = arith.constant 0 : index
      %get3A_195 = arith.constant 0 : index
      %get3A_196 = vector.load %arg5[%get3A_194, %get3A_195] : memref<1x256xf32, #tpu.memory_space<vmem>>, vector<1x256xf32>
      %get3A_197 = arith.constant 0 : index
      %get3A_198 = arith.constant 0 : index
      %get3A_199 = vector.load %arg5[%get3A_197, %get3A_198] : memref<1x256xf32, #tpu.memory_space<vmem>>, vector<1x256xf32>
      %dot_general3A_200 = arith.constant dense<0.000000e+00> : vector<1x256xf32>
      %dot_general3A_201 = tpu.matmul %get3A_199, %mul3A_157, %dot_general3A_200 {dimension_numbers = #tpu.dot_dimension_numbers<[1], [0], [0], [1], [0, 0, 1, 1], [], []>, transpose_lhs_hint = false} : vector<1x256xf32>, vector<256x256xf32>, vector<1x256xf32> -> vector<1x256xf32>
      %sub3A_202 = arith.subf %get3A_196, %dot_general3A_201 : vector<1x256xf32>
      %swap3A_203 = arith.constant 0 : index
      %swap3A_204 = arith.constant 0 : index
      %swap3A_205 = vector.load %arg19[%swap3A_203, %swap3A_204] : memref<1x256xf32, #tpu.memory_space<vmem>>, vector<1x256xf32>
      tpu.vector_store %arg19[%swap3A_203, %swap3A_204], %sub3A_202 {strides = array<i32>} : memref<1x256xf32, #tpu.memory_space<vmem>>, vector<1x256xf32>,
      %get3A_206 = arith.constant 0 : index
      %get3A_207 = arith.constant 0 : index
      %get3A_208 = vector.load %arg9[%get3A_206, %get3A_207] : memref<1x256xf32, #tpu.memory_space<vmem>>, vector<1x256xf32>
      %get3A_209 = arith.constant 0 : index
      %get3A_210 = arith.constant 0 : index
      %get3A_211 = vector.load %arg9[%get3A_209, %get3A_210] : memref<1x256xf32, #tpu.memory_space<vmem>>, vector<1x256xf32>
      %dot_general3A_212 = arith.constant dense<0.000000e+00> : vector<1x256xf32>
      %dot_general3A_213 = tpu.matmul %get3A_211, %mul3A_157, %dot_general3A_212 {dimension_numbers = #tpu.dot_dimension_numbers<[1], [0], [0], [1], [0, 0, 1, 1], [], []>, transpose_lhs_hint = false} : vector<1x256xf32>, vector<256x256xf32>, vector<1x256xf32> -> vector<1x256xf32>
      %sub3A_214 = arith.subf %get3A_208, %dot_general3A_213 : vector<1x256xf32>
      %swap3A_215 = arith.constant 0 : index
      %swap3A_216 = arith.constant 0 : index
      %swap3A_217 = vector.load %arg20[%swap3A_215, %swap3A_216] : memref<1x256xf32, #tpu.memory_space<vmem>>, vector<1x256xf32>
      tpu.vector_store %arg20[%swap3A_215, %swap3A_216], %sub3A_214 {strides = array<i32>} : memref<1x256xf32, #tpu.memory_space<vmem>>, vector<1x256xf32>,
    } else {
    }
    %get3A = arith.constant 0 : index
    %get3A_2 = arith.constant 0 : index
    %get3A_3 = vector.load %arg1[%get3A, %get3A_2] : memref<5000x256xf32, #tpu.memory_space<vmem>>, vector<5000x256xf32>
    %get3A_4 = arith.constant 0 : index
    %get3A_5 = arith.constant 0 : index
    %get3A_6 = arith.constant 0 : index
    %get3A_7 = vector.load %arg2[%get3A_4, %get3A_5, %get3A_6] : memref<1x5000x1xi32, #tpu.memory_space<vmem>>, vector<1x5000x1xi32>
    %get3A_8 = vector.shape_cast %get3A_7 : vector<1x5000x1xi32> to vector<5000x1xi32>
    %iota3A = tpu.iota {dimensions = array<i32: 1>} : vector<5000x256xi32>
    %eq3A_9 = vector.broadcast %get3A_8 : vector<5000x1xi32> to vector<5000x256xi32>
    %eq3A_10 = arith.cmpi eq, %eq3A_9, %iota3A : vector<5000x256xi32>
    %convert_element_type3A_11 = arith.extui %eq3A_10 : vector<5000x256xi1> to vector<5000x256xi32>
    %convert_element_type3A_12 = arith.sitofp %convert_element_type3A_11 : vector<5000x256xi32> to vector<5000x256xf32>
    %convert_element_type3A_13 = arith.truncf %convert_element_type3A_12 : vector<5000x256xf32> to vector<5000x256xbf16>
    %get3A_14 = arith.constant 0 : index
    %get3A_15 = arith.constant 0 : index
    %get3A_16 = vector.load %arg16[%get3A_14, %get3A_15] : memref<256x256xf32, #tpu.memory_space<vmem>>, vector<256x256xf32>
    %dot_general3A = arith.constant dense<0.000000e+00> : vector<5000x256xf32>
    %dot_general3A_17 = tpu.matmul %get3A_3, %get3A_16, %dot_general3A {dimension_numbers = #tpu.dot_dimension_numbers<[1], [0], [0], [1], [0, 0, 1, 1], [], []>, transpose_lhs_hint = false} : vector<5000x256xf32>, vector<256x256xf32>, vector<5000x256xf32> -> vector<5000x256xf32>
    %get3A_18 = arith.constant 0 : index
    %get3A_19 = arith.constant 0 : index
    %get3A_20 = vector.load %arg15[%get3A_18, %get3A_19] : memref<256x256xbf16, #tpu.memory_space<vmem>>, vector<256x256xbf16>
    %dot_general3A_21 = arith.constant dense<0.000000e+00> : vector<5000x256xf32>
    %dot_general3A_22 = tpu.matmul %convert_element_type3A_13, %get3A_20, %dot_general3A_21 {dimension_numbers = #tpu.dot_dimension_numbers<[1], [0], [0], [1], [0, 0, 1, 1], [], []>, transpose_lhs_hint = false} : vector<5000x256xbf16>, vector<256x256xbf16>, vector<5000x256xf32> -> vector<5000x256xf32>
    %add3A = arith.addf %dot_general3A_17, %dot_general3A_22 : vector<5000x256xf32>
    %get3A_23 = arith.constant 0 : index
    %get3A_24 = arith.constant 0 : index
    %get3A_25 = vector.load %arg19[%get3A_23, %get3A_24] : memref<1x256xf32, #tpu.memory_space<vmem>>, vector<1x256xf32>
    %add3A_26 = vector.broadcast %get3A_25 : vector<1x256xf32> to vector<5000x256xf32>
    %add3A_27 = arith.addf %add3A, %add3A_26 : vector<5000x256xf32>
    %mul3A = arith.mulf %add3A_27, %add3A_27 : vector<5000x256xf32>
    %get3A_28 = arith.constant 0 : index
    %get3A_29 = arith.constant 0 : index
    %get3A_30 = vector.load %arg18[%get3A_28, %get3A_29] : memref<256x256xf32, #tpu.memory_space<vmem>>, vector<256x256xf32>
    %dot_general3A_31 = arith.constant dense<0.000000e+00> : vector<5000x256xf32>
    %dot_general3A_32 = tpu.matmul %mul3A, %get3A_30, %dot_general3A_31 {dimension_numbers = #tpu.dot_dimension_numbers<[1], [0], [0], [1], [0, 0, 1, 1], [], []>, transpose_lhs_hint = false} : vector<5000x256xf32>, vector<256x256xf32>, vector<5000x256xf32> -> vector<5000x256xf32>
    %add3A_33 = arith.constant 1.000000e-03 : f32
    %add3A_34 = vector.broadcast %add3A_33 : f32 to vector<5000x256xf32>
    %add3A_35 = arith.addf %dot_general3A_32, %add3A_34 : vector<5000x256xf32>
    %rsqrt3A = math.rsqrt %add3A_35 : vector<5000x256xf32>
    %mul3A_36 = arith.mulf %add3A_27, %rsqrt3A : vector<5000x256xf32>
    %get3A_37 = arith.constant 0 : index
    %get3A_38 = arith.constant 0 : index
    %get3A_39 = vector.load %arg6[%get3A_37, %get3A_38] : memref<1x256xf32, #tpu.memory_space<vmem>>, vector<1x256xf32>
    %mul3A_40 = vector.broadcast %get3A_39 : vector<1x256xf32> to vector<5000x256xf32>
    %mul3A_41 = arith.mulf %mul3A_36, %mul3A_40 : vector<5000x256xf32>
    %get3A_42 = arith.constant 0 : index
    %get3A_43 = arith.constant 0 : index
    %get3A_44 = vector.load %arg7[%get3A_42, %get3A_43] : memref<1x256xf32, #tpu.memory_space<vmem>>, vector<1x256xf32>
    %add3A_45 = vector.broadcast %get3A_44 : vector<1x256xf32> to vector<5000x256xf32>
    %add3A_46 = arith.addf %mul3A_41, %add3A_45 : vector<5000x256xf32>
    %max3A = arith.constant 0.000000e+00 : f32
    %max3A_47 = vector.broadcast %max3A : f32 to vector<5000x256xf32>
    %max3A_48 = arith.maximumf %add3A_46, %max3A_47 : vector<5000x256xf32>
    %get3A_49 = arith.constant 0 : index
    %get3A_50 = arith.constant 0 : index
    %get3A_51 = vector.load %arg17[%get3A_49, %get3A_50] : memref<256x256xf32, #tpu.memory_space<vmem>>, vector<256x256xf32>
    %dot_general3A_52 = arith.constant dense<0.000000e+00> : vector<5000x256xf32>
    %dot_general3A_53 = tpu.matmul %max3A_48, %get3A_51, %dot_general3A_52 {dimension_numbers = #tpu.dot_dimension_numbers<[1], [0], [0], [1], [0, 0, 1, 1], [], []>, transpose_lhs_hint = false} : vector<5000x256xf32>, vector<256x256xf32>, vector<5000x256xf32> -> vector<5000x256xf32>
    %get3A_54 = arith.constant 0 : index
    %get3A_55 = arith.constant 0 : index
    %get3A_56 = vector.load %arg20[%get3A_54, %get3A_55] : memref<1x256xf32, #tpu.memory_space<vmem>>, vector<1x256xf32>
    %add3A_57 = vector.broadcast %get3A_56 : vector<1x256xf32> to vector<5000x256xf32>
    %add3A_58 = arith.addf %dot_general3A_53, %add3A_57 : vector<5000x256xf32>
    %mul3A_59 = arith.mulf %add3A_58, %add3A_58 : vector<5000x256xf32>
    %get3A_60 = arith.constant 0 : index
    %get3A_61 = arith.constant 0 : index
    %get3A_62 = vector.load %arg18[%get3A_60, %get3A_61] : memref<256x256xf32, #tpu.memory_space<vmem>>, vector<256x256xf32>
    %dot_general3A_63 = arith.constant dense<0.000000e+00> : vector<5000x256xf32>
    %dot_general3A_64 = tpu.matmul %mul3A_59, %get3A_62, %dot_general3A_63 {dimension_numbers = #tpu.dot_dimension_numbers<[1], [0], [0], [1], [0, 0, 1, 1], [], []>, transpose_lhs_hint = false} : vector<5000x256xf32>, vector<256x256xf32>, vector<5000x256xf32> -> vector<5000x256xf32>
    %add3A_65 = arith.constant 1.000000e-03 : f32
    %add3A_66 = vector.broadcast %add3A_65 : f32 to vector<5000x256xf32>
    %add3A_67 = arith.addf %dot_general3A_64, %add3A_66 : vector<5000x256xf32>
    %rsqrt3A_68 = math.rsqrt %add3A_67 : vector<5000x256xf32>
    %mul3A_69 = arith.mulf %add3A_58, %rsqrt3A_68 : vector<5000x256xf32>
    %get3A_70 = arith.constant 0 : index
    %get3A_71 = arith.constant 0 : index
    %get3A_72 = vector.load %arg10[%get3A_70, %get3A_71] : memref<1x256xf32, #tpu.memory_space<vmem>>, vector<1x256xf32>
    %mul3A_73 = vector.broadcast %get3A_72 : vector<1x256xf32> to vector<5000x256xf32>
    %mul3A_74 = arith.mulf %mul3A_69, %mul3A_73 : vector<5000x256xf32>
    %get3A_75 = arith.constant 0 : index
    %get3A_76 = arith.constant 0 : index
    %get3A_77 = vector.load %arg11[%get3A_75, %get3A_76] : memref<1x256xf32, #tpu.memory_space<vmem>>, vector<1x256xf32>
    %add3A_78 = vector.broadcast %get3A_77 : vector<1x256xf32> to vector<5000x256xf32>
    %add3A_79 = arith.addf %mul3A_74, %add3A_78 : vector<5000x256xf32>
    %max3A_80 = arith.constant 0.000000e+00 : f32
    %max3A_81 = vector.broadcast %max3A_80 : f32 to vector<5000x256xf32>
    %max3A_82 = arith.maximumf %add3A_79, %max3A_81 : vector<5000x256xf32>
    %get3A_83 = arith.constant 0 : index
    %get3A_84 = arith.constant 0 : index
    %get3A_85 = vector.load %arg12[%get3A_83, %get3A_84] : memref<256x1xf32, #tpu.memory_space<vmem>>, vector<256x1xf32>
    %dot_general3A_86 = arith.constant dense<0.000000e+00> : vector<5000x1xf32>
    %dot_general3A_87 = tpu.matmul %max3A_82, %get3A_85, %dot_general3A_86 {dimension_numbers = #tpu.dot_dimension_numbers<[1], [0], [0], [1], [0, 0, 1, 1], [], []>, transpose_lhs_hint = false} : vector<5000x256xf32>, vector<256x1xf32>, vector<5000x1xf32> -> vector<5000x1xf32>
    %get3A_88 = arith.constant 0 : index
    %get3A_89 = arith.constant 0 : index
    %get3A_90 = vector.load %arg13[%get3A_88, %get3A_89] : memref<1x1xf32, #tpu.memory_space<vmem>>, vector<1x1xf32>
    %get3A_91 = vector.extract %get3A_90[0, 0] : f32 from vector<1x1xf32>
    %add3A_92 = vector.broadcast %get3A_91 : f32 to vector<5000x1xf32>
    %add3A_93 = arith.addf %dot_general3A_87, %add3A_92 : vector<5000x1xf32>
    %swap3A = arith.constant 0 : index
    %swap3A_94 = arith.constant 0 : index
    %swap3A_95 = vector.load %arg14[%swap3A, %swap3A_94] : memref<5000x1xf32, #tpu.memory_space<vmem>>, vector<5000x1xf32>
    tpu.vector_store %arg14[%swap3A, %swap3A_94], %add3A_93 {strides = array<i32>} : memref<5000x1xf32, #tpu.memory_space<vmem>>, vector<5000x1xf32>,
    return
  }
  func.func @transform_0(%arg0: i32) -> (i32, i32) {
    %c0_i32 = arith.constant 0 : i32
    %c0_i32_0 = arith.constant 0 : i32
    return %arg0, %c0_i32 : i32, i32
  }
  func.func @transform_1(%arg0: i32) -> (i32, i32, i32) {
    %c0_i32 = arith.constant 0 : i32
    %c0_i32_0 = arith.constant 0 : i32
    %c0_i32_1 = arith.constant 0 : i32
    return %arg0, %c0_i32, %c0_i32_0 : i32, i32, i32
  }
  func.func @transform_2(%arg0: i32) -> (i32, i32) {
    %c0_i32 = arith.constant 0 : i32
    %c0_i32_0 = arith.constant 0 : i32
    %c0_i32_1 = arith.constant 0 : i32
    return %c0_i32, %c0_i32_0 : i32, i32
  }
  func.func @transform_3(%arg0: i32) -> (i32, i32) {
    %c0_i32 = arith.constant 0 : i32
    %c0_i32_0 = arith.constant 0 : i32
    %c0_i32_1 = arith.constant 0 : i32
    return %c0_i32, %c0_i32_0 : i32, i32
  }
  func.func @transform_4(%arg0: i32) -> (i32, i32) {
    %c0_i32 = arith.constant 0 : i32
    %c0_i32_0 = arith.constant 0 : i32
    %c0_i32_1 = arith.constant 0 : i32
    return %c0_i32, %c0_i32_0 : i32, i32
  }
  func.func @transform_5(%arg0: i32) -> (i32, i32) {
    %c0_i32 = arith.constant 0 : i32
    %c0_i32_0 = arith.constant 0 : i32
    %c0_i32_1 = arith.constant 0 : i32
    return %c0_i32, %c0_i32_0 : i32, i32
  }
  func.func @transform_6(%arg0: i32) -> (i32, i32) {
    %c0_i32 = arith.constant 0 : i32
    %c0_i32_0 = arith.constant 0 : i32
    %c0_i32_1 = arith.constant 0 : i32
    return %c0_i32, %c0_i32_0 : i32, i32
  }
  func.func @transform_7(%arg0: i32) -> (i32, i32) {
    %c0_i32 = arith.constant 0 : i32
    %c0_i32_0 = arith.constant 0 : i32
    %c0_i32_1 = arith.constant 0 : i32
    return %c0_i32, %c0_i32_0 : i32, i32
  }
  func.func @transform_8(%arg0: i32) -> (i32, i32) {
    %c0_i32 = arith.constant 0 : i32
    %c0_i32_0 = arith.constant 0 : i32
    %c0_i32_1 = arith.constant 0 : i32
    return %c0_i32, %c0_i32_0 : i32, i32
  }
  func.func @transform_9(%arg0: i32) -> (i32, i32) {
    %c0_i32 = arith.constant 0 : i32
    %c0_i32_0 = arith.constant 0 : i32
    %c0_i32_1 = arith.constant 0 : i32
    return %c0_i32, %c0_i32_0 : i32, i32
  }
  func.func @transform_10(%arg0: i32) -> (i32, i32) {
    %c0_i32 = arith.constant 0 : i32
    %c0_i32_0 = arith.constant 0 : i32
    %c0_i32_1 = arith.constant 0 : i32
    return %c0_i32, %c0_i32_0 : i32, i32
  }
  func.func @transform_11(%arg0: i32) -> (i32, i32) {
    %c0_i32 = arith.constant 0 : i32
    %c0_i32_0 = arith.constant 0 : i32
    %c0_i32_1 = arith.constant 0 : i32
    return %c0_i32, %c0_i32_0 : i32, i32
  }
  func.func @transform_12(%arg0: i32) -> (i32, i32) {
    %c0_i32 = arith.constant 0 : i32
    %c0_i32_0 = arith.constant 0 : i32
    %c0_i32_1 = arith.constant 0 : i32
    return %c0_i32, %c0_i32_0 : i32, i32
  }
  func.func @transform_13(%arg0: i32) -> (i32, i32) {
    %c0_i32 = arith.constant 0 : i32
    %c0_i32_0 = arith.constant 0 : i32
    return %arg0, %c0_i32 : i32, i32
  }
}

</mosaic_0001>

<sc_bundles>
// kernel: kernel.4.cloned.1.call-start
scs
__scs_entry_jumppad:
0x0: {  	(pc) =	sbr.rel $0x88, $3  }
0x1: {  	(tag) =	ssettag $0x0;
	lr =	simm.s32 $0x1  }
0x2: {  	[smem:$0x3F94] =	sst lr;
	_ =	strace $0xD0000000  }
0x3: {  	_ = 	snop  }
0x4: {  	_ = 	snop  }
0x5: {  	_ = 	snop  }
0x6: {  	_ = 	snop  }
0x7: {  	_ = 	snop  }
__scs_overlays_trampoline_lowered:
0x8: {  	[smem:$0x3FA3] =	sst s0  }
0x9: {  	[smem:$0x3FA4] =	sst s1  }
0xa: {  	[smem:$0x3FA5] =	sst s2  }
0xb: {  	[smem:$0x3FA6] =	sst s3  }
0xc: {  	[smem:$0x3FA7] =	sst s4  }
0xd: {  	[smem:$0x3FA8] =	sst s5  }
0xe: {  	[smem:$0x3FA9] =	sst s6  }
0xf: {  	[smem:$0x3FAA] =	sst s7  }
0x10: {  	[smem:$0x3FAB] =	sst s8  }
0x11: {  	[smem:$0x3FAC] =	sst s9;
	s0 =	simm.s32 @!p0 $0x0  }
0x12: {  	s1 =	sld [smem:$0x3F92];
	s0 =	simm.s32 @p0 $0x1  }
0x13: {  	[smem:$0x3FAD] =	sst s0;
	s0 =	simm.s32 @!p1 $0x0  }
0x14: {  	s2 =	sld [smem:$0x3F91];
	s0 =	simm.s32 @p1 $0x1  }
0x15: {  	[smem:$0x3FAE] =	sst s0;
	s0 =	simm.s32 @!p2 $0x0  }
0x16: {  	s3 =	sld [smem:$0x3FDB];
	s0 =	simm.s32 @p2 $0x1  }
0x17: {  	s4 =	simm.s32 $0x1BF5;
	[smem:$0x3FB0] =	sst s0  }
0x18: {  	s0 =	sld [smem:$0x3F93];
	_ =	swait.ge [sflag:s4], $0x0  }
0x19: {  	s7 =	sld [smem:$0x3F94]  }
0x1a: {  	s8 =	sadd.s32 $0xFFFFE003, lr  }
0x1b: {  	s9 =	sadd.s32 $0xFFFFFEF7, lr;
	s5 =	simm.s32 $0xFFFFFFFF;
	p2 =	slt.u32 s8, $0xFFFFF086  }
0x1c: {  	p1 =	slt.u32 s9, $0xF7A;
	s5 =	simm.s32 @!p2 $0x0  }
0x1d: {  	s5 =	simm.s32 @p1 $0x1;
	p0 =	seq.s32 s7, s2  }
0x1e: {  	s7 =	smul.u32 @!p0 $0xF7A, s2;
	p2 =	seq.s32 @!p0 s5, $0x0  }
0x1f: {  	s9 =	smul.u32 $0xF7A, s1;
	s8 =	simm.s32 @!p0 $0x1BF5;
	p2 =	por !p2, p0  }
0x20: {  	[sflag:s8] =	ssyncset.s32 @!p0 $0xFFFFF086;
	s6 =	sadd.s32 @!p0 s3, s7;
	s7 =	simm.s32 @!p0 $0x108  }
0x21: {  	s3 =	sadd.s32 s3, s9;
	s6 =	sadd.s32 @!p0 $0x88, s6;
	s7 =	simm.s32 @p2 $0x1082  }
0x22: {  	[simem:s7], [sflag:s8] =	dma.local @!p0 [hbm:s6], $0xF7A  }
0x23: {  	s9 =	sor.u32 $0xD0000000, s2;
	s6 =	simm.s32 $0x108;
	_ =	swait.ge @!p0 [sflag:s8], $0x0  }
0x24: {  	s3 =	sadd.s32 $0x88, s3;
	s6 =	simm.s32 @!p1 $0x1082;
	[sflag:s4] =	ssyncset.s32 $0xFFFFF086  }
0x25: {  	[simem:s6], [sflag:s4] =	dma.local [hbm:s3], $0xF7A  }
0x26: {  	[smem:$0x3F94] =	sst s1;
	(tag) =	ssettag s2;
	_ =	strace s9  }
0x27: {  	s1 =	sld [smem:$0x3FA4]  }
0x28: {  	s2 =	sld [smem:$0x3FA5]  }
0x29: {  	s4 =	sld [smem:$0x3FA7]  }
0x2a: {  	p0 =	seq.s32 s5, $0x0;
	s5 =	sld [smem:$0x3FA8]  }
0x2b: {  	s6 =	sld [smem:$0x3FA9]  }
0x2c: {  	s7 =	sld [smem:$0x3FAA]  }
0x2d: {  	s3 =	simm.s32 $0x108;
	s8 =	sld [smem:$0x3FAB]  }
0x2e: {  	s3 =	simm.s32 @!p0 $0x1082;
	s9 =	sld [smem:$0x3FAC]  }
0x2f: {  	lr =	sadd.s32 s0, s3;
	s0 =	sld [smem:$0x3FA3]  }
0x30: {  	s3 =	sld [smem:$0x3FA6]  }
0x31: {  	[smem:$0x3FAF] =	sst s10  }
0x32: {  	s10 =	sld [smem:$0x3FAD];
	_ =	sdelay $0x3  }
0x33: {  	p0 =	seq.s32 s10, $0x1;
	s10 =	sld [smem:$0x3FAF];
	_ =	sdelay $0x3  }
0x34: {  	[smem:$0x3FAF] =	sst s10  }
0x35: {  	s10 =	sld [smem:$0x3FAE];
	_ =	sdelay $0x3  }
0x36: {  	p1 =	seq.s32 s10, $0x1;
	s10 =	sld [smem:$0x3FAF];
	_ =	sdelay $0x3  }
0x37: {  	[smem:$0x3FAF] =	sst s10  }
0x38: {  	s10 =	sld [smem:$0x3FB0]  }
0x39: {  	_ = 	snop;
	(pc) =	sbr.ind lr, $3  }
0x3a: {  	_ = 	snop  }
0x3b: {  	_ = 	snop  }
0x3c: {  	p2 =	seq.s32 s10, $0x1;
	s10 =	sld [smem:$0x3FAF]  }
0x3d: {  	_ =	shalt  }
0x3e: {  	_ =	shalt  }
0x3f: {  	_ =	shalt  }
0x40: {  	_ =	shalt  }
0x41: {  	_ =	shalt  }
0x42: {  	_ =	shalt  }
0x43: {  	_ =	shalt  }
0x44: {  	_ =	shalt  }
0x45: {  	_ =	shalt  }
0x46: {  	_ =	shalt  }
0x47: {  	_ =	shalt  }
0x48: {  	_ =	shalt  }
0x49: {  	_ =	shalt  }
0x4a: {  	_ =	shalt  }
0x4b: {  	_ =	shalt  }
0x4c: {  	_ =	shalt  }
0x4d: {  	_ =	shalt  }
0x4e: {  	_ =	shalt  }
0x4f: {  	_ =	shalt  }
0x50: {  	_ =	shalt  }
0x51: {  	_ =	shalt  }
0x52: {  	_ =	shalt  }
0x53: {  	_ =	shalt  }
0x54: {  	_ =	shalt  }
0x55: {  	_ =	shalt  }
0x56: {  	_ =	shalt  }
0x57: {  	_ =	shalt  }
0x58: {  	_ =	shalt  }
0x59: {  	_ =	shalt  }
0x5a: {  	_ =	shalt  }
0x5b: {  	_ =	shalt  }
0x5c: {  	_ =	shalt  }
0x5d: {  	_ =	shalt  }
0x5e: {  	_ =	shalt  }
0x5f: {  	_ =	shalt  }
0x60: {  	_ =	shalt  }
0x61: {  	_ =	shalt  }
0x62: {  	_ =	shalt  }
0x63: {  	_ =	shalt  }
0x64: {  	_ =	shalt  }
0x65: {  	_ =	shalt  }
0x66: {  	_ =	shalt  }
0x67: {  	_ =	shalt  }
0x68: {  	_ =	shalt  }
0x69: {  	_ =	shalt  }
0x6a: {  	_ =	shalt  }
0x6b: {  	_ =	shalt  }
0x6c: {  	_ =	shalt  }
0x6d: {  	_ =	shalt  }
0x6e: {  	_ =	shalt  }
0x6f: {  	_ =	shalt  }
0x70: {  	_ =	shalt  }
0x71: {  	_ =	shalt  }
0x72: {  	_ =	shalt  }
0x73: {  	_ =	shalt  }
0x74: {  	_ =	shalt  }
0x75: {  	_ =	shalt  }
0x76: {  	_ =	shalt  }
0x77: {  	_ =	shalt  }
0x78: {  	_ =	shalt  }
0x79: {  	_ =	shalt  }
0x7a: {  	_ =	shalt  }
0x7b: {  	_ =	shalt  }
0x7c: {  	_ =	shalt  }
0x7d: {  	_ =	shalt  }
0x7e: {  	_ =	shalt  }
0x7f: {  	_ =	shalt  }
0x80: {  	_ =	shalt  }
0x81: {  	_ =	shalt  }
0x82: {  	_ =	shalt  }
0x83: {  	_ =	shalt  }
0x84: {  	_ =	shalt  }
0x85: {  	_ =	shalt  }
0x86: {  	_ =	shalt  }
0x87: {  	_ =	shalt  }
.Lfunc_end0:
.L_simem_size_0:
called_computation_lowered:
.L_overlay_start_0:
0x88: {  	s2 =	sld [smem:$0x3FD9]  }
0x89: {  	s3 =	sld [smem:$0x3FFE];
	_ =	sdelay $0x1  }
0x8a: {  	s1 =	srdreg.scid  }
0x8b: {  	s0 =	sand.u32 $0x1, s1  }
0x8c: {  	s16 =	sshll.u32 s0, $0xA;
	s2 =	sadd.s32 s3, s2  }
0x8d: {  	s2 =	sadd.s32 s2, s16  }
0x8e: {  	[smem:$0x3FBB] =	sst s2  }
0x8f: {  	_ = 	snop  }
0x90: {  	(tm) =	ssettm $0x1  }
0x91: {  	s17 =	sld [smem:$0x3FFB];
	_ =	sdelay $0x3  }
0x92: {  	_ =	strace s17  }
0x93: {  	s2 =	sld [smem:$0x3FFC];
	_ =	sdelay $0x3  }
0x94: {  	_ =	strace s2  }
0x95: {  	s2 =	sld [smem:$0x3FFD];
	_ =	sdelay $0x3  }
0x96: {  	_ =	strace s2  }
0x97: {  	_ =	strace $0x8FFFFFFF  }
0x98: {  	s18 =	sld [smem:$0x3FDB];
	_ =	sdelay $0x1  }
0x99: {  	s19 =	simm.s32 $_scs_section_size  }
0x9a: {  	s4 =	simm.s32 $_size__tile_overlayer_lowered;
	s5 =	simm.s32 $_tile_overlayer_lowered  }
0x9b: {  	s22 =	simm.s32 $0x1BFF;
	s21 =	sshll.u32 s5, $0x1;
	s2 =	sadd.s32 s19, s18  }
0x9c: {  	s6 =	simm.s32 $0x0;
	s20 =	sshll.u32 s4, $0x1;
	s4 =	sadd.s32 s21, s2  }
0x9d: {  	[timem:s6], [sflag:s22] =	dma.local [hbm:s4], s20  }
0x9e: {  	_ =	swait.ge [sflag:s22], s20  }
0x9f: {  	s3 =	ssub.s32 $0x0, s20;
	[sflag:s22] =	ssyncset.done $0x0  }
0xa0: {  	[sflag:s22] =	ssyncadd.s32 s3;
	_ =	sdelay $0x1  }
0xa1: {  	s23 =	simm.s32 $0x1B8B  }
0xa2: {  	_ =	swait.ge [sflag:s23], $0x1  }
0xa3: {  	[sflag:s23] =	ssyncset.done $0x0  }
0xa4: {  	s25 =	simm.s32 $0x1B8E;
	s24 =	sld [smem:$0x3FFE];
	[sflag:s23] =	ssyncadd.s32 $0xFFFFFFFF  }
0xa5: {  	s26 =	simm.s32 $execute0_lowered;
	[smem:$0x3FD2] =	sst s25  }
0xa6: {  	s4 =	sshll.u32 s26, $0x1;
	_ =	strace $0x80000046;
	[dreg:$0x1] =	wrdreg $0xFFFFFFFF  }
0xa7: {  	s28 =	simm.s32 $_size_execute0_lowered;
	s2 =	sadd.s32 s2, s4;
	[dreg:$0x0] =	wrdreg $0x0  }
0xa8: {  	s4 =	sshll.u32 s28, $0x1;
	[dreg:$0x2] =	wrdreg s2  }
0xa9: {  	[dreg:$0x3] =	wrdreg s4  }
0xaa: {  	[dreg:$0x4] =	wrdreg $0xC0  }
0xab: {  	_ =	task [dreg:s6], $0x5FFFF  }
0xac: {  	[dreg:$0x1] =	wrdreg $0xFFFFFFFF  }
0xad: {  	[dreg:$0x0] =	wrdreg $0x60  }
0xae: {  	[dreg:$0x2] =	wrdreg s24  }
0xaf: {  	[dreg:$0x3] =	wrdreg $0x3E800  }
0xb0: {  	[dreg:$0x4] =	wrdreg $0x9  }
0xb1: {  	_ =	task.clear_ibuf [dreg:s6], $0x5FFFF;
	_ =	strace $0x90000046  }
0xb2: {  	s29 =	simm.s32 $0x9;
	_ =	strace $0x80000048  }
0xb3: {  	_ =	swait.ge [sflag:s29], $0x1  }
0xb4: {  	[sflag:s29] =	ssyncadd.s32 $0xFFFFFFFF  }
0xb5: {  	_ =	strace $0x90000048  }
0xb6: {  	_ =	sfence  }
0xb7: {  	s30 =	sld [smem:$0x0];
	_ =	sdelay $0x2  }
0xb8: {  	s31 =	sshll.u32 s1, $0xD;
	s1 =	sshrl.u32 s1, $0x2  }
0xb9: {  	s3 =	sand.u32 $0x4000, s31;
	s1 =	sadd.s32 s1, s30  }
0xba: {  	s0 =	sor.u32 s3, s0;
	s1 =	sshll.u32 s1, $0x11  }
0xbb: {  	s0 =	sor.u32 s1, s0  }
0xbc: {  	s0 =	sadd.s32 $0x8F2B, s0  }
0xbd: {  	[sflag:s0] =	ssyncadd.remote.s32 $0x1  }
0xbe: {  	_ =	sfence.sel $0xFFFF  }
0xbf: {  	[dreg:$0x0] =	wrdreg $0xFFFFFFFF;
	(pc) =	sbr.abs _section_cstart, $3  }
0xc0: {  	[dreg:$0x1] =	wrdreg $0xFFFFFFFF  }
0xc1: {  	_ =	task.clear_ibuf [dreg:s6], $0x2FFFF;
	_ =	strace $0x9FFFFFFF  }
0xc2: {  	(tm) =	ssettm $0x7FFFFFFF  }
0xc3: {  	_ =	shalt  }
tec
execute0_lowered:
.L_overlay_start_1:
0x0: {  	(tag) =	ssettag $0x1  }
0x1: {  	s4 =	rddreg [dreg:$0x0]  }
0x2: {  	s2 =	rddreg [dreg:$0x1]  }
0x3: {  	s0 =	rddreg [dreg:$0x2];
	s5 =	srdreg.scid  }
0x4: {  	s1 =	stileid.u32;
	s3 =	simm.s32 $0x0;
	s14 =	simm.s32 $0x3  }
0x5: {  	s15 =	simm.s32 $0x4;
	s16 =	simm.s32 $0x2D80;
	s17 =	simm.s32 $0x80  }
0x6: {  	s18 =	simm.s32 $0x400;
	s19 =	simm.s32 $0x5;
	s20 =	simm.s32 $0x2E80  }
0x7: {  	s21 =	simm.s32 $0x1;
	s22 =	simm.s32 $0x2;
	s23 =	simm.s32 $0x1380  }
0x8: {  	s24 =	simm.s32 $0xD00;
	s25 =	simm.s32 $0x0;
	s5 =	sand.u32 $0x1, s5  }
0x9: {  	s6 =	sshll.u32 s1, $0x1;
	[smem:$0x7FF] =	sst s3;
	s7 =	sadd.s32 $0x1600, s4  }
0xa: {  	s8 =	sadd.s32 $0xC4C00, s4;
	s29 =	smul.u32 $0x188, s1;
	s12 =	sshll.u32 s1, $0x8  }
0xb: {  	s13 =	sshll.u32 s1, $0x7;
	s6 =	sor.u32 s5, s6;
	_ =	strace $0x80000047  }
0xc: {  	s5 =	ssub.s32 $0x2, s5;
	s12 =	sand.u32 $0x800, s12;
	s30 =	sand.u32 $0x380, s13  }
0xd: {  	s13 =	simm.s32 $0x2100;
	s6 =	smul.u32 $0xC4, s6;
	s9 =	sshrl.u32 s5, $0x1  }
0xe: {  	s31 =	sadd.s32 s12, s2;
	s12 =	simm.s32 $0x1480;
	s11 =	ssub.s32 s5, s9  }
0xf: {  	s10 =	sadd.s32 s6, s4;
	s4 =	sadd.s32 s7, s6;
	s5 =	sadd.s32 s8, s6  }
0x10: {  	s6 =	sadd.s32 s7, s29;
	s7 =	sadd.s32 s8, s29;
	s8 =	sadd.s32 s30, s31  }
0x11: {  	s9 =	sadd.s32 $0x3000, s10;
	s10 =	smax.u32 s11, $0x1;
	s11 =	simm.s32 $0x680  }
.LBB2_1:
0x12: {  	[tilespmem:s3], [sflag:$0x1] =	stream.linear.gather [hbm4b:s4+s3], $0x620, $0x38;
	[tilespmem:$0x3F80] =	vst v63  }
0x13: {  	_ = 	snop  }
0x14: {  	[tilespmem:s11], [sflag:$0x2] =	stream.linear.gather [hbm4b:s5+s3], $0x620, $0x38;
	[tilespmem:$0x3F80] =	vst v63  }
0x15: {  	_ = 	snop  }
0x16: {  	[tilespmem:s12], [sflag:$0x3] =	stream.linear.gather [hbm4b:s6+s3], $0xC40, $0x38;
	[tilespmem:$0x3F80] =	vst v63  }
0x17: {  	_ = 	snop  }
0x18: {  	v0 =	vimm.f32 $0.0e+00;
	[tilespmem:s13], [sflag:$0x4] =	stream.linear.gather [hbm4b:s7+s3], $0xC40, $0x38;
	[tilespmem:$0x3F80] =	vst v63  }
0x19: {  	[tilespmem:$0x2D80] =	vst v0  }
0x1a: {  	[tilespmem:$0x2D90] =	vst v0  }
0x1b: {  	[tilespmem:$0x2DA0] =	vst v0  }
0x1c: {  	[tilespmem:$0x2DB0] =	vst v0  }
0x1d: {  	[tilespmem:$0x2DC0] =	vst v0  }
0x1e: {  	[tilespmem:$0x2DD0] =	vst v0  }
0x1f: {  	[tilespmem:$0x2DE0] =	vst v0  }
0x20: {  	[tilespmem:$0x2DF0] =	vst v0  }
0x21: {  	[tilespmem:$0x2E00] =	vst v0  }
0x22: {  	[tilespmem:$0x2E10] =	vst v0  }
0x23: {  	[tilespmem:$0x2E20] =	vst v0  }
0x24: {  	[tilespmem:$0x2E30] =	vst v0  }
0x25: {  	[tilespmem:$0x2E40] =	vst v0  }
0x26: {  	[tilespmem:$0x2E50] =	vst v0  }
0x27: {  	[tilespmem:$0x2E60] =	vst v0  }
0x28: {  	[tilespmem:$0x2E70] =	vst v0  }
0x29: {  	_ =	swait.ge [sflag:s14], $0xC40  }
0x2a: {  	[sflag:s14] =	ssyncset.done $0x0  }
0x2b: {  	[sflag:s14] =	ssyncadd.s32 $0xFFFFF3C0  }
0x2c: {  	_ =	swait.ge [sflag:s15], $0xC40  }
0x2d: {  	[sflag:s15] =	ssyncset.done $0x0  }
0x2e: {  	s29 =	simm.s32 $0x0;
	[sflag:s15] =	ssyncadd.s32 $0xFFFFF3C0  }
0x2f: {  	v0 =	vld [tilespmem:s29+$0x1480];
	_ =	sdelay $0x4  }
0x30: {  	v0 =	vmul.f32 $1.442695020e+00, v0;
	_ =	sdelay $0x1  }
0x31: {  	(erf) = vpow2.f32 v0;
	_ =	sdelay $0x1  }
0x32: {  	v0 =	vld [tilespmem:s29+$0x2100];
	_ =	sdelay $0x6  }
0x33: {  	v1 =	vpop (erf)  }
0x34: {  	[tilespmem:v0+s16+$0x0] =	vst.idx.add.f32.msk $0xffff, v1  }
0x35: {  	v0 =	vld [tilespmem:s29+$0x1490];
	_ =	sdelay $0x4  }
0x36: {  	v0 =	vmul.f32 $1.442695020e+00, v0;
	_ =	sdelay $0x1  }
0x37: {  	(erf) = vpow2.f32 v0;
	_ =	sdelay $0x1  }
0x38: {  	v0 =	vld [tilespmem:s29+$0x2110];
	_ =	sdelay $0x6  }
0x39: {  	v1 =	vpop (erf)  }
0x3a: {  	[tilespmem:v0+s16+$0x0] =	vst.idx.add.f32.msk $0xffff, v1  }
0x3b: {  	v0 =	vld [tilespmem:s29+$0x14A0];
	_ =	sdelay $0x4  }
0x3c: {  	v0 =	vmul.f32 $1.442695020e+00, v0;
	_ =	sdelay $0x1  }
0x3d: {  	(erf) = vpow2.f32 v0;
	_ =	sdelay $0x1  }
0x3e: {  	v0 =	vld [tilespmem:s29+$0x2120];
	_ =	sdelay $0x6  }
0x3f: {  	v1 =	vpop (erf)  }
0x40: {  	[tilespmem:v0+s16+$0x0] =	vst.idx.add.f32.msk $0xffff, v1  }
0x41: {  	v0 =	vld [tilespmem:s29+$0x14B0];
	_ =	sdelay $0x4  }
0x42: {  	v0 =	vmul.f32 $1.442695020e+00, v0;
	_ =	sdelay $0x1  }
0x43: {  	(erf) = vpow2.f32 v0;
	_ =	sdelay $0x1  }
0x44: {  	v0 =	vld [tilespmem:s29+$0x2130];
	_ =	sdelay $0x6  }
0x45: {  	v1 =	vpop (erf)  }
0x46: {  	[tilespmem:v0+s16+$0x0] =	vst.idx.add.f32.msk $0xffff, v1  }
0x47: {  	v0 =	vld [tilespmem:s29+$0x14C0];
	_ =	sdelay $0x4  }
0x48: {  	v0 =	vmul.f32 $1.442695020e+00, v0;
	_ =	sdelay $0x1  }
0x49: {  	(erf) = vpow2.f32 v0;
	_ =	sdelay $0x1  }
0x4a: {  	v0 =	vld [tilespmem:s29+$0x2140];
	_ =	sdelay $0x6  }
0x4b: {  	v1 =	vpop (erf)  }
0x4c: {  	[tilespmem:v0+s16+$0x0] =	vst.idx.add.f32.msk $0xffff, v1  }
0x4d: {  	v0 =	vld [tilespmem:s29+$0x14D0];
	_ =	sdelay $0x4  }
0x4e: {  	v0 =	vmul.f32 $1.442695020e+00, v0;
	_ =	sdelay $0x1  }
0x4f: {  	(erf) = vpow2.f32 v0;
	_ =	sdelay $0x1  }
0x50: {  	v0 =	vld [tilespmem:s29+$0x2150];
	_ =	sdelay $0x6  }
0x51: {  	v1 =	vpop (erf)  }
0x52: {  	[tilespmem:v0+s16+$0x0] =	vst.idx.add.f32.msk $0xffff, v1  }
0x53: {  	v0 =	vld [tilespmem:s29+$0x14E0];
	_ =	sdelay $0x4  }
0x54: {  	v0 =	vmul.f32 $1.442695020e+00, v0;
	_ =	sdelay $0x1  }
0x55: {  	(erf) = vpow2.f32 v0;
	_ =	sdelay $0x2  }
0x56: {  	v0 =	vld [tilespmem:s29+$0x2160];
	_ =	sdelay $0x5  }
0x57: {  	s26 =	simm.s32 $0x1C0;
	s28 =	simm.s32 $0x380;
	v1 =	vpop (erf)  }
.LBB2_2:
0x58: {  	p0 =	sne.s32 s28, $0x2F40  }
0x59: {  	s29 =	sshra.s32 s26, $0x2;
	[tilespmem:v0+s16+$0x0] =	vst.idx.add.f32.msk $0xffff, v1;
	s26 =	smov.u32 s28;
	s28 =	sadd.s32 $0x1C0, s28  }
0x5a: {  	v0 =	vld [tilespmem:s29+$0x1480];
	_ =	sdelay $0x4  }
0x5b: {  	v0 =	vmul.f32 $1.442695020e+00, v0;
	_ =	sdelay $0x1  }
0x5c: {  	(erf) = vpow2.f32 v0;
	_ =	sdelay $0x1  }
0x5d: {  	v0 =	vld [tilespmem:s29+$0x2100];
	_ =	sdelay $0x6  }
0x5e: {  	v1 =	vpop (erf)  }
0x5f: {  	[tilespmem:v0+s16+$0x0] =	vst.idx.add.f32.msk $0xffff, v1  }
0x60: {  	v0 =	vld [tilespmem:s29+$0x1490];
	_ =	sdelay $0x4  }
0x61: {  	v0 =	vmul.f32 $1.442695020e+00, v0;
	_ =	sdelay $0x1  }
0x62: {  	(erf) = vpow2.f32 v0;
	_ =	sdelay $0x1  }
0x63: {  	v0 =	vld [tilespmem:s29+$0x2110];
	_ =	sdelay $0x6  }
0x64: {  	v1 =	vpop (erf)  }
0x65: {  	[tilespmem:v0+s16+$0x0] =	vst.idx.add.f32.msk $0xffff, v1  }
0x66: {  	v0 =	vld [tilespmem:s29+$0x14A0];
	_ =	sdelay $0x4  }
0x67: {  	v0 =	vmul.f32 $1.442695020e+00, v0;
	_ =	sdelay $0x1  }
0x68: {  	(erf) = vpow2.f32 v0;
	_ =	sdelay $0x1  }
0x69: {  	v0 =	vld [tilespmem:s29+$0x2120];
	_ =	sdelay $0x6  }
0x6a: {  	v1 =	vpop (erf)  }
0x6b: {  	[tilespmem:v0+s16+$0x0] =	vst.idx.add.f32.msk $0xffff, v1  }
0x6c: {  	v0 =	vld [tilespmem:s29+$0x14B0];
	_ =	sdelay $0x4  }
0x6d: {  	v0 =	vmul.f32 $1.442695020e+00, v0;
	_ =	sdelay $0x1  }
0x6e: {  	(erf) = vpow2.f32 v0;
	_ =	sdelay $0x1  }
0x6f: {  	v0 =	vld [tilespmem:s29+$0x2130];
	_ =	sdelay $0x6  }
0x70: {  	v1 =	vpop (erf)  }
0x71: {  	[tilespmem:v0+s16+$0x0] =	vst.idx.add.f32.msk $0xffff, v1  }
0x72: {  	v0 =	vld [tilespmem:s29+$0x14C0]  }
0x73: {  	v1 =	vld [tilespmem:s29+$0x2140];
	_ =	sdelay $0x3  }
0x74: {  	v0 =	vmul.f32 $1.442695020e+00, v0;
	_ =	sdelay $0x1  }
0x75: {  	(erf) = vpow2.f32 v0;
	_ =	sdelay $0x8  }
0x76: {  	v0 =	vpop (erf)  }
0x77: {  	[tilespmem:v1+s16+$0x0] =	vst.idx.add.f32.msk $0xffff, v0  }
0x78: {  	v0 =	vld [tilespmem:s29+$0x14D0]  }
0x79: {  	v1 =	vld [tilespmem:s29+$0x2150];
	_ =	sdelay $0x3  }
0x7a: {  	v0 =	vmul.f32 $1.442695020e+00, v0;
	_ =	sdelay $0x1  }
0x7b: {  	(erf) = vpow2.f32 v0;
	_ =	sdelay $0x8  }
0x7c: {  	v0 =	vpop (erf)  }
0x7d: {  	[tilespmem:v1+s16+$0x0] =	vst.idx.add.f32.msk $0xffff, v0  }
0x7e: {  	v1 =	vld [tilespmem:s29+$0x14E0]  }
0x7f: {  	v0 =	vld [tilespmem:s29+$0x2160];
	_ =	sdelay $0x3  }
0x80: {  	v1 =	vmul.f32 $1.442695020e+00, v1;
	_ =	sdelay $0x1  }
0x81: {  	(erf) = vpow2.f32 v1;
	_ =	sdelay $0x4  }
.Ltmp0:
0x82: {  	(pc) =	sbr.rel @p0 .LBB2_2-.Ltmp0, $2  }
0x83: {  	_ =	sdelay $0x2  }
0x84: {  	v1 =	vpop (erf)  }
0x85: {  	_ =	sdelay $0x3  }
0x86: {  	s26 =	sshra.s32 s26, $0x2;
	[tilespmem:v0+s16+$0x0] =	vst.idx.add.f32.msk $0xffff, v1  }
0x87: {  	v0 =	vld [tilespmem:s26+$0x1480];
	_ =	sdelay $0x4  }
0x88: {  	v0 =	vmul.f32 $1.442695020e+00, v0;
	_ =	sdelay $0x1  }
0x89: {  	(erf) = vpow2.f32 v0;
	_ =	sdelay $0x1  }
0x8a: {  	v44 =	vld [tilespmem:s26+$0x2100];
	_ =	sdelay $0x6  }
0x8b: {  	v45 =	vpop (erf)  }
0x8c: {  	[tilespmem:v44+s16+$0x0] =	vst.idx.add.f32.msk $0xffff, v45  }
0x8d: {  	v0 =	vld [tilespmem:s26+$0x1490];
	_ =	sdelay $0x4  }
0x8e: {  	v0 =	vmul.f32 $1.442695020e+00, v0;
	_ =	sdelay $0x1  }
0x8f: {  	(erf) = vpow2.f32 v0;
	_ =	sdelay $0x1  }
0x90: {  	v46 =	vld [tilespmem:s26+$0x2110];
	_ =	sdelay $0x6  }
0x91: {  	v47 =	vpop (erf)  }
0x92: {  	[tilespmem:v46+s16+$0x0] =	vst.idx.add.f32.msk $0xffff, v47  }
0x93: {  	v0 =	vld [tilespmem:s26+$0x14A0];
	_ =	sdelay $0x4  }
0x94: {  	v0 =	vmul.f32 $1.442695020e+00, v0;
	_ =	sdelay $0x1  }
0x95: {  	(erf) = vpow2.f32 v0;
	_ =	sdelay $0x1  }
0x96: {  	v48 =	vld [tilespmem:s26+$0x2120];
	_ =	sdelay $0x6  }
0x97: {  	v49 =	vpop (erf)  }
0x98: {  	[tilespmem:v48+s16+$0x0] =	vst.idx.add.f32.msk $0xffff, v49  }
0x99: {  	v0 =	vld [tilespmem:s26+$0x14B0];
	_ =	sdelay $0x4  }
0x9a: {  	v0 =	vmul.f32 $1.442695020e+00, v0;
	_ =	sdelay $0x1  }
0x9b: {  	(erf) = vpow2.f32 v0;
	_ =	sdelay $0x1  }
0x9c: {  	v50 =	vld [tilespmem:s26+$0x2130];
	_ =	sdelay $0x6  }
0x9d: {  	v51 =	vpop (erf)  }
0x9e: {  	[tilespmem:v50+s16+$0x0] =	vst.idx.add.f32.msk $0xffff, v51  }
0x9f: {  	v0 =	vld [tilespmem:s26+$0x14C0];
	_ =	sdelay $0x4  }
0xa0: {  	v0 =	vmul.f32 $1.442695020e+00, v0;
	_ =	sdelay $0x1  }
0xa1: {  	(erf) = vpow2.f32 v0;
	_ =	sdelay $0x1  }
0xa2: {  	v52 =	vld [tilespmem:s26+$0x2140];
	_ =	sdelay $0x6  }
0xa3: {  	v53 =	vpop (erf)  }
0xa4: {  	[tilespmem:v52+s16+$0x0] =	vst.idx.add.f32.msk $0xffff, v53  }
0xa5: {  	v0 =	vld [tilespmem:s26+$0x14D0];
	_ =	sdelay $0x4  }
0xa6: {  	v0 =	vmul.f32 $1.442695020e+00, v0;
	_ =	sdelay $0x1  }
0xa7: {  	(erf) = vpow2.f32 v0;
	_ =	sdelay $0x1  }
0xa8: {  	v54 =	vld [tilespmem:s26+$0x2150];
	_ =	sdelay $0x6  }
0xa9: {  	v55 =	vpop (erf)  }
0xaa: {  	[tilespmem:v54+s16+$0x0] =	vst.idx.add.f32.msk $0xffff, v55  }
0xab: {  	v0 =	vld [tilespmem:s26+$0x14E0];
	_ =	sdelay $0x4  }
0xac: {  	v0 =	vmul.f32 $1.442695020e+00, v0;
	_ =	sdelay $0x1  }
0xad: {  	(erf) = vpow2.f32 v0;
	_ =	sdelay $0x1  }
0xae: {  	v56 =	vld [tilespmem:s26+$0x2160];
	_ =	sdelay $0x6  }
0xaf: {  	v57 =	vpop (erf)  }
0xb0: {  	[tilespmem:v56+s16+$0x0] =	vst.idx.add.f32.msk $0xffff, v57  }
0xb1: {  	[spmem:s8] =	stream.strided.scatter [tilespmem:s16], [sflag:$0x5], $0x100, s18, s17, $0x38;
	[tilespmem:$0x3F80] =	vst v63  }
0xb2: {  	_ =	swait.ge [sflag:s19], $0x100  }
0xb3: {  	[sflag:s19] =	ssyncset.done $0x0  }
0xb4: {  	[sflag:s19] =	ssyncadd.s32 $0xFFFFFF00  }
0xb5: {  	[bflag:$0x0] =	sbarrier.arrive $0xFFFF  }
0xb6: {  	[tilespmem:s20], [sflag:$0x5] =	stream.linear.gather [spmem:s2], $0x1000, $0x38;
	[tilespmem:$0x3F80] =	vst v63  }
0xb7: {  	_ =	swait.ge [sflag:s19], $0x1000  }
0xb8: {  	[sflag:s19] =	ssyncset.done $0x0  }
0xb9: {  	[sflag:s19] =	ssyncadd.s32 $0xFFFFF000  }
0xba: {  	v29 =	vld [tilespmem:$0x2E80]  }
0xbb: {  	v28 =	vld [tilespmem:$0x2F00]  }
0xbc: {  	v32 =	vld [tilespmem:$0x2F80]  }
0xbd: {  	v36 =	vld [tilespmem:$0x3000]  }
0xbe: {  	v46 =	vld [tilespmem:$0x3080]  }
0xbf: {  	v51 =	vld [tilespmem:$0x3100]  }
0xc0: {  	v59 =	vld [tilespmem:$0x3180]  }
0xc1: {  	v58 =	vld [tilespmem:$0x3200]  }
0xc2: {  	v60 =	vld [tilespmem:$0x3680]  }
0xc3: {  	v61 =	vld [tilespmem:$0x3700]  }
0xc4: {  	v62 =	vld [tilespmem:$0x3780]  }
0xc5: {  	v63 =	vld [tilespmem:$0x3800]  }
0xc6: {  	v4 =	vld [tilespmem:$0x3880]  }
0xc7: {  	v5 =	vld [tilespmem:$0x3900]  }
0xc8: {  	v6 =	vld [tilespmem:$0x3980]  }
0xc9: {  	v7 =	vld [tilespmem:$0x3A00]  }
0xca: {  	v14 =	vld [tilespmem:$0x2E90]  }
0xcb: {  	v11 =	vld [tilespmem:$0x2F10]  }
0xcc: {  	v16 =	vld [tilespmem:$0x2F90]  }
0xcd: {  	v20 =	vld [tilespmem:$0x3010]  }
0xce: {  	v25 =	vld [tilespmem:$0x3090]  }
0xcf: {  	v39 =	vld [tilespmem:$0x3110]  }
0xd0: {  	v45 =	vld [tilespmem:$0x3190]  }
0xd1: {  	v56 =	vld [tilespmem:$0x3210]  }
0xd2: {  	v55 =	vld [tilespmem:$0x3690]  }
0xd3: {  	v8 =	vld [tilespmem:$0x3790]  }
0xd4: {  	v9 =	vld [tilespmem:$0x3810]  }
0xd5: {  	v10 =	vld [tilespmem:$0x3890]  }
0xd6: {  	v12 =	vld [tilespmem:$0x3910]  }
0xd7: {  	v13 =	vld [tilespmem:$0x3990]  }
0xd8: {  	v15 =	vld [tilespmem:$0x3A10]  }
0xd9: {  	v19 =	vld [tilespmem:$0x3120]  }
0xda: {  	v23 =	vld [tilespmem:$0x31A0]  }
0xdb: {  	v31 =	vld [tilespmem:$0x3220]  }
0xdc: {  	v37 =	vld [tilespmem:$0x36A0]  }
0xdd: {  	v43 =	vld [tilespmem:$0x3720]  }
0xde: {  	v52 =	vld [tilespmem:$0x37A0]  }
0xdf: {  	v17 =	vld [tilespmem:$0x38A0]  }
0xe0: {  	v18 =	vld [tilespmem:$0x3920]  }
0xe1: {  	v21 =	vld [tilespmem:$0x39A0]  }
0xe2: {  	v22 =	vld [tilespmem:$0x3A20]  }
0xe3: {  	v1 =	vld [tilespmem:$0x2EB0]  }
0xe4: {  	v0 =	vld [tilespmem:$0x2F30]  }
0xe5: {  	v2 =	vld [tilespmem:$0x2FB0]  }
0xe6: {  	v3 =	vld [tilespmem:$0x3030]  }
0xe7: {  	v26 =	vld [tilespmem:$0x3730]  }
0xe8: {  	v34 =	vld [tilespmem:$0x37B0]  }
0xe9: {  	v40 =	vld [tilespmem:$0x3830]  }
0xea: {  	v48 =	vld [tilespmem:$0x38B0]  }
0xeb: {  	v54 =	vld [tilespmem:$0x3930]  }
0xec: {  	v24 =	vld [tilespmem:$0x3A30]  }
0xed: {  	v27 =	vld [tilespmem:$0x2EC0]  }
0xee: {  	v30 =	vld [tilespmem:$0x2F40]  }
0xef: {  	v33 =	vld [tilespmem:$0x2FC0]  }
0xf0: {  	v35 =	vld [tilespmem:$0x3040]  }
0xf1: {  	v38 =	vld [tilespmem:$0x30C0]  }
0xf2: {  	v41 =	vld [tilespmem:$0x3140]  }
0xf3: {  	v42 =	vld [tilespmem:$0x31C0]  }
0xf4: {  	v44 =	vld [tilespmem:$0x3240]  }
0xf5: {  	v47 =	vld [tilespmem:$0x36C0]  }
0xf6: {  	v49 =	vld [tilespmem:$0x3740]  }
0xf7: {  	v50 =	vld [tilespmem:$0x37C0]  }
0xf8: {  	v53 =	vld [tilespmem:$0x3840]  }
0xf9: {  	v57 =	vld [tilespmem:$0x38C0]  }
0xfa: {  	[tilespmem:$0x1FB10] =	vst v63;
	v63 =	vld [tilespmem:$0x3710]  }
0xfb: {  	[tilespmem:$0x1FB50] =	vst v5;
	v5 =	vld [tilespmem:$0x2EA0]  }
0xfc: {  	[tilespmem:$0x1FB30] =	vst v4;
	v4 =	vld [tilespmem:$0x2F20]  }
0xfd: {  	[tilespmem:$0x1FBB0] =	vst v7;
	v7 =	vld [tilespmem:$0x2FA0]  }
0xfe: {  	[tilespmem:$0x1FB20] =	vst v9;
	v9 =	vld [tilespmem:$0x3020]  }
0xff: {  	[tilespmem:$0x1FBD0] =	vst v15;
	v15 =	vld [tilespmem:$0x30A0]  }
0x100: {  	[tilespmem:$0x1FAD0] =	vst v60;
	v60 =	vld [tilespmem:$0x3820]  }
0x101: {  	[tilespmem:$0x1FB80] =	vst v6;
	v6 =	vld [tilespmem:$0x30B0]  }
0x102: {  	[tilespmem:$0x1FB00] =	vst v8;
	v8 =	vld [tilespmem:$0x3130]  }
0x103: {  	[tilespmem:$0x1FB40] =	vst v10;
	v10 =	vld [tilespmem:$0x31B0]  }
0x104: {  	[tilespmem:$0x1FB60] =	vst v17;
	v17 =	vld [tilespmem:$0x3230]  }
0x105: {  	[tilespmem:$0x1FBC0] =	vst v21;
	v21 =	vld [tilespmem:$0x36B0]  }
0x106: {  	[tilespmem:$0x1FB70] =	vst v12;
	v12 =	vld [tilespmem:$0x39B0]  }
0x107: {  	[tilespmem:$0x1FAC0] =	vst v58;
	v58 =	vld [tilespmem:$0x3940]  }
0x108: {  	[tilespmem:$0x1FAE0] =	vst v61;
	v61 =	vld [tilespmem:$0x39C0]  }
0x109: {  	[tilespmem:$0x1FAF0] =	vst v62;
	v62 =	vld [tilespmem:$0x3A40]  }
0x10a: {  	[tilespmem:$0x1FCB0] =	vst v44;
	v44 =	vld [tilespmem:$0x2ED0]  }
0x10b: {  	[tilespmem:$0x1FC90] =	vst v42;
	v42 =	vld [tilespmem:$0x2F50]  }
0x10c: {  	[tilespmem:$0x1FD30] =	vst v50;
	v50 =	vld [tilespmem:$0x2FD0]  }
0x10d: {  	[tilespmem:$0x1FB90] =	vst v18;
	v18 =	vld [tilespmem:$0x30D0]  }
0x10e: {  	[tilespmem:$0x1FBF0] =	vst v22;
	v22 =	vld [tilespmem:$0x3150]  }
0x10f: {  	[tilespmem:$0x1FC20] =	vst v24;
	v24 =	vld [tilespmem:$0x31D0]  }
0x110: {  	[tilespmem:$0x1FC00] =	vst v27;
	v27 =	vld [tilespmem:$0x3250]  }
0x111: {  	[tilespmem:$0x1FC10] =	vst v30;
	v30 =	vld [tilespmem:$0x36D0]  }
0x112: {  	[tilespmem:$0x1FC30] =	vst v33;
	v33 =	vld [tilespmem:$0x3750]  }
0x113: {  	[tilespmem:$0x1FC40] =	vst v35;
	v35 =	vld [tilespmem:$0x37D0]  }
0x114: {  	[tilespmem:$0x1FC50] =	vst v38;
	v38 =	vld [tilespmem:$0x3850]  }
0x115: {  	[tilespmem:$0x1FC70] =	vst v41;
	v41 =	vld [tilespmem:$0x38D0]  }
0x116: {  	[tilespmem:$0x1FCD0] =	vst v47;
	v47 =	vld [tilespmem:$0x3950]  }
0x117: {  	[tilespmem:$0x1FD00] =	vst v49;
	v49 =	vld [tilespmem:$0x39D0]  }
0x118: {  	[tilespmem:$0x1FD70] =	vst v53;
	v53 =	vld [tilespmem:$0x3A50]  }
0x119: {  	[tilespmem:$0x1FDB0] =	vst v57;
	v57 =	vld [tilespmem:$0x3260]  }
0x11a: {  	[tilespmem:$0x1FBA0] =	vst v13;
	v13 =	vld [tilespmem:$0x2EF0];
	v0 =	vadd.f32 v0, v1  }
0x11b: {  	v28 =	vadd.f32 v28, v29;
	v29 =	vld [tilespmem:$0x3D00]  }
0x11c: {  	v11 =	vadd.f32 v11, v14;
	v14 =	vld [tilespmem:$0x3E00];
	v0 =	vadd.f32 v2, v0  }
0x11d: {  	v28 =	vadd.f32 v32, v28;
	v2 =	vld [tilespmem:$0x3390]  }
0x11e: {  	v32 =	vadd.f32 v16, v11;
	v0 =	vadd.f32 v3, v0;
	v3 =	vld [tilespmem:$0x3410]  }
0x11f: {  	v11 =	vadd.f32 v36, v28;
	v28 =	vld [tilespmem:$0x3510]  }
0x120: {  	v16 =	vadd.f32 v20, v32;
	v20 =	vld [tilespmem:$0x1FAC0]  }
0x121: {  	v32 =	vld [tilespmem:$0x1FAE0]  }
0x122: {  	v36 =	vld [tilespmem:$0x3C10]  }
0x123: {  	[tilespmem:$0x1FDF0] =	vst v58;
	v58 =	vld [tilespmem:$0x3050]  }
0x124: {  	[tilespmem:$0x1FCC0] =	vst v27;
	v27 =	vld [tilespmem:$0x2EE0]  }
0x125: {  	[tilespmem:$0x1FCA0] =	vst v24;
	v24 =	vld [tilespmem:$0x2F60]  }
0x126: {  	[tilespmem:$0x1FD20] =	vst v33;
	v33 =	vld [tilespmem:$0x2FE0]  }
0x127: {  	[tilespmem:$0x1FD90] =	vst v38;
	v38 =	vld [tilespmem:$0x3060]  }
0x128: {  	[tilespmem:$0x1FE10] =	vst v47;
	v47 =	vld [tilespmem:$0x30E0]  }
0x129: {  	[tilespmem:$0x1FE90] =	vst v53;
	v53 =	vld [tilespmem:$0x3160]  }
0x12a: {  	[tilespmem:$0x1FE30] =	vst v61;
	v61 =	vld [tilespmem:$0x31E0]  }
0x12b: {  	[tilespmem:$0x1FE70] =	vst v62;
	v62 =	vld [tilespmem:$0x36E0]  }
0x12c: {  	[tilespmem:$0x1FC60] =	vst v18;
	v18 =	vld [tilespmem:$0x3760]  }
0x12d: {  	[tilespmem:$0x1FC80] =	vst v22;
	v22 =	vld [tilespmem:$0x37E0]  }
0x12e: {  	[tilespmem:$0x1FCF0] =	vst v30;
	v30 =	vld [tilespmem:$0x3860]  }
0x12f: {  	[tilespmem:$0x1FD50] =	vst v35;
	v35 =	vld [tilespmem:$0x38E0]  }
0x130: {  	[tilespmem:$0x1FDD0] =	vst v41;
	v41 =	vld [tilespmem:$0x3960]  }
0x131: {  	[tilespmem:$0x1FE50] =	vst v49;
	v49 =	vld [tilespmem:$0x39E0]  }
0x132: {  	[tilespmem:$0x1FCE0] =	vst v57;
	v57 =	vld [tilespmem:$0x3A60]  }
0x133: {  	[tilespmem:$0x1FBE0] =	vst v12;
	v12 =	vld [tilespmem:$0x2F70]  }
0x134: {  	v4 =	vadd.f32 v4, v5;
	v5 =	vld [tilespmem:$0x3290]  }
0x135: {  	[tilespmem:$0x1FFC0] =	vst v29;
	v29 =	vld [tilespmem:$0x3610]  }
0x136: {  	[tilespmem:$0x1FFF0] =	vst v14;
	v14 =	vld [tilespmem:$0x1FB60]  }
0x137: {  	v1 =	vadd.f32 v46, v11;
	v46 =	vld [tilespmem:$0x1FB00]  }
0x138: {  	v4 =	vadd.f32 v7, v4;
	v7 =	vadd.f32 v25, v16;
	v25 =	vld [tilespmem:$0x1FAD0]  }
0x139: {  	v0 =	vadd.f32 v6, v0;
	v16 =	vld [tilespmem:$0x1FB80]  }
0x13a: {  	v1 =	vadd.f32 v51, v1;
	v51 =	vld [tilespmem:$0x1FB10]  }
0x13b: {  	v0 =	vadd.f32 v8, v0;
	v8 =	vld [tilespmem:$0x3DA0]  }
0x13c: {  	v9 =	vadd.f32 v9, v4;
	v4 =	vld [tilespmem:$0x3310]  }
0x13d: {  	v7 =	vadd.f32 v39, v7;
	v39 =	vld [tilespmem:$0x3490]  }
0x13e: {  	[tilespmem:$0x1FFA0] =	vst v36;
	v36 =	vld [tilespmem:$0x3620]  }
0x13f: {  	[tilespmem:$0x1FD40] =	vst v18;
	v18 =	vld [tilespmem:$0x2FF0]  }
0x140: {  	[tilespmem:$0x1FD80] =	vst v22;
	v22 =	vld [tilespmem:$0x3070]  }
0x141: {  	[tilespmem:$0x1FDC0] =	vst v30;
	v30 =	vld [tilespmem:$0x30F0]  }
0x142: {  	[tilespmem:$0x1FE00] =	vst v35;
	v35 =	vld [tilespmem:$0x3170]  }
0x143: {  	[tilespmem:$0x1FE40] =	vst v41;
	v41 =	vld [tilespmem:$0x31F0]  }
0x144: {  	[tilespmem:$0x1FE80] =	vst v49;
	v49 =	vld [tilespmem:$0x3270]  }
0x145: {  	[tilespmem:$0x1FEB0] =	vst v57;
	v57 =	vld [tilespmem:$0x36F0]  }
0x146: {  	[tilespmem:$0x1FD10] =	vst v62;
	v62 =	vld [tilespmem:$0x3770]  }
0x147: {  	v0 =	vadd.f32 v10, v0;
	v10 =	vld [tilespmem:$0x3320]  }
0x148: {  	v1 =	vadd.f32 v59, v1;
	v59 =	vld [tilespmem:$0x1FB40]  }
0x149: {  	v7 =	vadd.f32 v45, v7;
	v45 =	vld [tilespmem:$0x3590]  }
0x14a: {  	v9 =	vadd.f32 v15, v9;
	v15 =	vld [tilespmem:$0x1FB70]  }
0x14b: {  	v0 =	vadd.f32 v17, v0;
	v17 =	vld [tilespmem:$0x1FB90]  }
0x14c: {  	v1 =	vadd.f32 v20, v1;
	v20 =	vld [tilespmem:$0x1FBB0]  }
0x14d: {  	v7 =	vadd.f32 v56, v7;
	v56 =	vld [tilespmem:$0x3A90]  }
0x14e: {  	v19 =	vadd.f32 v19, v9;
	v9 =	vld [tilespmem:$0x32A0]  }
0x14f: {  	v0 =	vadd.f32 v21, v0;
	v21 =	vld [tilespmem:$0x3C90]  }
0x150: {  	v1 =	vadd.f32 v25, v1;
	v25 =	vld [tilespmem:$0x35A0]  }
0x151: {  	[tilespmem:$0x1FD60] =	vst v62;
	v62 =	vld [tilespmem:$0x37F0]  }
0x152: {  	v6 =	vadd.f32 v23, v19;
	v23 =	vld [tilespmem:$0x3B90]  }
0x153: {  	v7 =	vadd.f32 v55, v7;
	v55 =	vld [tilespmem:$0x1FB30]  }
0x154: {  	v19 =	vld [tilespmem:$0x1FBA0]  }
0x155: {  	v0 =	vadd.f32 v26, v0;
	v26 =	vld [tilespmem:$0x1FBC0]  }
0x156: {  	v1 =	vadd.f32 v32, v1;
	v32 =	vld [tilespmem:$0x1FBE0]  }
0x157: {  	v4 =	vadd.f32 v4, v5;
	v6 =	vadd.f32 v31, v6;
	v31 =	vld [tilespmem:$0x3B10]  }
0x158: {  	v7 =	vadd.f32 v63, v7;
	v63 =	vld [tilespmem:$0x3D90]  }
0x159: {  	v2 =	vadd.f32 v2, v4;
	v0 =	vadd.f32 v34, v0;
	v34 =	vld [tilespmem:$0x1FBF0]  }
0x15a: {  	v9 =	vadd.f32 v10, v9;
	v10 =	vld [tilespmem:$0x3C40]  }
0x15b: {  	v2 =	vadd.f32 v3, v2;
	v3 =	vld [tilespmem:$0x3DC0]  }
0x15c: {  	v6 =	vadd.f32 v37, v6;
	v37 =	vld [tilespmem:$0x1FAF0]  }
0x15d: {  	v7 =	vadd.f32 v46, v7;
	v46 =	vld [tilespmem:$0x1FC00]  }
0x15e: {  	[tilespmem:$0x1FDA0] =	vst v62;
	v62 =	vld [tilespmem:$0x3870]  }
0x15f: {  	v0 =	vadd.f32 v40, v0;
	v40 =	vld [tilespmem:$0x3420]  }
0x160: {  	v6 =	vadd.f32 v43, v6;
	v43 =	vld [tilespmem:$0x3D10]  }
0x161: {  	v2 =	vadd.f32 v39, v2;
	[tilespmem:$0x1FF70] =	vst v31;
	v31 =	vld [tilespmem:$0x1FBD0]  }
0x162: {  	v0 =	vadd.f32 v48, v0;
	v48 =	vld [tilespmem:$0x1FC10]  }
0x163: {  	v2 =	vadd.f32 v28, v2;
	v28 =	vld [tilespmem:$0x3350]  }
0x164: {  	v6 =	vadd.f32 v52, v6;
	v52 =	vld [tilespmem:$0x1FB20]  }
0x165: {  	v1 =	vadd.f32 v37, v1;
	v37 =	vld [tilespmem:$0x33A0]  }
0x166: {  	v0 =	vadd.f32 v54, v0;
	v54 =	vadd.f32 v42, v44;
	v42 =	vld [tilespmem:$0x1FC60]  }
0x167: {  	v44 =	vld [tilespmem:$0x1FC70]  }
0x168: {  	[tilespmem:$0x1FDE0] =	vst v62;
	v62 =	vld [tilespmem:$0x38F0]  }
0x169: {  	v6 =	vadd.f32 v60, v6;
	v60 =	vld [tilespmem:$0x1FB50]  }
0x16a: {  	[tilespmem:$0x1FFD0] =	vst v43;
	v43 =	vld [tilespmem:$0x34A0]  }
0x16b: {  	v2 =	vadd.f32 v45, v2;
	v0 =	vadd.f32 v32, v0;
	v32 =	vld [tilespmem:$0x3AA0]  }
0x16c: {  	v1 =	vadd.f32 v51, v1;
	v51 =	vld [tilespmem:$0x1FC20]  }
0x16d: {  	v2 =	vadd.f32 v29, v2;
	v29 =	vld [tilespmem:$0x34D0]  }
0x16e: {  	v7 =	vadd.f32 v52, v7;
	v52 =	vld [tilespmem:$0x3520]  }
0x16f: {  	v1 =	vadd.f32 v55, v1;
	v55 =	vld [tilespmem:$0x1FC30]  }
0x170: {  	v2 =	vadd.f32 v56, v2;
	v56 =	vld [tilespmem:$0x1FFA0]  }
0x171: {  	[tilespmem:$0x1FE20] =	vst v62;
	v62 =	vld [tilespmem:$0x3970];
	v7 =	vadd.f32 v59, v7  }
0x172: {  	v1 =	vadd.f32 v60, v1;
	v60 =	vadd.f32 v12, v13;
	v12 =	vld [tilespmem:$0x3CA0]  }
0x173: {  	v6 =	vadd.f32 v14, v6;
	v59 =	vadd.f32 v24, v27;
	v24 =	vld [tilespmem:$0x1FC40]  }
0x174: {  	v13 =	vld [tilespmem:$0x1FE90];
	v7 =	vadd.f32 v15, v7;
	v1 =	vadd.f32 v16, v1  }
0x175: {  	v6 =	vadd.f32 v17, v6;
	v16 =	vld [tilespmem:$0x3D20]  }
0x176: {  	v7 =	vadd.f32 v19, v7;
	v20 =	vadd.f32 v20, v1;
	v19 =	vld [tilespmem:$0x3C20]  }
0x177: {  	v1 =	vadd.f32 v26, v6;
	v6 =	vadd.f32 v33, v59;
	v33 =	vld [tilespmem:$0x1FC50]  }
0x178: {  	v26 =	vadd.f32 v51, v0;
	v0 =	vadd.f32 v50, v54;
	v50 =	vld [tilespmem:$0x1FCB0]  }
0x179: {  	v51 =	vld [tilespmem:$0x1FCC0]  }
0x17a: {  	v54 =	vld [tilespmem:$0x1FCE0]  }
0x17b: {  	v59 =	vld [tilespmem:$0x1FD10]  }
0x17c: {  	[tilespmem:$0x1FE60] =	vst v62;
	v62 =	vld [tilespmem:$0x39F0]  }
0x17d: {  	v14 =	vadd.f32 v31, v7;
	v31 =	vld [tilespmem:$0x3B20]  }
0x17e: {  	v17 =	vadd.f32 v34, v1;
	v34 =	vld [tilespmem:$0x3BA0]  }
0x17f: {  	v27 =	vadd.f32 v58, v0;
	v0 =	vld [tilespmem:$0x3E20]  }
0x180: {  	v7 =	vadd.f32 v18, v60;
	v18 =	vld [tilespmem:$0x32B0]  }
0x181: {  	v1 =	vadd.f32 v48, v46;
	v46 =	vld [tilespmem:$0x1FC80]  }
0x182: {  	v48 =	vld [tilespmem:$0x1FCA0]  }
0x183: {  	v6 =	vadd.f32 v38, v6;
	v38 =	vld [tilespmem:$0x3630]  }
0x184: {  	v58 =	vld [tilespmem:$0x1FD00]  }
0x185: {  	v60 =	vld [tilespmem:$0x1FD20]  }
0x186: {  	[tilespmem:$0x13B0] =	vst v26;
	v26 =	vld [tilespmem:$0x3DE0]  }
0x187: {  	v7 =	vadd.f32 v22, v7;
	v22 =	vld [tilespmem:$0x3330]  }
0x188: {  	v6 =	vadd.f32 v47, v6;
	v47 =	vld [tilespmem:$0x1FC90]  }
0x189: {  	v11 =	vadd.f32 v42, v27;
	v27 =	vld [tilespmem:$0x3430]  }
0x18a: {  	v1 =	vadd.f32 v55, v1;
	v55 =	vld [tilespmem:$0x1FCF0]  }
0x18b: {  	v42 =	vld [tilespmem:$0x3B30]  }
0x18c: {  	[tilespmem:$0x1FEA0] =	vst v62;
	v62 =	vld [tilespmem:$0x3A70]  }
0x18d: {  	v1 =	vadd.f32 v24, v1;
	v24 =	vld [tilespmem:$0x33B0]  }
0x18e: {  	v7 =	vadd.f32 v30, v7;
	v30 =	vld [tilespmem:$0x34B0]  }
0x18f: {  	v6 =	vadd.f32 v53, v6;
	v53 =	vld [tilespmem:$0x1FCD0]  }
0x190: {  	v11 =	vadd.f32 v46, v11;
	v46 =	vld [tilespmem:$0x1FD40]  }
0x191: {  	v1 =	vadd.f32 v33, v1;
	v33 =	vld [tilespmem:$0x3530]  }
0x192: {  	v7 =	vadd.f32 v35, v7;
	v35 =	vld [tilespmem:$0x35B0]  }
0x193: {  	v6 =	vadd.f32 v61, v6;
	v61 =	vld [tilespmem:$0x1FD30]  }
0x194: {  	v11 =	vadd.f32 v48, v11;
	v48 =	vld [tilespmem:$0x1FD60]  }
0x195: {  	v4 =	vadd.f32 v22, v18;
	v22 =	vadd.f32 v37, v9;
	v9 =	vld [tilespmem:$0x3CC0]  }
0x196: {  	v7 =	vadd.f32 v41, v7;
	v41 =	vld [tilespmem:$0x3AB0]  }
0x197: {  	v1 =	vadd.f32 v44, v1;
	v44 =	vld [tilespmem:$0x3BB0]  }
0x198: {  	v6 =	vadd.f32 v54, v6;
	v54 =	vld [tilespmem:$0x1FDB0]  }
0x199: {  	[tilespmem:$0x1FEE0] =	vst v62;
	v62 =	vld [tilespmem:$0x3280]  }
0x19a: {  	v11 =	vadd.f32 v51, v11;
	v51 =	vld [tilespmem:$0x1FD90]  }
0x19b: {  	v1 =	vadd.f32 v47, v1;
	v47 =	vld [tilespmem:$0x1FD50]  }
0x19c: {  	v7 =	vadd.f32 v49, v7;
	v49 =	vld [tilespmem:$0x1FD70]  }
0x19d: {  	v24 =	vadd.f32 v24, v4;
	v6 =	vadd.f32 v59, v6;
	v59 =	vld [tilespmem:$0x1FDF0]  }
0x19e: {  	v11 =	vadd.f32 v55, v11;
	v55 =	vld [tilespmem:$0x1FDC0]  }
0x19f: {  	v39 =	vadd.f32 v27, v24;
	v27 =	vld [tilespmem:$0x32D0]  }
0x1a0: {  	v6 =	vadd.f32 v46, v6;
	v46 =	vld [tilespmem:$0x3C30]  }
0x1a1: {  	v1 =	vadd.f32 v50, v1;
	v50 =	vld [tilespmem:$0x1FD80]  }
0x1a2: {  	v7 =	vadd.f32 v57, v7;
	v57 =	vld [tilespmem:$0x1FDD0]  }
0x1a3: {  	v11 =	vadd.f32 v60, v11;
	v60 =	vld [tilespmem:$0x1FE00]  }
0x1a4: {  	[tilespmem:$0x1FEC0] =	vst v62;
	v62 =	vld [tilespmem:$0x3300]  }
0x1a5: {  	v7 =	vadd.f32 v48, v7;
	v48 =	vld [tilespmem:$0x3D30]  }
0x1a6: {  	v1 =	vadd.f32 v53, v1;
	v53 =	vld [tilespmem:$0x1FDA0]  }
0x1a7: {  	v11 =	vadd.f32 v47, v11;
	v47 =	vld [tilespmem:$0x3CB0]  }
0x1a8: {  	v1 =	vadd.f32 v58, v1;
	v58 =	vld [tilespmem:$0x1FDE0]  }
0x1a9: {  	v6 =	vadd.f32 v50, v6;
	v50 =	vld [tilespmem:$0x3E30]  }
0x1aa: {  	v11 =	vadd.f32 v51, v11;
	v51 =	vld [tilespmem:$0x32C0]  }
0x1ab: {  	v1 =	vadd.f32 v61, v1;
	v61 =	vld [tilespmem:$0x1FE10]  }
0x1ac: {  	[tilespmem:$0x1FED0] =	vst v62;
	v62 =	vld [tilespmem:$0x3380]  }
0x1ad: {  	v7 =	vadd.f32 v53, v7;
	v53 =	vld [tilespmem:$0x3340]  }
0x1ae: {  	v6 =	vadd.f32 v55, v6;
	v55 =	vld [tilespmem:$0x1FE30]  }
0x1af: {  	v11 =	vadd.f32 v57, v11;
	v57 =	vld [tilespmem:$0x1FE40]  }
0x1b0: {  	v1 =	vadd.f32 v49, v1;
	v49 =	vld [tilespmem:$0x3DB0]  }
0x1b1: {  	v7 =	vadd.f32 v58, v7;
	v58 =	vld [tilespmem:$0x1FE50]  }
0x1b2: {  	v6 =	vadd.f32 v60, v6;
	v60 =	vld [tilespmem:$0x1FE70]  }
0x1b3: {  	v1 =	vadd.f32 v54, v1;
	v54 =	vld [tilespmem:$0x1FE20]  }
0x1b4: {  	v11 =	vadd.f32 v61, v11;
	v61 =	vld [tilespmem:$0x1FE80]  }
0x1b5: {  	[tilespmem:$0x1FEF0] =	vst v62;
	v62 =	vld [tilespmem:$0x3400]  }
0x1b6: {  	v1 =	vadd.f32 v59, v1;
	v59 =	vld [tilespmem:$0x1FE60]  }
0x1b7: {  	v6 =	vadd.f32 v57, v6;
	v57 =	vld [tilespmem:$0x34C0]  }
0x1b8: {  	v53 =	vadd.f32 v53, v51;
	v51 =	vld [tilespmem:$0x3AF0]  }
0x1b9: {  	v5 =	vld [tilespmem:$0x1FEF0]  }
0x1ba: {  	v1 =	vadd.f32 v55, v1;
	v55 =	vld [tilespmem:$0x3440]  }
0x1bb: {  	v11 =	vadd.f32 v58, v11;
	v58 =	vld [tilespmem:$0x3540]  }
0x1bc: {  	v15 =	vadd.f32 v60, v1;
	v60 =	vld [tilespmem:$0x1FEB0]  }
0x1bd: {  	v7 =	vadd.f32 v54, v7;
	v54 =	vld [tilespmem:$0x33C0]  }
0x1be: {  	[tilespmem:$0x1FF00] =	vst v62;
	v62 =	vld [tilespmem:$0x3480]  }
0x1bf: {  	v6 =	vadd.f32 v61, v6;
	v7 =	vadd.f32 v59, v7;
	v59 =	vld [tilespmem:$0x1FEA0]  }
0x1c0: {  	v61 =	vld [tilespmem:$0x1FEC0]  }
0x1c1: {  	v6 =	vadd.f32 v60, v6;
	v60 =	vld [tilespmem:$0x1FED0]  }
0x1c2: {  	v18 =	vld [tilespmem:$0x1FF00]  }
0x1c3: {  	[tilespmem:$0x1FF10] =	vst v62;
	v62 =	vld [tilespmem:$0x3500]  }
0x1c4: {  	v7 =	vadd.f32 v59, v7;
	v59 =	vld [tilespmem:$0x35C0]  }
0x1c5: {  	v37 =	vld [tilespmem:$0x1FF10]  }
0x1c6: {  	v1 =	vadd.f32 v13, v11;
	v11 =	vadd.f32 v60, v61;
	v60 =	vld [tilespmem:$0x3640]  }
0x1c7: {  	v61 =	vld [tilespmem:$0x1FEE0]  }
0x1c8: {  	[tilespmem:$0x1FF20] =	vst v62;
	v62 =	vld [tilespmem:$0x3580];
	v5 =	vadd.f32 v5, v11  }
0x1c9: {  	v11 =	vld [tilespmem:$0x3B40]  }
0x1ca: {  	v5 =	vadd.f32 v18, v5;
	v18 =	vadd.f32 v40, v22;
	v40 =	vld [tilespmem:$0x1FF20]  }
0x1cb: {  	v22 =	vadd.f32 v30, v39;
	v30 =	vld [tilespmem:$0x33D0]  }
0x1cc: {  	v13 =	vadd.f32 v61, v7;
	v61 =	vld [tilespmem:$0x3AC0]  }
0x1cd: {  	[tilespmem:$0x1FF30] =	vst v62;
	v62 =	vld [tilespmem:$0x3600]  }
0x1ce: {  	v7 =	vld [tilespmem:$0x3BC0]  }
0x1cf: {  	v4 =	vadd.f32 v37, v5;
	v5 =	vld [tilespmem:$0x3D40]  }
0x1d0: {  	v18 =	vadd.f32 v43, v18;
	v22 =	vadd.f32 v33, v22;
	v33 =	vld [tilespmem:$0x3550]  }
0x1d1: {  	v43 =	vld [tilespmem:$0x1FF30]  }
0x1d2: {  	v18 =	vadd.f32 v52, v18;
	[tilespmem:$0x1FF40] =	vst v62;
	v62 =	vld [tilespmem:$0x3A80]  }
0x1d3: {  	v22 =	vadd.f32 v35, v22;
	v35 =	vld [tilespmem:$0x35D0]  }
0x1d4: {  	v18 =	vadd.f32 v25, v18;
	v25 =	vld [tilespmem:$0x3450]  }
0x1d5: {  	v22 =	vadd.f32 v38, v22;
	v38 =	vld [tilespmem:$0x32E0]  }
0x1d6: {  	v24 =	vadd.f32 v40, v4;
	v37 =	vld [tilespmem:$0x1FF40]  }
0x1d7: {  	[tilespmem:$0x1FF50] =	vst v62;
	v62 =	vld [tilespmem:$0x3B00]  }
0x1d8: {  	v24 =	vadd.f32 v43, v24;
	v18 =	vadd.f32 v36, v18;
	v43 =	vld [tilespmem:$0x1FF70]  }
0x1d9: {  	v22 =	vadd.f32 v41, v22;
	v36 =	vld [tilespmem:$0x3AD0]  }
0x1da: {  	v18 =	vadd.f32 v32, v18;
	v32 =	vld [tilespmem:$0x3650]  }
0x1db: {  	v22 =	vadd.f32 v42, v22;
	v42 =	vld [tilespmem:$0x1FFC0]  }
0x1dc: {  	[tilespmem:$0x1FF60] =	vst v62;
	v62 =	vld [tilespmem:$0x3B80]  }
0x1dd: {  	v18 =	vadd.f32 v31, v18;
	v31 =	vld [tilespmem:$0x3B50]  }
0x1de: {  	v39 =	vld [tilespmem:$0x1FF50]  }
0x1df: {  	v24 =	vadd.f32 v37, v24;
	v37 =	vld [tilespmem:$0x3CD0]  }
0x1e0: {  	v2 =	vadd.f32 v43, v2;
	v43 =	vld [tilespmem:$0x1FFD0]  }
0x1e1: {  	v22 =	vadd.f32 v44, v22;
	[tilespmem:$0x1FF80] =	vst v62;
	v62 =	vld [tilespmem:$0x3C00]  }
0x1e2: {  	v18 =	vadd.f32 v34, v18;
	v34 =	vld [tilespmem:$0x3C50]  }
0x1e3: {  	v41 =	vadd.f32 v46, v22;
	v22 =	vld [tilespmem:$0x3DD0]  }
0x1e4: {  	v46 =	vld [tilespmem:$0x32F0]  }
0x1e5: {  	v27 =	vadd.f32 v28, v27;
	v2 =	vadd.f32 v23, v2;
	v23 =	vld [tilespmem:$0x3BD0]  }
0x1e6: {  	[tilespmem:$0x1FF90] =	vst v62;
	v62 =	vld [tilespmem:$0x3C80]  }
0x1e7: {  	v27 =	vadd.f32 v30, v27;
	v18 =	vadd.f32 v19, v18;
	v19 =	vld [tilespmem:$0x3D50]  }
0x1e8: {  	v2 =	vadd.f32 v56, v2;
	v56 =	vld [tilespmem:$0x33F0]  }
0x1e9: {  	v25 =	vadd.f32 v25, v27;
	v40 =	vld [tilespmem:$0x1FF60]  }
0x1ea: {  	v45 =	vld [tilespmem:$0x1FF80]  }
0x1eb: {  	v25 =	vadd.f32 v29, v25;
	v24 =	vadd.f32 v39, v24;
	[tilespmem:$0x1FFB0] =	vst v62;
	v62 =	vld [tilespmem:$0x3D80]  }
0x1ec: {  	v2 =	vadd.f32 v21, v2;
	v21 =	vadd.f32 v47, v41;
	v47 =	vld [tilespmem:$0x1FFF0]  }
0x1ed: {  	v25 =	vadd.f32 v33, v25;
	v12 =	vadd.f32 v12, v18;
	v52 =	vld [tilespmem:$0x1FF90]  }
0x1ee: {  	v21 =	vadd.f32 v48, v21;
	v48 =	vld [tilespmem:$0x3370];
	v24 =	vadd.f32 v40, v24  }
0x1ef: {  	v12 =	vadd.f32 v16, v12;
	v40 =	vld [tilespmem:$0x1FFB0]  }
0x1f0: {  	v25 =	vadd.f32 v35, v25;
	v24 =	vadd.f32 v45, v24;
	[tilespmem:$0x1FFE0] =	vst v62;
	v62 =	vld [tilespmem:$0x3E10]  }
0x1f1: {  	v2 =	vadd.f32 v43, v2;
	v8 =	vadd.f32 v8, v12;
	v45 =	vld [tilespmem:$0x3360]  }
0x1f2: {  	v25 =	vadd.f32 v32, v25;
	v24 =	vadd.f32 v52, v24;
	v52 =	vld [tilespmem:$0x33E0]  }
0x1f3: {  	v2 =	vadd.f32 v63, v2;
	v0 =	vadd.f32 v0, v8;
	v44 =	vld [tilespmem:$0x1FFE0]  }
0x1f4: {  	v63 =	vld [tilespmem:$0x3470];
	v8 =	vadd.f32 v54, v53;
	v24 =	vadd.f32 v40, v24  }
0x1f5: {  	v12 =	vadd.f32 v48, v46;
	v2 =	vadd.f32 v62, v2;
	v62 =	vld [tilespmem:$0x3460]  }
0x1f6: {  	v43 =	vld [tilespmem:$0x34F0];
	v16 =	vadd.f32 v45, v38;
	v24 =	vadd.f32 v42, v24  }
0x1f7: {  	v8 =	vadd.f32 v55, v8;
	v12 =	vadd.f32 v56, v12;
	v42 =	vld [tilespmem:$0x34E0]  }
0x1f8: {  	v45 =	vld [tilespmem:$0x3570];
	v16 =	vadd.f32 v52, v16;
	v24 =	vadd.f32 v44, v24  }
0x1f9: {  	v8 =	vadd.f32 v57, v8;
	v12 =	vadd.f32 v63, v12;
	v44 =	vld [tilespmem:$0x3560]  }
0x1fa: {  	v24 =	vadd.f32 v47, v24;
	v47 =	vld [tilespmem:$0x35F0];
	v16 =	vadd.f32 v62, v16  }
0x1fb: {  	v21 =	vadd.f32 v49, v21;
	v46 =	vld [tilespmem:$0x35E0];
	v12 =	vadd.f32 v43, v12  }
0x1fc: {  	v49 =	vld [tilespmem:$0x3670];
	v8 =	vadd.f32 v58, v8;
	v16 =	vadd.f32 v42, v16  }
0x1fd: {  	v25 =	vadd.f32 v36, v25;
	v48 =	vld [tilespmem:$0x3660];
	v12 =	vadd.f32 v45, v12  }
0x1fe: {  	v18 =	vld [tilespmem:$0x3E50];
	v8 =	vadd.f32 v59, v8;
	v16 =	vadd.f32 v44, v16  }
0x1ff: {  	v21 =	vadd.f32 v50, v21;
	v50 =	vld [tilespmem:$0x3AE0];
	v12 =	vadd.f32 v47, v12  }
0x200: {  	v53 =	vld [tilespmem:$0x3B70];
	v8 =	vadd.f32 v60, v8;
	v16 =	vadd.f32 v46, v16  }
0x201: {  	v25 =	vadd.f32 v31, v25;
	v52 =	vld [tilespmem:$0x3B60];
	v12 =	vadd.f32 v49, v12  }
0x202: {  	v56 =	vld [tilespmem:$0x3BF0];
	v8 =	vadd.f32 v61, v8;
	v16 =	vadd.f32 v48, v16  }
0x203: {  	v54 =	vld [tilespmem:$0x3BE0];
	v60 =	vadd.f32 v23, v25;
	v12 =	vadd.f32 v51, v12  }
0x204: {  	v59 =	vld [tilespmem:$0x3C70];
	v8 =	vadd.f32 v11, v8;
	v55 =	vadd.f32 v50, v16  }
0x205: {  	[tilespmem:$0x1390] =	vst v14;
	v57 =	vld [tilespmem:$0x3C60];
	v14 =	vadd.f32 v34, v60;
	v12 =	vadd.f32 v53, v12  }
0x206: {  	v7 =	vadd.f32 v7, v8;
	v62 =	vld [tilespmem:$0x3CF0];
	v58 =	vadd.f32 v52, v55  }
0x207: {  	[tilespmem:$0x1380] =	vst v20;
	v61 =	vld [tilespmem:$0x3CE0];
	v25 =	vadd.f32 v37, v14;
	v12 =	vadd.f32 v56, v12  }
0x208: {  	[tilespmem:$0x13A0] =	vst v17;
	v23 =	vld [tilespmem:$0x3D70];
	v7 =	vadd.f32 v10, v7;
	v8 =	vadd.f32 v54, v58  }
0x209: {  	[tilespmem:$0x13D0] =	vst v1;
	v63 =	vld [tilespmem:$0x3D60];
	v1 =	vadd.f32 v19, v25;
	v11 =	vadd.f32 v59, v12  }
0x20a: {  	v28 =	vld [tilespmem:$0x3DF0];
	[tilespmem:$0x13C0] =	vst v15;
	v7 =	vadd.f32 v9, v7;
	v8 =	vadd.f32 v57, v8  }
0x20b: {  	[tilespmem:$0x13E0] =	vst v6;
	v4 =	vld [tilespmem:$0x3E40];
	v1 =	vadd.f32 v22, v1;
	v29 =	vadd.f32 v62, v11  }
0x20c: {  	[tilespmem:$0x13F0] =	vst v13;
	v32 =	vld [tilespmem:$0x3E70];
	v5 =	vadd.f32 v5, v7;
	v27 =	vadd.f32 v61, v8  }
0x20d: {  	v30 =	vld [tilespmem:$0x3E60];
	[tilespmem:$0x1420] =	vst v0;
	v1 =	vadd.f32 v18, v1;
	v33 =	vadd.f32 v23, v29  }
0x20e: {  	[tilespmem:$0x1430] =	vst v21;
	v3 =	vadd.f32 v3, v5;
	v31 =	vadd.f32 v63, v27  }
0x20f: {  	[tilespmem:$0x1410] =	vst v2;
	v2 =	vadd.f32 v28, v33  }
0x210: {  	[tilespmem:$0x1450] =	vst v1;
	v34 =	vadd.f32 v4, v3;
	v35 =	vadd.f32 v26, v31  }
0x211: {  	[tilespmem:$0x1400] =	vst v24;
	v37 =	vadd.f32 v32, v2  }
0x212: {  	[tilespmem:$0x1440] =	vst v34;
	v36 =	vadd.f32 v30, v35  }
0x213: {  	[tilespmem:$0x1470] =	vst v37  }
0x214: {  	[tilespmem:$0x1460] =	vst v36  }
0x215: {  	_ =	swait.ge [sflag:s21], $0x620  }
0x216: {  	[sflag:s21] =	ssyncset.done $0x0  }
0x217: {  	[sflag:s21] =	ssyncadd.s32 $0xFFFFF9E0  }
0x218: {  	_ =	swait.ge [sflag:s22], $0x620  }
0x219: {  	[sflag:s22] =	ssyncset.done $0x0  }
0x21a: {  	s26 =	simm.s32 $0x0;
	[sflag:s22] =	ssyncadd.s32 $0xFFFFF9E0  }
0x21b: {  	v38 =	vld [tilespmem:s26+$0x680];
	_ =	sdelay $0x4  }
0x21c: {  	v39 =	vld [tilespmem:s26+$0x0];
	_ =	sdelay $0x2  }
0x21d: {  	v0 =	vld.idx.msk [tilespmem:v38+s23+$0x0], $0xffff;
	_ =	sdelay $0x1  }
0x21e: {  	v1 =	vmul.f32 $1.442695020e+00, v39;
	_ =	sdelay $0x1  }
0x21f: {  	(erf) = vpow2.f32 v1  }
0x220: {  	(erf) = vrcp.f32 v0;
	_ =	sdelay $0x4  }
0x221: {  	v40 =	vld [tilespmem:s26+$0x690];
	_ =	sdelay $0x2  }
0x222: {  	v1 =	vpop (erf)  }
0x223: {  	v41 =	vpop (erf)  }
0x224: {  	v42 =	vld [tilespmem:s26+$0x10];
	v1 =	vmul.f32 v1, v41;
	_ =	sdelay $0x1  }
0x225: {  	[tilespmem:s26+$0xD00] =	vst v1  }
0x226: {  	v0 =	vld.idx.msk [tilespmem:v40+s23+$0x0], $0xffff;
	_ =	sdelay $0x1  }
0x227: {  	v43 =	vmul.f32 $1.442695020e+00, v42;
	_ =	sdelay $0x1  }
0x228: {  	(erf) = vpow2.f32 v43  }
0x229: {  	(erf) = vrcp.f32 v0;
	_ =	sdelay $0x4  }
0x22a: {  	v44 =	vld [tilespmem:s26+$0x6A0];
	_ =	sdelay $0x2  }
0x22b: {  	v1 =	vpop (erf)  }
0x22c: {  	v45 =	vpop (erf)  }
0x22d: {  	v46 =	vld [tilespmem:s26+$0x20];
	v1 =	vmul.f32 v1, v45;
	_ =	sdelay $0x1  }
0x22e: {  	[tilespmem:s26+$0xD10] =	vst v1  }
0x22f: {  	v0 =	vld.idx.msk [tilespmem:v44+s23+$0x0], $0xffff;
	_ =	sdelay $0x1  }
0x230: {  	v47 =	vmul.f32 $1.442695020e+00, v46;
	_ =	sdelay $0x1  }
0x231: {  	(erf) = vpow2.f32 v47  }
0x232: {  	(erf) = vrcp.f32 v0;
	_ =	sdelay $0x4  }
0x233: {  	v48 =	vld [tilespmem:s26+$0x6B0];
	_ =	sdelay $0x2  }
0x234: {  	v1 =	vpop (erf)  }
0x235: {  	v49 =	vpop (erf)  }
0x236: {  	v50 =	vld [tilespmem:s26+$0x30];
	v1 =	vmul.f32 v1, v49;
	_ =	sdelay $0x1  }
0x237: {  	[tilespmem:s26+$0xD20] =	vst v1  }
0x238: {  	v0 =	vld.idx.msk [tilespmem:v48+s23+$0x0], $0xffff;
	_ =	sdelay $0x1  }
0x239: {  	v51 =	vmul.f32 $1.442695020e+00, v50;
	_ =	sdelay $0x1  }
0x23a: {  	(erf) = vpow2.f32 v51  }
0x23b: {  	(erf) = vrcp.f32 v0;
	_ =	sdelay $0x4  }
0x23c: {  	v52 =	vld [tilespmem:s26+$0x6C0];
	_ =	sdelay $0x2  }
0x23d: {  	v1 =	vpop (erf)  }
0x23e: {  	v53 =	vpop (erf)  }
0x23f: {  	v54 =	vld [tilespmem:s26+$0x40];
	v1 =	vmul.f32 v1, v53;
	_ =	sdelay $0x1  }
0x240: {  	[tilespmem:s26+$0xD30] =	vst v1  }
0x241: {  	v0 =	vld.idx.msk [tilespmem:v52+s23+$0x0], $0xffff;
	_ =	sdelay $0x1  }
0x242: {  	v55 =	vmul.f32 $1.442695020e+00, v54;
	_ =	sdelay $0x1  }
0x243: {  	(erf) = vpow2.f32 v55  }
0x244: {  	(erf) = vrcp.f32 v0;
	_ =	sdelay $0x4  }
0x245: {  	v56 =	vld [tilespmem:s26+$0x6D0];
	_ =	sdelay $0x2  }
0x246: {  	v1 =	vpop (erf)  }
0x247: {  	v57 =	vpop (erf)  }
0x248: {  	v58 =	vld [tilespmem:s26+$0x50];
	v1 =	vmul.f32 v1, v57;
	_ =	sdelay $0x1  }
0x249: {  	[tilespmem:s26+$0xD40] =	vst v1  }
0x24a: {  	v0 =	vld.idx.msk [tilespmem:v56+s23+$0x0], $0xffff;
	_ =	sdelay $0x1  }
0x24b: {  	v59 =	vmul.f32 $1.442695020e+00, v58;
	_ =	sdelay $0x1  }
0x24c: {  	(erf) = vpow2.f32 v59  }
0x24d: {  	(erf) = vrcp.f32 v0;
	_ =	sdelay $0x4  }
0x24e: {  	v60 =	vld [tilespmem:s26+$0x6E0];
	_ =	sdelay $0x2  }
0x24f: {  	v1 =	vpop (erf)  }
0x250: {  	v61 =	vpop (erf)  }
0x251: {  	v62 =	vld [tilespmem:s26+$0x60];
	v1 =	vmul.f32 v1, v61;
	_ =	sdelay $0x1  }
0x252: {  	[tilespmem:s26+$0xD50] =	vst v1  }
0x253: {  	v0 =	vld.idx.msk [tilespmem:v60+s23+$0x0], $0xffff;
	_ =	sdelay $0x1  }
0x254: {  	v63 =	vmul.f32 $1.442695020e+00, v62;
	_ =	sdelay $0x1  }
0x255: {  	(erf) = vpow2.f32 v63  }
0x256: {  	(erf) = vrcp.f32 v0;
	_ =	sdelay $0x3  }
0x257: {  	s29 =	simm.s32 $0x70;
	s28 =	simm.s32 $0x380  }
.LBB2_4:
0x258: {  	p0 =	sne.s32 s28, $0x16C0;
	v0 =	vld [tilespmem:s29+$0x680];
	_ =	sdelay $0x2  }
0x259: {  	v1 =	vpop (erf)  }
0x25a: {  	v2 =	vpop (erf)  }
0x25b: {  	v1 =	vmul.f32 v1, v2  }
0x25c: {  	v2 =	vld [tilespmem:s29+$0x0]  }
0x25d: {  	[tilespmem:s26+$0xD60] =	vst v1;
	s26 =	smov.u32 s29  }
0x25e: {  	v0 =	vld.idx.msk [tilespmem:v0+s23+$0x0], $0xffff;
	_ =	sdelay $0x2  }
0x25f: {  	v1 =	vmul.f32 $1.442695020e+00, v2;
	_ =	sdelay $0x1  }
0x260: {  	(erf) = vpow2.f32 v1  }
0x261: {  	(erf) = vrcp.f32 v0;
	_ =	sdelay $0x4  }
0x262: {  	v0 =	vld [tilespmem:s26+$0x690];
	_ =	sdelay $0x2  }
0x263: {  	v1 =	vpop (erf)  }
0x264: {  	v2 =	vpop (erf)  }
0x265: {  	v1 =	vmul.f32 v1, v2  }
0x266: {  	v2 =	vld [tilespmem:s26+$0x10]  }
0x267: {  	[tilespmem:s26+$0xD00] =	vst v1  }
0x268: {  	v0 =	vld.idx.msk [tilespmem:v0+s23+$0x0], $0xffff;
	_ =	sdelay $0x2  }
0x269: {  	v1 =	vmul.f32 $1.442695020e+00, v2;
	_ =	sdelay $0x1  }
0x26a: {  	(erf) = vpow2.f32 v1  }
0x26b: {  	(erf) = vrcp.f32 v0;
	_ =	sdelay $0x4  }
0x26c: {  	v0 =	vld [tilespmem:s26+$0x6A0];
	_ =	sdelay $0x2  }
0x26d: {  	v1 =	vpop (erf)  }
0x26e: {  	v2 =	vpop (erf)  }
0x26f: {  	v1 =	vmul.f32 v1, v2  }
0x270: {  	v2 =	vld [tilespmem:s26+$0x20]  }
0x271: {  	[tilespmem:s26+$0xD10] =	vst v1  }
0x272: {  	v0 =	vld.idx.msk [tilespmem:v0+s23+$0x0], $0xffff;
	_ =	sdelay $0x2  }
0x273: {  	v1 =	vmul.f32 $1.442695020e+00, v2;
	_ =	sdelay $0x1  }
0x274: {  	(erf) = vpow2.f32 v1  }
0x275: {  	(erf) = vrcp.f32 v0;
	_ =	sdelay $0x4  }
0x276: {  	v0 =	vld [tilespmem:s26+$0x6B0];
	_ =	sdelay $0x2  }
0x277: {  	v1 =	vpop (erf)  }
0x278: {  	v2 =	vpop (erf)  }
0x279: {  	v1 =	vmul.f32 v1, v2  }
0x27a: {  	v2 =	vld [tilespmem:s26+$0x30]  }
0x27b: {  	[tilespmem:s26+$0xD20] =	vst v1  }
0x27c: {  	v0 =	vld.idx.msk [tilespmem:v0+s23+$0x0], $0xffff;
	_ =	sdelay $0x2  }
0x27d: {  	v1 =	vmul.f32 $1.442695020e+00, v2;
	_ =	sdelay $0x1  }
0x27e: {  	(erf) = vpow2.f32 v1  }
0x27f: {  	(erf) = vrcp.f32 v0;
	_ =	sdelay $0x4  }
0x280: {  	v0 =	vld [tilespmem:s26+$0x6C0];
	_ =	sdelay $0x2  }
0x281: {  	v1 =	vpop (erf)  }
0x282: {  	v2 =	vpop (erf)  }
0x283: {  	v1 =	vmul.f32 v1, v2  }
0x284: {  	v2 =	vld [tilespmem:s26+$0x40]  }
0x285: {  	[tilespmem:s26+$0xD30] =	vst v1  }
0x286: {  	v0 =	vld.idx.msk [tilespmem:v0+s23+$0x0], $0xffff;
	_ =	sdelay $0x2  }
0x287: {  	v1 =	vmul.f32 $1.442695020e+00, v2;
	_ =	sdelay $0x1  }
0x288: {  	(erf) = vpow2.f32 v1  }
0x289: {  	(erf) = vrcp.f32 v0;
	_ =	sdelay $0x4  }
0x28a: {  	v0 =	vld [tilespmem:s26+$0x6D0];
	_ =	sdelay $0x2  }
0x28b: {  	v1 =	vpop (erf)  }
0x28c: {  	v2 =	vpop (erf)  }
0x28d: {  	v1 =	vmul.f32 v1, v2  }
0x28e: {  	v2 =	vld [tilespmem:s26+$0x50]  }
0x28f: {  	[tilespmem:s26+$0xD40] =	vst v1  }
0x290: {  	v0 =	vld.idx.msk [tilespmem:v0+s23+$0x0], $0xffff;
	_ =	sdelay $0x2  }
0x291: {  	v1 =	vmul.f32 $1.442695020e+00, v2;
	_ =	sdelay $0x1  }
0x292: {  	(erf) = vpow2.f32 v1  }
0x293: {  	(erf) = vrcp.f32 v0;
	_ =	sdelay $0x4  }
0x294: {  	v0 =	vld [tilespmem:s26+$0x6E0];
	_ =	sdelay $0x2  }
0x295: {  	v1 =	vpop (erf)  }
0x296: {  	v2 =	vpop (erf)  }
0x297: {  	v1 =	vmul.f32 v1, v2  }
0x298: {  	v2 =	vld [tilespmem:s26+$0x60]  }
0x299: {  	[tilespmem:s26+$0xD50] =	vst v1  }
0x29a: {  	v0 =	vld.idx.msk [tilespmem:v0+s23+$0x0], $0xffff;
	_ =	sdelay $0x2  }
0x29b: {  	v1 =	vmul.f32 $1.442695020e+00, v2;
	_ =	sdelay $0x1  }
0x29c: {  	(erf) = vpow2.f32 v1  }
.Ltmp1:
0x29d: {  	(erf) = vrcp.f32 v0;
	(pc) =	sbr.rel @p0 .LBB2_4-.Ltmp1, $2  }
0x29e: {  	_ =	sdelay $0x2  }
0x29f: {  	s29 =	sshra.s32 s28, $0x2;
	s28 =	sadd.s32 $0x1C0, s28  }
0x2a0: {  	v0 =	vld [tilespmem:s29+$0x680];
	_ =	sdelay $0x2  }
0x2a1: {  	v1 =	vpop (erf)  }
0x2a2: {  	v2 =	vpop (erf)  }
0x2a3: {  	v36 =	vld [tilespmem:s29+$0x0];
	v1 =	vmul.f32 v1, v2;
	_ =	sdelay $0x1  }
0x2a4: {  	[tilespmem:s26+$0xD60] =	vst v1  }
0x2a5: {  	v0 =	vld.idx.msk [tilespmem:v0+s23+$0x0], $0xffff;
	_ =	sdelay $0x1  }
0x2a6: {  	v37 =	vmul.f32 $1.442695020e+00, v36;
	_ =	sdelay $0x1  }
0x2a7: {  	(erf) = vpow2.f32 v37  }
0x2a8: {  	(erf) = vrcp.f32 v0;
	_ =	sdelay $0x4  }
0x2a9: {  	v38 =	vld [tilespmem:s29+$0x690];
	_ =	sdelay $0x2  }
0x2aa: {  	v1 =	vpop (erf)  }
0x2ab: {  	v39 =	vpop (erf)  }
0x2ac: {  	v40 =	vld [tilespmem:s29+$0x10];
	v1 =	vmul.f32 v1, v39;
	_ =	sdelay $0x1  }
0x2ad: {  	[tilespmem:s29+$0xD00] =	vst v1  }
0x2ae: {  	v0 =	vld.idx.msk [tilespmem:v38+s23+$0x0], $0xffff;
	_ =	sdelay $0x1  }
0x2af: {  	v41 =	vmul.f32 $1.442695020e+00, v40;
	_ =	sdelay $0x1  }
0x2b0: {  	(erf) = vpow2.f32 v41  }
0x2b1: {  	(erf) = vrcp.f32 v0;
	_ =	sdelay $0x4  }
0x2b2: {  	v42 =	vld [tilespmem:s29+$0x6A0];
	_ =	sdelay $0x2  }
0x2b3: {  	v1 =	vpop (erf)  }
0x2b4: {  	v43 =	vpop (erf)  }
0x2b5: {  	v44 =	vld [tilespmem:s29+$0x20];
	v1 =	vmul.f32 v1, v43;
	_ =	sdelay $0x1  }
0x2b6: {  	[tilespmem:s29+$0xD10] =	vst v1  }
0x2b7: {  	v0 =	vld.idx.msk [tilespmem:v42+s23+$0x0], $0xffff;
	_ =	sdelay $0x1  }
0x2b8: {  	v45 =	vmul.f32 $1.442695020e+00, v44;
	_ =	sdelay $0x1  }
0x2b9: {  	(erf) = vpow2.f32 v45  }
0x2ba: {  	(erf) = vrcp.f32 v0;
	_ =	sdelay $0x4  }
0x2bb: {  	v46 =	vld [tilespmem:s29+$0x6B0];
	_ =	sdelay $0x2  }
0x2bc: {  	v1 =	vpop (erf)  }
0x2bd: {  	v47 =	vpop (erf)  }
0x2be: {  	v48 =	vld [tilespmem:s29+$0x30];
	v1 =	vmul.f32 v1, v47;
	_ =	sdelay $0x1  }
0x2bf: {  	[tilespmem:s29+$0xD20] =	vst v1  }
0x2c0: {  	v0 =	vld.idx.msk [tilespmem:v46+s23+$0x0], $0xffff;
	_ =	sdelay $0x1  }
0x2c1: {  	v49 =	vmul.f32 $1.442695020e+00, v48;
	_ =	sdelay $0x1  }
0x2c2: {  	(erf) = vpow2.f32 v49  }
0x2c3: {  	(erf) = vrcp.f32 v0;
	_ =	sdelay $0x4  }
0x2c4: {  	v50 =	vld [tilespmem:s29+$0x6C0];
	_ =	sdelay $0x2  }
0x2c5: {  	v1 =	vpop (erf)  }
0x2c6: {  	v51 =	vpop (erf)  }
0x2c7: {  	v52 =	vld [tilespmem:s29+$0x40];
	v1 =	vmul.f32 v1, v51;
	_ =	sdelay $0x1  }
0x2c8: {  	[tilespmem:s29+$0xD30] =	vst v1  }
0x2c9: {  	v0 =	vld.idx.msk [tilespmem:v50+s23+$0x0], $0xffff;
	_ =	sdelay $0x1  }
0x2ca: {  	v53 =	vmul.f32 $1.442695020e+00, v52;
	_ =	sdelay $0x1  }
0x2cb: {  	(erf) = vpow2.f32 v53  }
0x2cc: {  	(erf) = vrcp.f32 v0;
	_ =	sdelay $0x4  }
0x2cd: {  	v54 =	vld [tilespmem:s29+$0x6D0];
	_ =	sdelay $0x2  }
0x2ce: {  	v1 =	vpop (erf)  }
0x2cf: {  	v55 =	vpop (erf)  }
0x2d0: {  	v56 =	vld [tilespmem:s29+$0x50];
	v1 =	vmul.f32 v1, v55;
	_ =	sdelay $0x1  }
0x2d1: {  	[tilespmem:s29+$0xD40] =	vst v1  }
0x2d2: {  	v0 =	vld.idx.msk [tilespmem:v54+s23+$0x0], $0xffff;
	_ =	sdelay $0x1  }
0x2d3: {  	v57 =	vmul.f32 $1.442695020e+00, v56;
	_ =	sdelay $0x1  }
0x2d4: {  	(erf) = vpow2.f32 v57  }
0x2d5: {  	(erf) = vrcp.f32 v0;
	_ =	sdelay $0x4  }
0x2d6: {  	v58 =	vld [tilespmem:s29+$0x6E0];
	_ =	sdelay $0x2  }
0x2d7: {  	v1 =	vpop (erf)  }
0x2d8: {  	v59 =	vpop (erf)  }
0x2d9: {  	v60 =	vld [tilespmem:s29+$0x60];
	v1 =	vmul.f32 v1, v59;
	_ =	sdelay $0x1  }
0x2da: {  	[tilespmem:s29+$0xD50] =	vst v1  }
0x2db: {  	v0 =	vld.idx.msk [tilespmem:v58+s23+$0x0], $0xffff;
	_ =	sdelay $0x1  }
0x2dc: {  	v61 =	vmul.f32 $1.442695020e+00, v60;
	_ =	sdelay $0x1  }
0x2dd: {  	(erf) = vpow2.f32 v61  }
0x2de: {  	(erf) = vrcp.f32 v0;
	_ =	sdelay $0x7  }
0x2df: {  	v62 =	vpop (erf)  }
0x2e0: {  	v63 =	vpop (erf)  }
0x2e1: {  	s25 =	sadd.s32 $0x1, s25;
	v0 =	vmul.f32 v62, v63  }
0x2e2: {  	p0 =	sne.s32 s25, s10  }
.Ltmp2:
0x2e3: {  	[tilespmem:s29+$0xD60] =	vst v0;
	(pc) =	sbr.rel @p0 .LBB2_1-.Ltmp2, $4  }
0x2e4: {  	[hbm4b:s9+s3] =	stream.linear.scatter [tilespmem:s24], [sflag:$0x5], $0x620, $0x38;
	[tilespmem:$0x3F80] =	vst v63  }
0x2e5: {  	_ =	swait.ge [sflag:s19], $0x620  }
0x2e6: {  	[sflag:s19] =	ssyncset.done $0x0  }
0x2e7: {  	[sflag:s19] =	ssyncadd.s32 $0xFFFFF9E0  }
0x2e8: {  	_ =	sfence.sel $0x180000  }
0x2e9: {  	[bflag:$0x0] =	sbarrier.arrive $0xFFFF  }
0x2ea: {  	p0 =	sne.s32 s1, $0x0;
	_ =	strace $0x90000047  }
0x2eb: {  	s0 =	sadd.s32 @!p0 $0x100000, s0;
	[bflag:$0x2] =	sbarrier.arrive $0xFFFF  }
0x2ec: {  	[sflag:s0] =	ssyncadd.tile.s32 @!p0 $0x1;
	_ =	shalt  }
.Lfunc_end2:
_tile_overlayer_lowered:
.L_overlay_start_2:
0x2ed: {  	(tag) =	ssettag $0x2  }
0x2ee: {  	s0 =	rddreg [dreg:$0x0];
	s2 =	stileid.u32  }
0x2ef: {  	s1 =	rddreg [dreg:$0x1];
	p0 =	sne.s32 s2, $0x0  }
0x2f0: {  	s3 =	rddreg [dreg:$0x2];
	[bflag:$0x3] =	sbarrier.arrive $0xFFFF;
	s2 =	simm.s32 @!p0 $0x1C05  }
0x2f1: {  	[timem:s3], [sflag:s2] =	dma.local @!p0 [hbm:s0], s1  }
0x2f2: {  	s0 =	simm.s32 @!p0 $0x5  }
0x2f3: {  	_ =	swait.ge @!p0 [sflag:s0], s1  }
0x2f4: {  	s1 =	ssub.s32 @!p0 $0x0, s1;
	[sflag:s0] =	ssyncset.done @!p0 $0x0  }
0x2f5: {  	[sflag:s0] =	ssyncadd.s32 @!p0 s1  }
0x2f6: {  	[bflag:$0x3] =	sbarrier.arrive $0xFFFF  }
0x2f7: {  	_ =	shalt  }

</sc_bundles>
